<compile_context>
chip_gen: v7x
topology: tpu7x:2x2x1
jax: 0.10.2.dev20260603
libtpu: 0.0.44.dev20260713+nightly
codegen_flags: <defaults>
</compile_context>

<pallas_src>
import functools

import jax
import jax.numpy as jnp
from jax import lax
from jax.experimental import pallas as pl
from jax.experimental.pallas import tpu as pltpu
from jax.experimental.pallas import tpu_sc as plsc

_N = 10000
_E = 320000
_DIM = 64
_GAMMA = 1.0

_NC = 2
_NS = 16
_K = 128
_CH = 158
_EPT = _CH * _K
_EPAD = _NS * _EPT
_RPT = _N // _NS

_BN = 2000


def _pre_body(f_ref, km_ref, kv_ref, out_ref):
    f = f_ref[...]
    dn = (((1,), (0,)), ((), ()))
    m = lax.dot_general(f[:, :_DIM], km_ref[...], dn,
                        precision=lax.Precision.HIGHEST,
                        preferred_element_type=jnp.float32)
    v = lax.dot_general(f[:, _DIM:], kv_ref[...], dn,
                        precision=lax.Precision.HIGHEST,
                        preferred_element_type=jnp.float32)
    m = jnp.where(m > 0.0, m, jnp.exp(m) - 1.0)
    v = jnp.maximum(v, 0.0)
    att = jnp.exp(-_GAMMA * v)
    out_ref[0] = m * att
    out_ref[1] = v * att * att


def _post_body(agg_ref, noise_ref, out_ref):
    out_ref[...] = agg_ref[0] + jnp.sqrt(agg_ref[1] + 1e-8) * noise_ref[...]


_sc_mesh = plsc.VectorSubcoreMesh(
    core_axis_name="c", subcore_axis_name="s", num_cores=_NC, num_subcores=_NS
)


@functools.partial(
    pl.kernel,
    out_type=jax.ShapeDtypeStruct((_NC, _NS, _RPT, _DIM), jnp.float32),
    mesh=_sc_mesh,
    compiler_params=pltpu.CompilerParams(
        needs_layout_passes=False, use_tc_tiling_on_sc=False),
    scratch_types=[
        pltpu.VMEM((_CH, _K), jnp.int32),
        pltpu.VMEM((_CH, _K), jnp.int32),
        pltpu.VMEM((_EPT,), jnp.float32),
        pltpu.VMEM((_K, _DIM), jnp.float32),
        pltpu.VMEM((_K, _DIM), jnp.float32),
        pltpu.VMEM_SHARED((_N, _DIM), jnp.float32),
        pltpu.SemaphoreType.DMA,
        pltpu.SemaphoreType.DMA,
    ],
)
def _edge_kernel(x2_hbm, src_hbm, dst_hbm, w_hbm, out_hbm,
                 src_v, dst_v, w_v, ga_v, gb_v, agg_sh, gsem0, gsem1):
    c = lax.axis_index("c")
    s = lax.axis_index("s")

    pltpu.sync_copy(src_hbm.at[c, s], src_v)
    pltpu.sync_copy(dst_hbm.at[s], dst_v)
    pltpu.sync_copy(w_hbm.at[c, s], w_v)

    def zrow(e, carry):
        for q in range(_DIM // 16):
            ga_v[e, pl.ds(q * 16, 16)] = jnp.zeros((16,), jnp.float32)
        return carry

    lax.fori_loop(0, _K, zrow, 0)

    base = s * _RPT
    n_full = _RPT // _K
    rem = _RPT - n_full * _K

    def zcp(i, carry):
        pltpu.sync_copy(ga_v, agg_sh.at[pl.ds(base + i * _K, _K)])
        return carry

    lax.fori_loop(0, n_full, zcp, 0)
    if rem:
        pltpu.sync_copy(ga_v.at[pl.ds(0, rem)],
                        agg_sh.at[pl.ds(base + n_full * _K, rem)])
    plsc.subcore_barrier()

    def scale(gbuf, j):
        wbase = j * _K

        def group(g, c2):
            for e in range(16):
                eidx = g * 16 + e
                wb = plsc.load_gather(
                    w_v, [jnp.full((16,), wbase + eidx, jnp.int32)])
                for q in range(_DIM // 16):
                    sl = pl.ds(q * 16, 16)
                    gbuf[eidx, sl] = gbuf[eidx, sl] * wb
            return c2

        lax.fori_loop(0, _K // 16, group, 0)

    pltpu.async_copy(x2_hbm.at[src_v.at[0]], ga_v, gsem0)
    pltpu.async_copy(x2_hbm.at[src_v.at[1]], gb_v, gsem1)

    bufs = ((ga_v, gsem0), (gb_v, gsem1))

    def pair(i, carry):
        j0 = 2 * i
        for b, (gbuf, gsem) in enumerate(bufs):
            j = j0 + b
            pltpu.make_async_copy(x2_hbm.at[src_v.at[j]], gbuf, gsem).wait()
            scale(gbuf, j)
            pltpu.sync_copy(gbuf, agg_sh.at[dst_v.at[j]], add=True)
            @pl.when(j + 2 < _CH)
            def _refill():
                pltpu.async_copy(x2_hbm.at[src_v.at[j + 2]], gbuf, gsem)
        return carry

    lax.fori_loop(0, _CH // 2, pair, 0)
    plsc.subcore_barrier()

    pltpu.sync_copy(agg_sh.at[pl.ds(base, _RPT)], out_hbm.at[c, s])


def kernel(features, edge_index, adj0_weight, adj1_weight,
           kernel_mean, kernel_var, noise):
    x2 = pl.pallas_call(
        _pre_body,
        grid=(_N // _BN,),
        in_specs=[
            pl.BlockSpec((_BN, 2 * _DIM), lambda i: (i, 0)),
            pl.BlockSpec((_DIM, _DIM), lambda i: (0, 0)),
            pl.BlockSpec((_DIM, _DIM), lambda i: (0, 0)),
        ],
        out_specs=pl.BlockSpec((2, _BN, _DIM), lambda i: (0, i, 0)),
        out_shape=jax.ShapeDtypeStruct((2, _N, _DIM), jnp.float32),
    )(features, kernel_mean, kernel_var)
    x2f = x2.reshape(2 * _N, _DIM)

    dst = edge_index[0]
    src = edge_index[1]
    pad = _EPAD - _E
    srcp = jnp.pad(src, (0, pad)).reshape(_NS, _CH, _K)
    dstp = jnp.pad(dst, (0, pad)).reshape(_NS, _CH, _K)
    src2 = srcp[None] + (jnp.arange(_NC, dtype=jnp.int32) * _N)[:, None, None, None]
    w2 = jnp.stack([
        jnp.pad(adj0_weight, (0, pad)),
        jnp.pad(adj1_weight, (0, pad)),
    ]).reshape(_NC, _NS, _EPT)

    agg = _edge_kernel(x2f, src2, dstp, w2).reshape(_NC, _N, _DIM)

    out = pl.pallas_call(
        _post_body,
        grid=(_N // _BN,),
        in_specs=[
            pl.BlockSpec((2, _BN, _DIM), lambda i: (0, i, 0)),
            pl.BlockSpec((_BN, _DIM), lambda i: (i, 0)),
        ],
        out_specs=pl.BlockSpec((_BN, _DIM), lambda i: (i, 0)),
        out_shape=jax.ShapeDtypeStruct((_N, _DIM), jnp.float32),
    )(agg, noise)
    return out

# --- scband reference (transcript-rebuilt; emitter-appended) ---
"""Pipeline reference for scband-gaussion-convolution-d-49838800503665 (READ-ONLY COPY).

The authoritative reference and input builder live on the scoring server;
editing this copy changes nothing except your own understanding.
"""

import jax, jax.numpy as jnp
import numpy as np

N = 10000
E = 320000
DIM = 64
UNITS = 64
GAMMA = 1.0


def setup_inputs(seed: int = 0) -> dict:
    key = jax.random.key(seed)
    k1, k2, k3, k4, k5, k6, k7 = jax.random.split(key, 7)
    features = jax.random.normal(k1, (N, 2 * DIM), dtype=jnp.float32)
    edge_index = jax.random.randint(k2, (2, E), 0, N, dtype=jnp.int32)
    adj0_weight = jax.random.uniform(k3, (E,), dtype=jnp.float32)
    adj1_weight = jax.random.uniform(k4, (E,), dtype=jnp.float32)
    # learned parameters (glorot-ish scale)
    kernel_mean = jax.random.normal(k5, (DIM, UNITS), dtype=jnp.float32) * (1.0 / np.sqrt(DIM))
    kernel_var = jax.random.normal(k6, (DIM, UNITS), dtype=jnp.float32) * (1.0 / np.sqrt(DIM))
    # reparameterization noise (tf.random.normal in original call), materialized for determinism
    noise = jax.random.normal(k7, (N, UNITS), dtype=jnp.float32)
    return {
        "features": features,
        "edge_index": edge_index,
        "adj0_weight": adj0_weight,
        "adj1_weight": adj1_weight,
        "kernel_mean": kernel_mean,
        "kernel_var": kernel_var,
        "noise": noise,
    }


def reference(features, edge_index, adj0_weight, adj1_weight, kernel_mean, kernel_var, noise):
    # split distribution features into mean / var halves
    mean = features[:, :DIM]
    var = features[:, DIM:]
    mean = jax.nn.elu(mean @ kernel_mean)
    var = jax.nn.relu(var @ kernel_var)
    attention = jnp.exp(-GAMMA * var)
    dst = edge_index[0]
    src = edge_index[1]
    # adj0 @ (mean * attention)  -- sparse-dense matmul as gather + scatter-add
    msg_mean = (mean * attention)[src] * adj0_weight[:, None]
    mean_agg = jax.ops.segment_sum(msg_mean, dst, num_segments=N)
    # adj1 @ (var * attention^2)
    msg_var = (var * attention * attention)[src] * adj1_weight[:, None]
    var_agg = jax.ops.segment_sum(msg_var, dst, num_segments=N)
    # reparameterization sample; activation is identity (None)
    output = mean_agg + jnp.sqrt(var_agg + 1e-08) * noise
    return output

if __name__ == "__main__":
    import jax
    _d = setup_inputs()
    print(jax.jit(kernel)(*tuple(_d.values())))

</pallas_src>

<mosaic_0001>
#map = affine_map<(d0, d1) -> (0, 0)>
#map1 = affine_map<(d0, d1) -> (0, 0, 0, 0)>
#map2 = affine_map<(d0, d1) -> (0, 0, 0)>
module attributes {stable_mosaic.version = 14 : i64} {
  func.func @_edge_kernel(%arg0: i32, %arg1: i32, %arg2: memref<20000x64xf32, #tpu.memory_space<hbm>>, %arg3: memref<2x16x158x128xi32, #tpu.memory_space<hbm>>, %arg4: memref<16x158x128xi32, #tpu.memory_space<hbm>>, %arg5: memref<2x16x20224xf32, #tpu.memory_space<hbm>>, %arg6: memref<2x16x625x64xf32, #tpu.memory_space<hbm>>, %arg7: memref<158x128xi32, #tpu.memory_space<vmem>>, %arg8: memref<158x128xi32, #tpu.memory_space<vmem>>, %arg9: memref<20224xf32, #tpu.memory_space<vmem>>, %arg10: memref<128x64xf32, #tpu.memory_space<vmem>>, %arg11: memref<128x64xf32, #tpu.memory_space<vmem>>, %arg12: memref<10000x64xf32, #tpu.memory_space<vmem_shared>>, %arg13: memref<!tpu.dma_semaphore, #tpu.memory_space<semaphore_mem>>, %arg14: memref<!tpu.dma_semaphore, #tpu.memory_space<semaphore_mem>>) attributes {dimension_semantics = [#tpu.dimension_semantics<core_parallel>, #tpu.dimension_semantics<subcore_parallel>], iteration_bounds = array<i64: 2, 16>, scalar_prefetch = 0 : i64, scratch_operands = 8 : i64, tpu.core_type = #tpu.core_type<sc_vector_subcore>, window_params = [{transform_indices = #map}, {transform_indices = #map1}, {transform_indices = #map2}, {transform_indices = #map2}, {transform_indices = #map1}]} {
    "tpu.region"() ({
      %run_scoped3A = tpu.sem_alloc : memref<!tpu.dma_semaphore, #tpu.memory_space<semaphore_mem>>
      %dma_start3A_33 = arith.constant 0 : i32
      %dma_start3A_34 = arith.constant 0 : i32
      %dma_start3A_35 = tpu.memref_slice %arg3[%arg0, %arg1, %dma_start3A_33, %dma_start3A_34] : memref<2x16x158x128xi32, #tpu.memory_space<hbm>> -> memref<1x1x158x128xi32, #tpu.memory_space<hbm>>
      %dma_start3A_36 = tpu.memref_squeeze %dma_start3A_35 : memref<1x1x158x128xi32, #tpu.memory_space<hbm>> -> memref<158x128xi32, #tpu.memory_space<hbm>>
      %dma_start3A_37 = arith.constant 0 : i32
      %dma_start3A_38 = arith.constant 0 : i32
      %dma_start3A_39 = tpu.memref_slice %arg3[%arg0, %arg1, %dma_start3A_37, %dma_start3A_38] : memref<2x16x158x128xi32, #tpu.memory_space<hbm>> -> memref<1x1x158x128xi32, #tpu.memory_space<hbm>>
      %dma_start3A_40 = tpu.memref_squeeze %dma_start3A_39 : memref<1x1x158x128xi32, #tpu.memory_space<hbm>> -> memref<158x128xi32, #tpu.memory_space<hbm>>
      tpu.enqueue_dma source(%dma_start3A_40 : memref<158x128xi32, #tpu.memory_space<hbm>>) target(%arg7 : memref<158x128xi32, #tpu.memory_space<vmem>>) target_semaphore(%run_scoped3A : memref<!tpu.dma_semaphore, #tpu.memory_space<semaphore_mem>>)
      %dma_wait3A = arith.constant 0 : i32
      %dma_wait3A_41 = arith.constant 0 : i32
      %dma_wait3A_42 = tpu.memref_slice %arg3[%arg0, %arg1, %dma_wait3A, %dma_wait3A_41] : memref<2x16x158x128xi32, #tpu.memory_space<hbm>> -> memref<1x1x158x128xi32, #tpu.memory_space<hbm>>
      %dma_wait3A_43 = tpu.memref_squeeze %dma_wait3A_42 : memref<1x1x158x128xi32, #tpu.memory_space<hbm>> -> memref<158x128xi32, #tpu.memory_space<hbm>>
      %dma_wait3A_44 = arith.constant 0 : i32
      %dma_wait3A_45 = arith.constant 0 : i32
      %dma_wait3A_46 = tpu.memref_slice %arg3[%arg0, %arg1, %dma_wait3A_44, %dma_wait3A_45] : memref<2x16x158x128xi32, #tpu.memory_space<hbm>> -> memref<1x1x158x128xi32, #tpu.memory_space<hbm>>
      %dma_wait3A_47 = tpu.memref_squeeze %dma_wait3A_46 : memref<1x1x158x128xi32, #tpu.memory_space<hbm>> -> memref<158x128xi32, #tpu.memory_space<hbm>>
      tpu.wait_dma2 semaphore(%run_scoped3A : memref<!tpu.dma_semaphore, #tpu.memory_space<semaphore_mem>>) src(%dma_wait3A_47 : memref<158x128xi32, #tpu.memory_space<hbm>>) dst(%arg7 : memref<158x128xi32, #tpu.memory_space<vmem>>)
      tpu.yield
    }) : () -> ()
    "tpu.region"() ({
      %run_scoped3A = tpu.sem_alloc : memref<!tpu.dma_semaphore, #tpu.memory_space<semaphore_mem>>
      %dma_start3A_33 = arith.constant 0 : i32
      %dma_start3A_34 = arith.constant 0 : i32
      %dma_start3A_35 = tpu.memref_slice %arg4[%arg1, %dma_start3A_33, %dma_start3A_34] : memref<16x158x128xi32, #tpu.memory_space<hbm>> -> memref<1x158x128xi32, #tpu.memory_space<hbm>>
      %dma_start3A_36 = tpu.memref_squeeze %dma_start3A_35 : memref<1x158x128xi32, #tpu.memory_space<hbm>> -> memref<158x128xi32, #tpu.memory_space<hbm>>
      %dma_start3A_37 = arith.constant 0 : i32
      %dma_start3A_38 = arith.constant 0 : i32
      %dma_start3A_39 = tpu.memref_slice %arg4[%arg1, %dma_start3A_37, %dma_start3A_38] : memref<16x158x128xi32, #tpu.memory_space<hbm>> -> memref<1x158x128xi32, #tpu.memory_space<hbm>>
      %dma_start3A_40 = tpu.memref_squeeze %dma_start3A_39 : memref<1x158x128xi32, #tpu.memory_space<hbm>> -> memref<158x128xi32, #tpu.memory_space<hbm>>
      tpu.enqueue_dma source(%dma_start3A_40 : memref<158x128xi32, #tpu.memory_space<hbm>>) target(%arg8 : memref<158x128xi32, #tpu.memory_space<vmem>>) target_semaphore(%run_scoped3A : memref<!tpu.dma_semaphore, #tpu.memory_space<semaphore_mem>>)
      %dma_wait3A = arith.constant 0 : i32
      %dma_wait3A_41 = arith.constant 0 : i32
      %dma_wait3A_42 = tpu.memref_slice %arg4[%arg1, %dma_wait3A, %dma_wait3A_41] : memref<16x158x128xi32, #tpu.memory_space<hbm>> -> memref<1x158x128xi32, #tpu.memory_space<hbm>>
      %dma_wait3A_43 = tpu.memref_squeeze %dma_wait3A_42 : memref<1x158x128xi32, #tpu.memory_space<hbm>> -> memref<158x128xi32, #tpu.memory_space<hbm>>
      %dma_wait3A_44 = arith.constant 0 : i32
      %dma_wait3A_45 = arith.constant 0 : i32
      %dma_wait3A_46 = tpu.memref_slice %arg4[%arg1, %dma_wait3A_44, %dma_wait3A_45] : memref<16x158x128xi32, #tpu.memory_space<hbm>> -> memref<1x158x128xi32, #tpu.memory_space<hbm>>
      %dma_wait3A_47 = tpu.memref_squeeze %dma_wait3A_46 : memref<1x158x128xi32, #tpu.memory_space<hbm>> -> memref<158x128xi32, #tpu.memory_space<hbm>>
      tpu.wait_dma2 semaphore(%run_scoped3A : memref<!tpu.dma_semaphore, #tpu.memory_space<semaphore_mem>>) src(%dma_wait3A_47 : memref<158x128xi32, #tpu.memory_space<hbm>>) dst(%arg8 : memref<158x128xi32, #tpu.memory_space<vmem>>)
      tpu.yield
    }) : () -> ()
    "tpu.region"() ({
      %run_scoped3A = tpu.sem_alloc : memref<!tpu.dma_semaphore, #tpu.memory_space<semaphore_mem>>
      %dma_start3A_33 = arith.constant 0 : i32
      %dma_start3A_34 = tpu.memref_slice %arg5[%arg0, %arg1, %dma_start3A_33] : memref<2x16x20224xf32, #tpu.memory_space<hbm>> -> memref<1x1x20224xf32, #tpu.memory_space<hbm>>
      %dma_start3A_35 = tpu.memref_squeeze %dma_start3A_34 : memref<1x1x20224xf32, #tpu.memory_space<hbm>> -> memref<20224xf32, #tpu.memory_space<hbm>>
      %dma_start3A_36 = arith.constant 0 : i32
      %dma_start3A_37 = tpu.memref_slice %arg5[%arg0, %arg1, %dma_start3A_36] : memref<2x16x20224xf32, #tpu.memory_space<hbm>> -> memref<1x1x20224xf32, #tpu.memory_space<hbm>>
      %dma_start3A_38 = tpu.memref_squeeze %dma_start3A_37 : memref<1x1x20224xf32, #tpu.memory_space<hbm>> -> memref<20224xf32, #tpu.memory_space<hbm>>
      tpu.enqueue_dma source(%dma_start3A_38 : memref<20224xf32, #tpu.memory_space<hbm>>) target(%arg9 : memref<20224xf32, #tpu.memory_space<vmem>>) target_semaphore(%run_scoped3A : memref<!tpu.dma_semaphore, #tpu.memory_space<semaphore_mem>>)
      %dma_wait3A = arith.constant 0 : i32
      %dma_wait3A_39 = tpu.memref_slice %arg5[%arg0, %arg1, %dma_wait3A] : memref<2x16x20224xf32, #tpu.memory_space<hbm>> -> memref<1x1x20224xf32, #tpu.memory_space<hbm>>
      %dma_wait3A_40 = tpu.memref_squeeze %dma_wait3A_39 : memref<1x1x20224xf32, #tpu.memory_space<hbm>> -> memref<20224xf32, #tpu.memory_space<hbm>>
      %dma_wait3A_41 = arith.constant 0 : i32
      %dma_wait3A_42 = tpu.memref_slice %arg5[%arg0, %arg1, %dma_wait3A_41] : memref<2x16x20224xf32, #tpu.memory_space<hbm>> -> memref<1x1x20224xf32, #tpu.memory_space<hbm>>
      %dma_wait3A_43 = tpu.memref_squeeze %dma_wait3A_42 : memref<1x1x20224xf32, #tpu.memory_space<hbm>> -> memref<20224xf32, #tpu.memory_space<hbm>>
      tpu.wait_dma2 semaphore(%run_scoped3A : memref<!tpu.dma_semaphore, #tpu.memory_space<semaphore_mem>>) src(%dma_wait3A_43 : memref<20224xf32, #tpu.memory_space<hbm>>) dst(%arg9 : memref<20224xf32, #tpu.memory_space<vmem>>)
      tpu.yield
    }) : () -> ()
    %scan3A = arith.constant 0 : i32
    %scan3A_0 = arith.constant 0 : i32
    %scan3A_1 = arith.constant 128 : i32
    %scan3A_2 = arith.addi %scan3A_0, %scan3A_1 : i32
    %scan3A_3 = arith.constant 1 : i32
    scf.for %scan3A_33 = %scan3A_0 to %scan3A_2 step %scan3A_3  : i32 {
      %broadcast_in_dim3A = arith.constant 0.000000e+00 : f32
      %broadcast_in_dim3A_34 = vector.broadcast %broadcast_in_dim3A : f32 to vector<16xf32>
      %swap3A = arith.index_cast %scan3A_33 : i32 to index
      %swap3A_35 = arith.constant 0 : index
      %swap3A_36 = tpu.vector_load %arg10[%swap3A, %swap3A_35] {strides = array<i32>} : memref<128x64xf32, #tpu.memory_space<vmem>>, vector<16xf32>,
      tpu.vector_store %arg10[%swap3A, %swap3A_35], %broadcast_in_dim3A_34 {strides = array<i32>} : memref<128x64xf32, #tpu.memory_space<vmem>>, vector<16xf32>,
      %broadcast_in_dim3A_37 = arith.constant 0.000000e+00 : f32
      %broadcast_in_dim3A_38 = vector.broadcast %broadcast_in_dim3A_37 : f32 to vector<16xf32>
      %swap3A_39 = arith.index_cast %scan3A_33 : i32 to index
      %swap3A_40 = arith.constant 16 : index
      %swap3A_41 = tpu.vector_load %arg10[%swap3A_39, %swap3A_40] {strides = array<i32>} : memref<128x64xf32, #tpu.memory_space<vmem>>, vector<16xf32>,
      tpu.vector_store %arg10[%swap3A_39, %swap3A_40], %broadcast_in_dim3A_38 {strides = array<i32>} : memref<128x64xf32, #tpu.memory_space<vmem>>, vector<16xf32>,
      %broadcast_in_dim3A_42 = arith.constant 0.000000e+00 : f32
      %broadcast_in_dim3A_43 = vector.broadcast %broadcast_in_dim3A_42 : f32 to vector<16xf32>
      %swap3A_44 = arith.index_cast %scan3A_33 : i32 to index
      %swap3A_45 = arith.constant 32 : index
      %swap3A_46 = tpu.vector_load %arg10[%swap3A_44, %swap3A_45] {strides = array<i32>} : memref<128x64xf32, #tpu.memory_space<vmem>>, vector<16xf32>,
      tpu.vector_store %arg10[%swap3A_44, %swap3A_45], %broadcast_in_dim3A_43 {strides = array<i32>} : memref<128x64xf32, #tpu.memory_space<vmem>>, vector<16xf32>,
      %broadcast_in_dim3A_47 = arith.constant 0.000000e+00 : f32
      %broadcast_in_dim3A_48 = vector.broadcast %broadcast_in_dim3A_47 : f32 to vector<16xf32>
      %swap3A_49 = arith.index_cast %scan3A_33 : i32 to index
      %swap3A_50 = arith.constant 48 : index
      %swap3A_51 = tpu.vector_load %arg10[%swap3A_49, %swap3A_50] {strides = array<i32>} : memref<128x64xf32, #tpu.memory_space<vmem>>, vector<16xf32>,
      tpu.vector_store %arg10[%swap3A_49, %swap3A_50], %broadcast_in_dim3A_48 {strides = array<i32>} : memref<128x64xf32, #tpu.memory_space<vmem>>, vector<16xf32>,
    }
    %scan3A_4 = arith.constant 128 : i32
    %mul3A = arith.constant 625 : i32
    %mul3A_5 = arith.muli %arg1, %mul3A : i32
    %scan3A_6 = arith.constant 0 : i32
    %scan3A_7 = arith.constant 0 : i32
    %scan3A_8 = arith.constant 4 : i32
    %scan3A_9 = arith.addi %scan3A_7, %scan3A_8 : i32
    %scan3A_10 = arith.constant 1 : i32
    scf.for %scan3A_33 = %scan3A_7 to %scan3A_9 step %scan3A_10  : i32 {
      %mul3A_34 = arith.constant 128 : i32
      %mul3A_35 = arith.muli %scan3A_33, %mul3A_34 : i32
      %add3A_36 = arith.addi %mul3A_5, %mul3A_35 : i32
      "tpu.region"() ({
        %run_scoped3A = tpu.sem_alloc : memref<!tpu.dma_semaphore, #tpu.memory_space<semaphore_mem>>
        %dma_start3A_37 = arith.constant 0 : i32
        %dma_start3A_38 = tpu.memref_slice %arg12[%add3A_36, %dma_start3A_37] : memref<10000x64xf32, #tpu.memory_space<vmem_shared>> -> memref<128x64xf32, #tpu.memory_space<vmem_shared>>
        %dma_start3A_39 = arith.constant 0 : i32
        %dma_start3A_40 = tpu.memref_slice %arg12[%add3A_36, %dma_start3A_39] : memref<10000x64xf32, #tpu.memory_space<vmem_shared>> -> memref<128x64xf32, #tpu.memory_space<vmem_shared>>
        tpu.enqueue_dma source(%arg10 : memref<128x64xf32, #tpu.memory_space<vmem>>) target(%dma_start3A_40 : memref<128x64xf32, #tpu.memory_space<vmem_shared>>) target_semaphore(%run_scoped3A : memref<!tpu.dma_semaphore, #tpu.memory_space<semaphore_mem>>)
        %dma_wait3A = arith.constant 0 : i32
        %dma_wait3A_41 = tpu.memref_slice %arg12[%add3A_36, %dma_wait3A] : memref<10000x64xf32, #tpu.memory_space<vmem_shared>> -> memref<128x64xf32, #tpu.memory_space<vmem_shared>>
        %dma_wait3A_42 = arith.constant 0 : i32
        %dma_wait3A_43 = tpu.memref_slice %arg12[%add3A_36, %dma_wait3A_42] : memref<10000x64xf32, #tpu.memory_space<vmem_shared>> -> memref<128x64xf32, #tpu.memory_space<vmem_shared>>
        tpu.wait_dma2 semaphore(%run_scoped3A : memref<!tpu.dma_semaphore, #tpu.memory_space<semaphore_mem>>) src(%arg10 : memref<128x64xf32, #tpu.memory_space<vmem>>) dst(%dma_wait3A_43 : memref<128x64xf32, #tpu.memory_space<vmem_shared>>)
        tpu.yield
      }) : () -> ()
    }
    %scan3A_11 = arith.constant 4 : i32
    %add3A = arith.constant 512 : i32
    %add3A_12 = arith.addi %mul3A_5, %add3A : i32
    "tpu.region"() ({
      %run_scoped3A = tpu.sem_alloc : memref<!tpu.dma_semaphore, #tpu.memory_space<semaphore_mem>>
      %dma_start3A_33 = arith.constant 0 : i32
      %dma_start3A_34 = arith.constant 0 : i32
      %dma_start3A_35 = tpu.memref_slice %arg10[%dma_start3A_33, %dma_start3A_34] : memref<128x64xf32, #tpu.memory_space<vmem>> -> memref<113x64xf32, #tpu.memory_space<vmem>>
      %dma_start3A_36 = arith.constant 0 : i32
      %dma_start3A_37 = tpu.memref_slice %arg12[%add3A_12, %dma_start3A_36] : memref<10000x64xf32, #tpu.memory_space<vmem_shared>> -> memref<113x64xf32, #tpu.memory_space<vmem_shared>>
      %dma_start3A_38 = arith.constant 0 : i32
      %dma_start3A_39 = tpu.memref_slice %arg12[%add3A_12, %dma_start3A_38] : memref<10000x64xf32, #tpu.memory_space<vmem_shared>> -> memref<113x64xf32, #tpu.memory_space<vmem_shared>>
      %dma_start3A_40 = arith.constant 0 : i32
      %dma_start3A_41 = arith.constant 0 : i32
      %dma_start3A_42 = tpu.memref_slice %arg10[%dma_start3A_40, %dma_start3A_41] : memref<128x64xf32, #tpu.memory_space<vmem>> -> memref<113x64xf32, #tpu.memory_space<vmem>>
      tpu.enqueue_dma source(%dma_start3A_42 : memref<113x64xf32, #tpu.memory_space<vmem>>) target(%dma_start3A_39 : memref<113x64xf32, #tpu.memory_space<vmem_shared>>) target_semaphore(%run_scoped3A : memref<!tpu.dma_semaphore, #tpu.memory_space<semaphore_mem>>)
      %dma_wait3A = arith.constant 0 : i32
      %dma_wait3A_43 = arith.constant 0 : i32
      %dma_wait3A_44 = tpu.memref_slice %arg10[%dma_wait3A, %dma_wait3A_43] : memref<128x64xf32, #tpu.memory_space<vmem>> -> memref<113x64xf32, #tpu.memory_space<vmem>>
      %dma_wait3A_45 = arith.constant 0 : i32
      %dma_wait3A_46 = tpu.memref_slice %arg12[%add3A_12, %dma_wait3A_45] : memref<10000x64xf32, #tpu.memory_space<vmem_shared>> -> memref<113x64xf32, #tpu.memory_space<vmem_shared>>
      %dma_wait3A_47 = arith.constant 0 : i32
      %dma_wait3A_48 = tpu.memref_slice %arg12[%add3A_12, %dma_wait3A_47] : memref<10000x64xf32, #tpu.memory_space<vmem_shared>> -> memref<113x64xf32, #tpu.memory_space<vmem_shared>>
      %dma_wait3A_49 = arith.constant 0 : i32
      %dma_wait3A_50 = arith.constant 0 : i32
      %dma_wait3A_51 = tpu.memref_slice %arg10[%dma_wait3A_49, %dma_wait3A_50] : memref<128x64xf32, #tpu.memory_space<vmem>> -> memref<113x64xf32, #tpu.memory_space<vmem>>
      tpu.wait_dma2 semaphore(%run_scoped3A : memref<!tpu.dma_semaphore, #tpu.memory_space<semaphore_mem>>) src(%dma_wait3A_51 : memref<113x64xf32, #tpu.memory_space<vmem>>) dst(%dma_wait3A_48 : memref<113x64xf32, #tpu.memory_space<vmem_shared>>)
      tpu.yield
    }) : () -> ()
    %barrier3A = arith.constant 0 : index
    tpu.barrier barrier_id(%barrier3A)
    %dma_start3A = arith.constant 0 : i32
    %dma_start3A_13 = arith.constant 0 : i32
    %dma_start3A_14 = tpu.memref_slice %arg7[%dma_start3A, %dma_start3A_13] : memref<158x128xi32, #tpu.memory_space<vmem>> -> memref<1x128xi32, #tpu.memory_space<vmem>>
    %dma_start3A_15 = tpu.memref_squeeze %dma_start3A_14 : memref<1x128xi32, #tpu.memory_space<vmem>> -> memref<128xi32, #tpu.memory_space<vmem>>
    %dma_start3A_16 = arith.constant 0 : i32
    %dma_start3A_17 = arith.constant 0 : i32
    %dma_start3A_18 = tpu.memref_slice %arg2[%dma_start3A_16, %dma_start3A_17] : memref<20000x64xf32, #tpu.memory_space<hbm>> -> memref<20000x64xf32, #tpu.memory_space<hbm>>
    tpu.enqueue_indirect_dma source(%dma_start3A_18 : memref<20000x64xf32, #tpu.memory_space<hbm>>) target(%arg10 : memref<128x64xf32, #tpu.memory_space<vmem>>) offsets(%dma_start3A_15 : memref<128xi32, #tpu.memory_space<vmem>>) semaphore(%arg13 : memref<!tpu.dma_semaphore, #tpu.memory_space<semaphore_mem>>)
    %dma_start3A_19 = arith.constant 1 : i32
    %dma_start3A_20 = arith.constant 0 : i32
    %dma_start3A_21 = tpu.memref_slice %arg7[%dma_start3A_19, %dma_start3A_20] : memref<158x128xi32, #tpu.memory_space<vmem>> -> memref<1x128xi32, #tpu.memory_space<vmem>>
    %dma_start3A_22 = tpu.memref_squeeze %dma_start3A_21 : memref<1x128xi32, #tpu.memory_space<vmem>> -> memref<128xi32, #tpu.memory_space<vmem>>
    %dma_start3A_23 = arith.constant 0 : i32
    %dma_start3A_24 = arith.constant 0 : i32
    %dma_start3A_25 = tpu.memref_slice %arg2[%dma_start3A_23, %dma_start3A_24] : memref<20000x64xf32, #tpu.memory_space<hbm>> -> memref<20000x64xf32, #tpu.memory_space<hbm>>
    tpu.enqueue_indirect_dma source(%dma_start3A_25 : memref<20000x64xf32, #tpu.memory_space<hbm>>) target(%arg11 : memref<128x64xf32, #tpu.memory_space<vmem>>) offsets(%dma_start3A_22 : memref<128xi32, #tpu.memory_space<vmem>>) semaphore(%arg14 : memref<!tpu.dma_semaphore, #tpu.memory_space<semaphore_mem>>)
    %scan3A_26 = arith.constant 0 : i32
    %scan3A_27 = arith.constant 0 : i32
    %scan3A_28 = arith.constant 79 : i32
    %scan3A_29 = arith.addi %scan3A_27, %scan3A_28 : i32
    %scan3A_30 = arith.constant 1 : i32
    scf.for %scan3A_33 = %scan3A_27 to %scan3A_29 step %scan3A_30  : i32 {
      %mul3A_34 = arith.constant 2 : i32
      %mul3A_35 = arith.muli %mul3A_34, %scan3A_33 : i32
      %add3A_36 = arith.constant 0 : i32
      %add3A_37 = arith.addi %mul3A_35, %add3A_36 : i32
      %dma_wait3A = arith.constant 0 : i32
      %dma_wait3A_38 = tpu.memref_slice %arg7[%add3A_37, %dma_wait3A] : memref<158x128xi32, #tpu.memory_space<vmem>> -> memref<1x128xi32, #tpu.memory_space<vmem>>
      %dma_wait3A_39 = tpu.memref_squeeze %dma_wait3A_38 : memref<1x128xi32, #tpu.memory_space<vmem>> -> memref<128xi32, #tpu.memory_space<vmem>>
      %dma_wait3A_40 = arith.constant 0 : i32
      %dma_wait3A_41 = arith.constant 0 : i32
      %dma_wait3A_42 = tpu.memref_slice %arg2[%dma_wait3A_40, %dma_wait3A_41] : memref<20000x64xf32, #tpu.memory_space<hbm>> -> memref<20000x64xf32, #tpu.memory_space<hbm>>
      tpu.wait_indirect_dma semaphore(%arg13 : memref<!tpu.dma_semaphore, #tpu.memory_space<semaphore_mem>>) src(%dma_wait3A_42 : memref<20000x64xf32, #tpu.memory_space<hbm>>) dst(%arg10 : memref<128x64xf32, #tpu.memory_space<vmem>>)
      %mul3A_43 = arith.constant 128 : i32
      %mul3A_44 = arith.muli %add3A_37, %mul3A_43 : i32
      %scan3A_45 = arith.constant 0 : i32
      %scan3A_46 = arith.constant 0 : i32
      %scan3A_47 = arith.constant 8 : i32
      %scan3A_48 = arith.addi %scan3A_46, %scan3A_47 : i32
      %scan3A_49 = arith.constant 1 : i32
      scf.for %scan3A_78 = %scan3A_46 to %scan3A_48 step %scan3A_49  : i32 {
        %mul3A_79 = arith.constant 16 : i32
        %mul3A_80 = arith.muli %scan3A_78, %mul3A_79 : i32
        %add3A_81 = arith.constant 0 : i32
        %add3A_82 = arith.addi %mul3A_80, %add3A_81 : i32
        %add3A_83 = arith.addi %mul3A_44, %add3A_82 : i32
        %broadcast_in_dim3A = vector.broadcast %add3A_83 : i32 to vector<16xi32>
        %gather3A = tpu.vector_load_idx %arg9[%broadcast_in_dim3A] : memref<20224xf32, #tpu.memory_space<vmem>>[vector<16xi32>], vector<16xf32>,
        %get3A = arith.index_cast %add3A_82 : i32 to index
        %get3A_84 = arith.constant 0 : index
        %get3A_85 = tpu.vector_load %arg10[%get3A, %get3A_84] {strides = array<i32>} : memref<128x64xf32, #tpu.memory_space<vmem>>, vector<16xf32>,
        %mul3A_86 = arith.mulf %get3A_85, %gather3A : vector<16xf32>
        %swap3A = arith.index_cast %add3A_82 : i32 to index
        %swap3A_87 = arith.constant 0 : index
        %swap3A_88 = tpu.vector_load %arg10[%swap3A, %swap3A_87] {strides = array<i32>} : memref<128x64xf32, #tpu.memory_space<vmem>>, vector<16xf32>,
        tpu.vector_store %arg10[%swap3A, %swap3A_87], %mul3A_86 {strides = array<i32>} : memref<128x64xf32, #tpu.memory_space<vmem>>, vector<16xf32>,
        %get3A_89 = arith.index_cast %add3A_82 : i32 to index
        %get3A_90 = arith.constant 16 : index
        %get3A_91 = tpu.vector_load %arg10[%get3A_89, %get3A_90] {strides = array<i32>} : memref<128x64xf32, #tpu.memory_space<vmem>>, vector<16xf32>,
        %mul3A_92 = arith.mulf %get3A_91, %gather3A : vector<16xf32>
        %swap3A_93 = arith.index_cast %add3A_82 : i32 to index
        %swap3A_94 = arith.constant 16 : index
        %swap3A_95 = tpu.vector_load %arg10[%swap3A_93, %swap3A_94] {strides = array<i32>} : memref<128x64xf32, #tpu.memory_space<vmem>>, vector<16xf32>,
        tpu.vector_store %arg10[%swap3A_93, %swap3A_94], %mul3A_92 {strides = array<i32>} : memref<128x64xf32, #tpu.memory_space<vmem>>, vector<16xf32>,
        %get3A_96 = arith.index_cast %add3A_82 : i32 to index
        %get3A_97 = arith.constant 32 : index
        %get3A_98 = tpu.vector_load %arg10[%get3A_96, %get3A_97] {strides = array<i32>} : memref<128x64xf32, #tpu.memory_space<vmem>>, vector<16xf32>,
        %mul3A_99 = arith.mulf %get3A_98, %gather3A : vector<16xf32>
        %swap3A_100 = arith.index_cast %add3A_82 : i32 to index
        %swap3A_101 = arith.constant 32 : index
        %swap3A_102 = tpu.vector_load %arg10[%swap3A_100, %swap3A_101] {strides = array<i32>} : memref<128x64xf32, #tpu.memory_space<vmem>>, vector<16xf32>,
        tpu.vector_store %arg10[%swap3A_100, %swap3A_101], %mul3A_99 {strides = array<i32>} : memref<128x64xf32, #tpu.memory_space<vmem>>, vector<16xf32>,
        %get3A_103 = arith.index_cast %add3A_82 : i32 to index
        %get3A_104 = arith.constant 48 : index
        %get3A_105 = tpu.vector_load %arg10[%get3A_103, %get3A_104] {strides = array<i32>} : memref<128x64xf32, #tpu.memory_space<vmem>>, vector<16xf32>,
        %mul3A_106 = arith.mulf %get3A_105, %gather3A : vector<16xf32>
        %swap3A_107 = arith.index_cast %add3A_82 : i32 to index
        %swap3A_108 = arith.constant 48 : index
        %swap3A_109 = tpu.vector_load %arg10[%swap3A_107, %swap3A_108] {strides = array<i32>} : memref<128x64xf32, #tpu.memory_space<vmem>>, vector<16xf32>,
        tpu.vector_store %arg10[%swap3A_107, %swap3A_108], %mul3A_106 {strides = array<i32>} : memref<128x64xf32, #tpu.memory_space<vmem>>, vector<16xf32>,
        %mul3A_110 = arith.constant 16 : i32
        %mul3A_111 = arith.muli %scan3A_78, %mul3A_110 : i32
        %add3A_112 = arith.constant 1 : i32
        %add3A_113 = arith.addi %mul3A_111, %add3A_112 : i32
        %add3A_114 = arith.addi %mul3A_44, %add3A_113 : i32
        %broadcast_in_dim3A_115 = vector.broadcast %add3A_114 : i32 to vector<16xi32>
        %gather3A_116 = tpu.vector_load_idx %arg9[%broadcast_in_dim3A_115] : memref<20224xf32, #tpu.memory_space<vmem>>[vector<16xi32>], vector<16xf32>,
        %get3A_117 = arith.index_cast %add3A_113 : i32 to index
        %get3A_118 = arith.constant 0 : index
        %get3A_119 = tpu.vector_load %arg10[%get3A_117, %get3A_118] {strides = array<i32>} : memref<128x64xf32, #tpu.memory_space<vmem>>, vector<16xf32>,
        %mul3A_120 = arith.mulf %get3A_119, %gather3A_116 : vector<16xf32>
        %swap3A_121 = arith.index_cast %add3A_113 : i32 to index
        %swap3A_122 = arith.constant 0 : index
        %swap3A_123 = tpu.vector_load %arg10[%swap3A_121, %swap3A_122] {strides = array<i32>} : memref<128x64xf32, #tpu.memory_space<vmem>>, vector<16xf32>,
        tpu.vector_store %arg10[%swap3A_121, %swap3A_122], %mul3A_120 {strides = array<i32>} : memref<128x64xf32, #tpu.memory_space<vmem>>, vector<16xf32>,
        %get3A_124 = arith.index_cast %add3A_113 : i32 to index
        %get3A_125 = arith.constant 16 : index
        %get3A_126 = tpu.vector_load %arg10[%get3A_124, %get3A_125] {strides = array<i32>} : memref<128x64xf32, #tpu.memory_space<vmem>>, vector<16xf32>,
        %mul3A_127 = arith.mulf %get3A_126, %gather3A_116 : vector<16xf32>
        %swap3A_128 = arith.index_cast %add3A_113 : i32 to index
        %swap3A_129 = arith.constant 16 : index
        %swap3A_130 = tpu.vector_load %arg10[%swap3A_128, %swap3A_129] {strides = array<i32>} : memref<128x64xf32, #tpu.memory_space<vmem>>, vector<16xf32>,
        tpu.vector_store %arg10[%swap3A_128, %swap3A_129], %mul3A_127 {strides = array<i32>} : memref<128x64xf32, #tpu.memory_space<vmem>>, vector<16xf32>,
        %get3A_131 = arith.index_cast %add3A_113 : i32 to index
        %get3A_132 = arith.constant 32 : index
        %get3A_133 = tpu.vector_load %arg10[%get3A_131, %get3A_132] {strides = array<i32>} : memref<128x64xf32, #tpu.memory_space<vmem>>, vector<16xf32>,
        %mul3A_134 = arith.mulf %get3A_133, %gather3A_116 : vector<16xf32>
        %swap3A_135 = arith.index_cast %add3A_113 : i32 to index
        %swap3A_136 = arith.constant 32 : index
        %swap3A_137 = tpu.vector_load %arg10[%swap3A_135, %swap3A_136] {strides = array<i32>} : memref<128x64xf32, #tpu.memory_space<vmem>>, vector<16xf32>,
        tpu.vector_store %arg10[%swap3A_135, %swap3A_136], %mul3A_134 {strides = array<i32>} : memref<128x64xf32, #tpu.memory_space<vmem>>, vector<16xf32>,
        %get3A_138 = arith.index_cast %add3A_113 : i32 to index
        %get3A_139 = arith.constant 48 : index
        %get3A_140 = tpu.vector_load %arg10[%get3A_138, %get3A_139] {strides = array<i32>} : memref<128x64xf32, #tpu.memory_space<vmem>>, vector<16xf32>,
        %mul3A_141 = arith.mulf %get3A_140, %gather3A_116 : vector<16xf32>
        %swap3A_142 = arith.index_cast %add3A_113 : i32 to index
        %swap3A_143 = arith.constant 48 : index
        %swap3A_144 = tpu.vector_load %arg10[%swap3A_142, %swap3A_143] {strides = array<i32>} : memref<128x64xf32, #tpu.memory_space<vmem>>, vector<16xf32>,
        tpu.vector_store %arg10[%swap3A_142, %swap3A_143], %mul3A_141 {strides = array<i32>} : memref<128x64xf32, #tpu.memory_space<vmem>>, vector<16xf32>,
        %mul3A_145 = arith.constant 16 : i32
        %mul3A_146 = arith.muli %scan3A_78, %mul3A_145 : i32
        %add3A_147 = arith.constant 2 : i32
        %add3A_148 = arith.addi %mul3A_146, %add3A_147 : i32
        %add3A_149 = arith.addi %mul3A_44, %add3A_148 : i32
        %broadcast_in_dim3A_150 = vector.broadcast %add3A_149 : i32 to vector<16xi32>
        %gather3A_151 = tpu.vector_load_idx %arg9[%broadcast_in_dim3A_150] : memref<20224xf32, #tpu.memory_space<vmem>>[vector<16xi32>], vector<16xf32>,
        %get3A_152 = arith.index_cast %add3A_148 : i32 to index
        %get3A_153 = arith.constant 0 : index
        %get3A_154 = tpu.vector_load %arg10[%get3A_152, %get3A_153] {strides = array<i32>} : memref<128x64xf32, #tpu.memory_space<vmem>>, vector<16xf32>,
        %mul3A_155 = arith.mulf %get3A_154, %gather3A_151 : vector<16xf32>
        %swap3A_156 = arith.index_cast %add3A_148 : i32 to index
        %swap3A_157 = arith.constant 0 : index
        %swap3A_158 = tpu.vector_load %arg10[%swap3A_156, %swap3A_157] {strides = array<i32>} : memref<128x64xf32, #tpu.memory_space<vmem>>, vector<16xf32>,
        tpu.vector_store %arg10[%swap3A_156, %swap3A_157], %mul3A_155 {strides = array<i32>} : memref<128x64xf32, #tpu.memory_space<vmem>>, vector<16xf32>,
        %get3A_159 = arith.index_cast %add3A_148 : i32 to index
        %get3A_160 = arith.constant 16 : index
        %get3A_161 = tpu.vector_load %arg10[%get3A_159, %get3A_160] {strides = array<i32>} : memref<128x64xf32, #tpu.memory_space<vmem>>, vector<16xf32>,
        %mul3A_162 = arith.mulf %get3A_161, %gather3A_151 : vector<16xf32>
        %swap3A_163 = arith.index_cast %add3A_148 : i32 to index
        %swap3A_164 = arith.constant 16 : index
        %swap3A_165 = tpu.vector_load %arg10[%swap3A_163, %swap3A_164] {strides = array<i32>} : memref<128x64xf32, #tpu.memory_space<vmem>>, vector<16xf32>,
        tpu.vector_store %arg10[%swap3A_163, %swap3A_164], %mul3A_162 {strides = array<i32>} : memref<128x64xf32, #tpu.memory_space<vmem>>, vector<16xf32>,
        %get3A_166 = arith.index_cast %add3A_148 : i32 to index
        %get3A_167 = arith.constant 32 : index
        %get3A_168 = tpu.vector_load %arg10[%get3A_166, %get3A_167] {strides = array<i32>} : memref<128x64xf32, #tpu.memory_space<vmem>>, vector<16xf32>,
        %mul3A_169 = arith.mulf %get3A_168, %gather3A_151 : vector<16xf32>
        %swap3A_170 = arith.index_cast %add3A_148 : i32 to index
        %swap3A_171 = arith.constant 32 : index
        %swap3A_172 = tpu.vector_load %arg10[%swap3A_170, %swap3A_171] {strides = array<i32>} : memref<128x64xf32, #tpu.memory_space<vmem>>, vector<16xf32>,
        tpu.vector_store %arg10[%swap3A_170, %swap3A_171], %mul3A_169 {strides = array<i32>} : memref<128x64xf32, #tpu.memory_space<vmem>>, vector<16xf32>,
        %get3A_173 = arith.index_cast %add3A_148 : i32 to index
        %get3A_174 = arith.constant 48 : index
        %get3A_175 = tpu.vector_load %arg10[%get3A_173, %get3A_174] {strides = array<i32>} : memref<128x64xf32, #tpu.memory_space<vmem>>, vector<16xf32>,
        %mul3A_176 = arith.mulf %get3A_175, %gather3A_151 : vector<16xf32>
        %swap3A_177 = arith.index_cast %add3A_148 : i32 to index
        %swap3A_178 = arith.constant 48 : index
        %swap3A_179 = tpu.vector_load %arg10[%swap3A_177, %swap3A_178] {strides = array<i32>} : memref<128x64xf32, #tpu.memory_space<vmem>>, vector<16xf32>,
        tpu.vector_store %arg10[%swap3A_177, %swap3A_178], %mul3A_176 {strides = array<i32>} : memref<128x64xf32, #tpu.memory_space<vmem>>, vector<16xf32>,
        %mul3A_180 = arith.constant 16 : i32
        %mul3A_181 = arith.muli %scan3A_78, %mul3A_180 : i32
        %add3A_182 = arith.constant 3 : i32
        %add3A_183 = arith.addi %mul3A_181, %add3A_182 : i32
        %add3A_184 = arith.addi %mul3A_44, %add3A_183 : i32
        %broadcast_in_dim3A_185 = vector.broadcast %add3A_184 : i32 to vector<16xi32>
        %gather3A_186 = tpu.vector_load_idx %arg9[%broadcast_in_dim3A_185] : memref<20224xf32, #tpu.memory_space<vmem>>[vector<16xi32>], vector<16xf32>,
        %get3A_187 = arith.index_cast %add3A_183 : i32 to index
        %get3A_188 = arith.constant 0 : index
        %get3A_189 = tpu.vector_load %arg10[%get3A_187, %get3A_188] {strides = array<i32>} : memref<128x64xf32, #tpu.memory_space<vmem>>, vector<16xf32>,
        %mul3A_190 = arith.mulf %get3A_189, %gather3A_186 : vector<16xf32>
        %swap3A_191 = arith.index_cast %add3A_183 : i32 to index
        %swap3A_192 = arith.constant 0 : index
        %swap3A_193 = tpu.vector_load %arg10[%swap3A_191, %swap3A_192] {strides = array<i32>} : memref<128x64xf32, #tpu.memory_space<vmem>>, vector<16xf32>,
        tpu.vector_store %arg10[%swap3A_191, %swap3A_192], %mul3A_190 {strides = array<i32>} : memref<128x64xf32, #tpu.memory_space<vmem>>, vector<16xf32>,
        %get3A_194 = arith.index_cast %add3A_183 : i32 to index
        %get3A_195 = arith.constant 16 : index
        %get3A_196 = tpu.vector_load %arg10[%get3A_194, %get3A_195] {strides = array<i32>} : memref<128x64xf32, #tpu.memory_space<vmem>>, vector<16xf32>,
        %mul3A_197 = arith.mulf %get3A_196, %gather3A_186 : vector<16xf32>
        %swap3A_198 = arith.index_cast %add3A_183 : i32 to index
        %swap3A_199 = arith.constant 16 : index
        %swap3A_200 = tpu.vector_load %arg10[%swap3A_198, %swap3A_199] {strides = array<i32>} : memref<128x64xf32, #tpu.memory_space<vmem>>, vector<16xf32>,
        tpu.vector_store %arg10[%swap3A_198, %swap3A_199], %mul3A_197 {strides = array<i32>} : memref<128x64xf32, #tpu.memory_space<vmem>>, vector<16xf32>,
        %get3A_201 = arith.index_cast %add3A_183 : i32 to index
        %get3A_202 = arith.constant 32 : index
        %get3A_203 = tpu.vector_load %arg10[%get3A_201, %get3A_202] {strides = array<i32>} : memref<128x64xf32, #tpu.memory_space<vmem>>, vector<16xf32>,
        %mul3A_204 = arith.mulf %get3A_203, %gather3A_186 : vector<16xf32>
        %swap3A_205 = arith.index_cast %add3A_183 : i32 to index
        %swap3A_206 = arith.constant 32 : index
        %swap3A_207 = tpu.vector_load %arg10[%swap3A_205, %swap3A_206] {strides = array<i32>} : memref<128x64xf32, #tpu.memory_space<vmem>>, vector<16xf32>,
        tpu.vector_store %arg10[%swap3A_205, %swap3A_206], %mul3A_204 {strides = array<i32>} : memref<128x64xf32, #tpu.memory_space<vmem>>, vector<16xf32>,
        %get3A_208 = arith.index_cast %add3A_183 : i32 to index
        %get3A_209 = arith.constant 48 : index
        %get3A_210 = tpu.vector_load %arg10[%get3A_208, %get3A_209] {strides = array<i32>} : memref<128x64xf32, #tpu.memory_space<vmem>>, vector<16xf32>,
        %mul3A_211 = arith.mulf %get3A_210, %gather3A_186 : vector<16xf32>
        %swap3A_212 = arith.index_cast %add3A_183 : i32 to index
        %swap3A_213 = arith.constant 48 : index
        %swap3A_214 = tpu.vector_load %arg10[%swap3A_212, %swap3A_213] {strides = array<i32>} : memref<128x64xf32, #tpu.memory_space<vmem>>, vector<16xf32>,
        tpu.vector_store %arg10[%swap3A_212, %swap3A_213], %mul3A_211 {strides = array<i32>} : memref<128x64xf32, #tpu.memory_space<vmem>>, vector<16xf32>,
        %mul3A_215 = arith.constant 16 : i32
        %mul3A_216 = arith.muli %scan3A_78, %mul3A_215 : i32
        %add3A_217 = arith.constant 4 : i32
        %add3A_218 = arith.addi %mul3A_216, %add3A_217 : i32
        %add3A_219 = arith.addi %mul3A_44, %add3A_218 : i32
        %broadcast_in_dim3A_220 = vector.broadcast %add3A_219 : i32 to vector<16xi32>
        %gather3A_221 = tpu.vector_load_idx %arg9[%broadcast_in_dim3A_220] : memref<20224xf32, #tpu.memory_space<vmem>>[vector<16xi32>], vector<16xf32>,
        %get3A_222 = arith.index_cast %add3A_218 : i32 to index
        %get3A_223 = arith.constant 0 : index
        %get3A_224 = tpu.vector_load %arg10[%get3A_222, %get3A_223] {strides = array<i32>} : memref<128x64xf32, #tpu.memory_space<vmem>>, vector<16xf32>,
        %mul3A_225 = arith.mulf %get3A_224, %gather3A_221 : vector<16xf32>
        %swap3A_226 = arith.index_cast %add3A_218 : i32 to index
        %swap3A_227 = arith.constant 0 : index
        %swap3A_228 = tpu.vector_load %arg10[%swap3A_226, %swap3A_227] {strides = array<i32>} : memref<128x64xf32, #tpu.memory_space<vmem>>, vector<16xf32>,
        tpu.vector_store %arg10[%swap3A_226, %swap3A_227], %mul3A_225 {strides = array<i32>} : memref<128x64xf32, #tpu.memory_space<vmem>>, vector<16xf32>,
        %get3A_229 = arith.index_cast %add3A_218 : i32 to index
        %get3A_230 = arith.constant 16 : index
        %get3A_231 = tpu.vector_load %arg10[%get3A_229, %get3A_230] {strides = array<i32>} : memref<128x64xf32, #tpu.memory_space<vmem>>, vector<16xf32>,
        %mul3A_232 = arith.mulf %get3A_231, %gather3A_221 : vector<16xf32>
        %swap3A_233 = arith.index_cast %add3A_218 : i32 to index
        %swap3A_234 = arith.constant 16 : index
        %swap3A_235 = tpu.vector_load %arg10[%swap3A_233, %swap3A_234] {strides = array<i32>} : memref<128x64xf32, #tpu.memory_space<vmem>>, vector<16xf32>,
        tpu.vector_store %arg10[%swap3A_233, %swap3A_234], %mul3A_232 {strides = array<i32>} : memref<128x64xf32, #tpu.memory_space<vmem>>, vector<16xf32>,
        %get3A_236 = arith.index_cast %add3A_218 : i32 to index
        %get3A_237 = arith.constant 32 : index
        %get3A_238 = tpu.vector_load %arg10[%get3A_236, %get3A_237] {strides = array<i32>} : memref<128x64xf32, #tpu.memory_space<vmem>>, vector<16xf32>,
        %mul3A_239 = arith.mulf %get3A_238, %gather3A_221 : vector<16xf32>
        %swap3A_240 = arith.index_cast %add3A_218 : i32 to index
        %swap3A_241 = arith.constant 32 : index
        %swap3A_242 = tpu.vector_load %arg10[%swap3A_240, %swap3A_241] {strides = array<i32>} : memref<128x64xf32, #tpu.memory_space<vmem>>, vector<16xf32>,
        tpu.vector_store %arg10[%swap3A_240, %swap3A_241], %mul3A_239 {strides = array<i32>} : memref<128x64xf32, #tpu.memory_space<vmem>>, vector<16xf32>,
        %get3A_243 = arith.index_cast %add3A_218 : i32 to index
        %get3A_244 = arith.constant 48 : index
        %get3A_245 = tpu.vector_load %arg10[%get3A_243, %get3A_244] {strides = array<i32>} : memref<128x64xf32, #tpu.memory_space<vmem>>, vector<16xf32>,
        %mul3A_246 = arith.mulf %get3A_245, %gather3A_221 : vector<16xf32>
        %swap3A_247 = arith.index_cast %add3A_218 : i32 to index
        %swap3A_248 = arith.constant 48 : index
        %swap3A_249 = tpu.vector_load %arg10[%swap3A_247, %swap3A_248] {strides = array<i32>} : memref<128x64xf32, #tpu.memory_space<vmem>>, vector<16xf32>,
        tpu.vector_store %arg10[%swap3A_247, %swap3A_248], %mul3A_246 {strides = array<i32>} : memref<128x64xf32, #tpu.memory_space<vmem>>, vector<16xf32>,
        %mul3A_250 = arith.constant 16 : i32
        %mul3A_251 = arith.muli %scan3A_78, %mul3A_250 : i32
        %add3A_252 = arith.constant 5 : i32
        %add3A_253 = arith.addi %mul3A_251, %add3A_252 : i32
        %add3A_254 = arith.addi %mul3A_44, %add3A_253 : i32
        %broadcast_in_dim3A_255 = vector.broadcast %add3A_254 : i32 to vector<16xi32>
        %gather3A_256 = tpu.vector_load_idx %arg9[%broadcast_in_dim3A_255] : memref<20224xf32, #tpu.memory_space<vmem>>[vector<16xi32>], vector<16xf32>,
        %get3A_257 = arith.index_cast %add3A_253 : i32 to index
        %get3A_258 = arith.constant 0 : index
        %get3A_259 = tpu.vector_load %arg10[%get3A_257, %get3A_258] {strides = array<i32>} : memref<128x64xf32, #tpu.memory_space<vmem>>, vector<16xf32>,
        %mul3A_260 = arith.mulf %get3A_259, %gather3A_256 : vector<16xf32>
        %swap3A_261 = arith.index_cast %add3A_253 : i32 to index
        %swap3A_262 = arith.constant 0 : index
        %swap3A_263 = tpu.vector_load %arg10[%swap3A_261, %swap3A_262] {strides = array<i32>} : memref<128x64xf32, #tpu.memory_space<vmem>>, vector<16xf32>,
        tpu.vector_store %arg10[%swap3A_261, %swap3A_262], %mul3A_260 {strides = array<i32>} : memref<128x64xf32, #tpu.memory_space<vmem>>, vector<16xf32>,
        %get3A_264 = arith.index_cast %add3A_253 : i32 to index
        %get3A_265 = arith.constant 16 : index
        %get3A_266 = tpu.vector_load %arg10[%get3A_264, %get3A_265] {strides = array<i32>} : memref<128x64xf32, #tpu.memory_space<vmem>>, vector<16xf32>,
        %mul3A_267 = arith.mulf %get3A_266, %gather3A_256 : vector<16xf32>
        %swap3A_268 = arith.index_cast %add3A_253 : i32 to index
        %swap3A_269 = arith.constant 16 : index
        %swap3A_270 = tpu.vector_load %arg10[%swap3A_268, %swap3A_269] {strides = array<i32>} : memref<128x64xf32, #tpu.memory_space<vmem>>, vector<16xf32>,
        tpu.vector_store %arg10[%swap3A_268, %swap3A_269], %mul3A_267 {strides = array<i32>} : memref<128x64xf32, #tpu.memory_space<vmem>>, vector<16xf32>,
        %get3A_271 = arith.index_cast %add3A_253 : i32 to index
        %get3A_272 = arith.constant 32 : index
        %get3A_273 = tpu.vector_load %arg10[%get3A_271, %get3A_272] {strides = array<i32>} : memref<128x64xf32, #tpu.memory_space<vmem>>, vector<16xf32>,
        %mul3A_274 = arith.mulf %get3A_273, %gather3A_256 : vector<16xf32>
        %swap3A_275 = arith.index_cast %add3A_253 : i32 to index
        %swap3A_276 = arith.constant 32 : index
        %swap3A_277 = tpu.vector_load %arg10[%swap3A_275, %swap3A_276] {strides = array<i32>} : memref<128x64xf32, #tpu.memory_space<vmem>>, vector<16xf32>,
        tpu.vector_store %arg10[%swap3A_275, %swap3A_276], %mul3A_274 {strides = array<i32>} : memref<128x64xf32, #tpu.memory_space<vmem>>, vector<16xf32>,
        %get3A_278 = arith.index_cast %add3A_253 : i32 to index
        %get3A_279 = arith.constant 48 : index
        %get3A_280 = tpu.vector_load %arg10[%get3A_278, %get3A_279] {strides = array<i32>} : memref<128x64xf32, #tpu.memory_space<vmem>>, vector<16xf32>,
        %mul3A_281 = arith.mulf %get3A_280, %gather3A_256 : vector<16xf32>
        %swap3A_282 = arith.index_cast %add3A_253 : i32 to index
        %swap3A_283 = arith.constant 48 : index
        %swap3A_284 = tpu.vector_load %arg10[%swap3A_282, %swap3A_283] {strides = array<i32>} : memref<128x64xf32, #tpu.memory_space<vmem>>, vector<16xf32>,
        tpu.vector_store %arg10[%swap3A_282, %swap3A_283], %mul3A_281 {strides = array<i32>} : memref<128x64xf32, #tpu.memory_space<vmem>>, vector<16xf32>,
        %mul3A_285 = arith.constant 16 : i32
        %mul3A_286 = arith.muli %scan3A_78, %mul3A_285 : i32
        %add3A_287 = arith.constant 6 : i32
        %add3A_288 = arith.addi %mul3A_286, %add3A_287 : i32
        %add3A_289 = arith.addi %mul3A_44, %add3A_288 : i32
        %broadcast_in_dim3A_290 = vector.broadcast %add3A_289 : i32 to vector<16xi32>
        %gather3A_291 = tpu.vector_load_idx %arg9[%broadcast_in_dim3A_290] : memref<20224xf32, #tpu.memory_space<vmem>>[vector<16xi32>], vector<16xf32>,
        %get3A_292 = arith.index_cast %add3A_288 : i32 to index
        %get3A_293 = arith.constant 0 : index
        %get3A_294 = tpu.vector_load %arg10[%get3A_292, %get3A_293] {strides = array<i32>} : memref<128x64xf32, #tpu.memory_space<vmem>>, vector<16xf32>,
        %mul3A_295 = arith.mulf %get3A_294, %gather3A_291 : vector<16xf32>
        %swap3A_296 = arith.index_cast %add3A_288 : i32 to index
        %swap3A_297 = arith.constant 0 : index
        %swap3A_298 = tpu.vector_load %arg10[%swap3A_296, %swap3A_297] {strides = array<i32>} : memref<128x64xf32, #tpu.memory_space<vmem>>, vector<16xf32>,
        tpu.vector_store %arg10[%swap3A_296, %swap3A_297], %mul3A_295 {strides = array<i32>} : memref<128x64xf32, #tpu.memory_space<vmem>>, vector<16xf32>,
        %get3A_299 = arith.index_cast %add3A_288 : i32 to index
        %get3A_300 = arith.constant 16 : index
        %get3A_301 = tpu.vector_load %arg10[%get3A_299, %get3A_300] {strides = array<i32>} : memref<128x64xf32, #tpu.memory_space<vmem>>, vector<16xf32>,
        %mul3A_302 = arith.mulf %get3A_301, %gather3A_291 : vector<16xf32>
        %swap3A_303 = arith.index_cast %add3A_288 : i32 to index
        %swap3A_304 = arith.constant 16 : index
        %swap3A_305 = tpu.vector_load %arg10[%swap3A_303, %swap3A_304] {strides = array<i32>} : memref<128x64xf32, #tpu.memory_space<vmem>>, vector<16xf32>,
        tpu.vector_store %arg10[%swap3A_303, %swap3A_304], %mul3A_302 {strides = array<i32>} : memref<128x64xf32, #tpu.memory_space<vmem>>, vector<16xf32>,
        %get3A_306 = arith.index_cast %add3A_288 : i32 to index
        %get3A_307 = arith.constant 32 : index
        %get3A_308 = tpu.vector_load %arg10[%get3A_306, %get3A_307] {strides = array<i32>} : memref<128x64xf32, #tpu.memory_space<vmem>>, vector<16xf32>,
        %mul3A_309 = arith.mulf %get3A_308, %gather3A_291 : vector<16xf32>
        %swap3A_310 = arith.index_cast %add3A_288 : i32 to index
        %swap3A_311 = arith.constant 32 : index
        %swap3A_312 = tpu.vector_load %arg10[%swap3A_310, %swap3A_311] {strides = array<i32>} : memref<128x64xf32, #tpu.memory_space<vmem>>, vector<16xf32>,
        tpu.vector_store %arg10[%swap3A_310, %swap3A_311], %mul3A_309 {strides = array<i32>} : memref<128x64xf32, #tpu.memory_space<vmem>>, vector<16xf32>,
        %get3A_313 = arith.index_cast %add3A_288 : i32 to index
        %get3A_314 = arith.constant 48 : index
        %get3A_315 = tpu.vector_load %arg10[%get3A_313, %get3A_314] {strides = array<i32>} : memref<128x64xf32, #tpu.memory_space<vmem>>, vector<16xf32>,
        %mul3A_316 = arith.mulf %get3A_315, %gather3A_291 : vector<16xf32>
        %swap3A_317 = arith.index_cast %add3A_288 : i32 to index
        %swap3A_318 = arith.constant 48 : index
        %swap3A_319 = tpu.vector_load %arg10[%swap3A_317, %swap3A_318] {strides = array<i32>} : memref<128x64xf32, #tpu.memory_space<vmem>>, vector<16xf32>,
        tpu.vector_store %arg10[%swap3A_317, %swap3A_318], %mul3A_316 {strides = array<i32>} : memref<128x64xf32, #tpu.memory_space<vmem>>, vector<16xf32>,
        %mul3A_320 = arith.constant 16 : i32
        %mul3A_321 = arith.muli %scan3A_78, %mul3A_320 : i32
        %add3A_322 = arith.constant 7 : i32
        %add3A_323 = arith.addi %mul3A_321, %add3A_322 : i32
        %add3A_324 = arith.addi %mul3A_44, %add3A_323 : i32
        %broadcast_in_dim3A_325 = vector.broadcast %add3A_324 : i32 to vector<16xi32>
        %gather3A_326 = tpu.vector_load_idx %arg9[%broadcast_in_dim3A_325] : memref<20224xf32, #tpu.memory_space<vmem>>[vector<16xi32>], vector<16xf32>,
        %get3A_327 = arith.index_cast %add3A_323 : i32 to index
        %get3A_328 = arith.constant 0 : index
        %get3A_329 = tpu.vector_load %arg10[%get3A_327, %get3A_328] {strides = array<i32>} : memref<128x64xf32, #tpu.memory_space<vmem>>, vector<16xf32>,
        %mul3A_330 = arith.mulf %get3A_329, %gather3A_326 : vector<16xf32>
        %swap3A_331 = arith.index_cast %add3A_323 : i32 to index
        %swap3A_332 = arith.constant 0 : index
        %swap3A_333 = tpu.vector_load %arg10[%swap3A_331, %swap3A_332] {strides = array<i32>} : memref<128x64xf32, #tpu.memory_space<vmem>>, vector<16xf32>,
        tpu.vector_store %arg10[%swap3A_331, %swap3A_332], %mul3A_330 {strides = array<i32>} : memref<128x64xf32, #tpu.memory_space<vmem>>, vector<16xf32>,
        %get3A_334 = arith.index_cast %add3A_323 : i32 to index
        %get3A_335 = arith.constant 16 : index
        %get3A_336 = tpu.vector_load %arg10[%get3A_334, %get3A_335] {strides = array<i32>} : memref<128x64xf32, #tpu.memory_space<vmem>>, vector<16xf32>,
        %mul3A_337 = arith.mulf %get3A_336, %gather3A_326 : vector<16xf32>
        %swap3A_338 = arith.index_cast %add3A_323 : i32 to index
        %swap3A_339 = arith.constant 16 : index
        %swap3A_340 = tpu.vector_load %arg10[%swap3A_338, %swap3A_339] {strides = array<i32>} : memref<128x64xf32, #tpu.memory_space<vmem>>, vector<16xf32>,
        tpu.vector_store %arg10[%swap3A_338, %swap3A_339], %mul3A_337 {strides = array<i32>} : memref<128x64xf32, #tpu.memory_space<vmem>>, vector<16xf32>,
        %get3A_341 = arith.index_cast %add3A_323 : i32 to index
        %get3A_342 = arith.constant 32 : index
        %get3A_343 = tpu.vector_load %arg10[%get3A_341, %get3A_342] {strides = array<i32>} : memref<128x64xf32, #tpu.memory_space<vmem>>, vector<16xf32>,
        %mul3A_344 = arith.mulf %get3A_343, %gather3A_326 : vector<16xf32>
        %swap3A_345 = arith.index_cast %add3A_323 : i32 to index
        %swap3A_346 = arith.constant 32 : index
        %swap3A_347 = tpu.vector_load %arg10[%swap3A_345, %swap3A_346] {strides = array<i32>} : memref<128x64xf32, #tpu.memory_space<vmem>>, vector<16xf32>,
        tpu.vector_store %arg10[%swap3A_345, %swap3A_346], %mul3A_344 {strides = array<i32>} : memref<128x64xf32, #tpu.memory_space<vmem>>, vector<16xf32>,
        %get3A_348 = arith.index_cast %add3A_323 : i32 to index
        %get3A_349 = arith.constant 48 : index
        %get3A_350 = tpu.vector_load %arg10[%get3A_348, %get3A_349] {strides = array<i32>} : memref<128x64xf32, #tpu.memory_space<vmem>>, vector<16xf32>,
        %mul3A_351 = arith.mulf %get3A_350, %gather3A_326 : vector<16xf32>
        %swap3A_352 = arith.index_cast %add3A_323 : i32 to index
        %swap3A_353 = arith.constant 48 : index
        %swap3A_354 = tpu.vector_load %arg10[%swap3A_352, %swap3A_353] {strides = array<i32>} : memref<128x64xf32, #tpu.memory_space<vmem>>, vector<16xf32>,
        tpu.vector_store %arg10[%swap3A_352, %swap3A_353], %mul3A_351 {strides = array<i32>} : memref<128x64xf32, #tpu.memory_space<vmem>>, vector<16xf32>,
        %mul3A_355 = arith.constant 16 : i32
        %mul3A_356 = arith.muli %scan3A_78, %mul3A_355 : i32
        %add3A_357 = arith.constant 8 : i32
        %add3A_358 = arith.addi %mul3A_356, %add3A_357 : i32
        %add3A_359 = arith.addi %mul3A_44, %add3A_358 : i32
        %broadcast_in_dim3A_360 = vector.broadcast %add3A_359 : i32 to vector<16xi32>
        %gather3A_361 = tpu.vector_load_idx %arg9[%broadcast_in_dim3A_360] : memref<20224xf32, #tpu.memory_space<vmem>>[vector<16xi32>], vector<16xf32>,
        %get3A_362 = arith.index_cast %add3A_358 : i32 to index
        %get3A_363 = arith.constant 0 : index
        %get3A_364 = tpu.vector_load %arg10[%get3A_362, %get3A_363] {strides = array<i32>} : memref<128x64xf32, #tpu.memory_space<vmem>>, vector<16xf32>,
        %mul3A_365 = arith.mulf %get3A_364, %gather3A_361 : vector<16xf32>
        %swap3A_366 = arith.index_cast %add3A_358 : i32 to index
        %swap3A_367 = arith.constant 0 : index
        %swap3A_368 = tpu.vector_load %arg10[%swap3A_366, %swap3A_367] {strides = array<i32>} : memref<128x64xf32, #tpu.memory_space<vmem>>, vector<16xf32>,
        tpu.vector_store %arg10[%swap3A_366, %swap3A_367], %mul3A_365 {strides = array<i32>} : memref<128x64xf32, #tpu.memory_space<vmem>>, vector<16xf32>,
        %get3A_369 = arith.index_cast %add3A_358 : i32 to index
        %get3A_370 = arith.constant 16 : index
        %get3A_371 = tpu.vector_load %arg10[%get3A_369, %get3A_370] {strides = array<i32>} : memref<128x64xf32, #tpu.memory_space<vmem>>, vector<16xf32>,
        %mul3A_372 = arith.mulf %get3A_371, %gather3A_361 : vector<16xf32>
        %swap3A_373 = arith.index_cast %add3A_358 : i32 to index
        %swap3A_374 = arith.constant 16 : index
        %swap3A_375 = tpu.vector_load %arg10[%swap3A_373, %swap3A_374] {strides = array<i32>} : memref<128x64xf32, #tpu.memory_space<vmem>>, vector<16xf32>,
        tpu.vector_store %arg10[%swap3A_373, %swap3A_374], %mul3A_372 {strides = array<i32>} : memref<128x64xf32, #tpu.memory_space<vmem>>, vector<16xf32>,
        %get3A_376 = arith.index_cast %add3A_358 : i32 to index
        %get3A_377 = arith.constant 32 : index
        %get3A_378 = tpu.vector_load %arg10[%get3A_376, %get3A_377] {strides = array<i32>} : memref<128x64xf32, #tpu.memory_space<vmem>>, vector<16xf32>,
        %mul3A_379 = arith.mulf %get3A_378, %gather3A_361 : vector<16xf32>
        %swap3A_380 = arith.index_cast %add3A_358 : i32 to index
        %swap3A_381 = arith.constant 32 : index
        %swap3A_382 = tpu.vector_load %arg10[%swap3A_380, %swap3A_381] {strides = array<i32>} : memref<128x64xf32, #tpu.memory_space<vmem>>, vector<16xf32>,
        tpu.vector_store %arg10[%swap3A_380, %swap3A_381], %mul3A_379 {strides = array<i32>} : memref<128x64xf32, #tpu.memory_space<vmem>>, vector<16xf32>,
        %get3A_383 = arith.index_cast %add3A_358 : i32 to index
        %get3A_384 = arith.constant 48 : index
        %get3A_385 = tpu.vector_load %arg10[%get3A_383, %get3A_384] {strides = array<i32>} : memref<128x64xf32, #tpu.memory_space<vmem>>, vector<16xf32>,
        %mul3A_386 = arith.mulf %get3A_385, %gather3A_361 : vector<16xf32>
        %swap3A_387 = arith.index_cast %add3A_358 : i32 to index
        %swap3A_388 = arith.constant 48 : index
        %swap3A_389 = tpu.vector_load %arg10[%swap3A_387, %swap3A_388] {strides = array<i32>} : memref<128x64xf32, #tpu.memory_space<vmem>>, vector<16xf32>,
        tpu.vector_store %arg10[%swap3A_387, %swap3A_388], %mul3A_386 {strides = array<i32>} : memref<128x64xf32, #tpu.memory_space<vmem>>, vector<16xf32>,
        %mul3A_390 = arith.constant 16 : i32
        %mul3A_391 = arith.muli %scan3A_78, %mul3A_390 : i32
        %add3A_392 = arith.constant 9 : i32
        %add3A_393 = arith.addi %mul3A_391, %add3A_392 : i32
        %add3A_394 = arith.addi %mul3A_44, %add3A_393 : i32
        %broadcast_in_dim3A_395 = vector.broadcast %add3A_394 : i32 to vector<16xi32>
        %gather3A_396 = tpu.vector_load_idx %arg9[%broadcast_in_dim3A_395] : memref<20224xf32, #tpu.memory_space<vmem>>[vector<16xi32>], vector<16xf32>,
        %get3A_397 = arith.index_cast %add3A_393 : i32 to index
        %get3A_398 = arith.constant 0 : index
        %get3A_399 = tpu.vector_load %arg10[%get3A_397, %get3A_398] {strides = array<i32>} : memref<128x64xf32, #tpu.memory_space<vmem>>, vector<16xf32>,
        %mul3A_400 = arith.mulf %get3A_399, %gather3A_396 : vector<16xf32>
        %swap3A_401 = arith.index_cast %add3A_393 : i32 to index
        %swap3A_402 = arith.constant 0 : index
        %swap3A_403 = tpu.vector_load %arg10[%swap3A_401, %swap3A_402] {strides = array<i32>} : memref<128x64xf32, #tpu.memory_space<vmem>>, vector<16xf32>,
        tpu.vector_store %arg10[%swap3A_401, %swap3A_402], %mul3A_400 {strides = array<i32>} : memref<128x64xf32, #tpu.memory_space<vmem>>, vector<16xf32>,
        %get3A_404 = arith.index_cast %add3A_393 : i32 to index
        %get3A_405 = arith.constant 16 : index
        %get3A_406 = tpu.vector_load %arg10[%get3A_404, %get3A_405] {strides = array<i32>} : memref<128x64xf32, #tpu.memory_space<vmem>>, vector<16xf32>,
        %mul3A_407 = arith.mulf %get3A_406, %gather3A_396 : vector<16xf32>
        %swap3A_408 = arith.index_cast %add3A_393 : i32 to index
        %swap3A_409 = arith.constant 16 : index
        %swap3A_410 = tpu.vector_load %arg10[%swap3A_408, %swap3A_409] {strides = array<i32>} : memref<128x64xf32, #tpu.memory_space<vmem>>, vector<16xf32>,
        tpu.vector_store %arg10[%swap3A_408, %swap3A_409], %mul3A_407 {strides = array<i32>} : memref<128x64xf32, #tpu.memory_space<vmem>>, vector<16xf32>,
        %get3A_411 = arith.index_cast %add3A_393 : i32 to index
        %get3A_412 = arith.constant 32 : index
        %get3A_413 = tpu.vector_load %arg10[%get3A_411, %get3A_412] {strides = array<i32>} : memref<128x64xf32, #tpu.memory_space<vmem>>, vector<16xf32>,
        %mul3A_414 = arith.mulf %get3A_413, %gather3A_396 : vector<16xf32>
        %swap3A_415 = arith.index_cast %add3A_393 : i32 to index
        %swap3A_416 = arith.constant 32 : index
        %swap3A_417 = tpu.vector_load %arg10[%swap3A_415, %swap3A_416] {strides = array<i32>} : memref<128x64xf32, #tpu.memory_space<vmem>>, vector<16xf32>,
        tpu.vector_store %arg10[%swap3A_415, %swap3A_416], %mul3A_414 {strides = array<i32>} : memref<128x64xf32, #tpu.memory_space<vmem>>, vector<16xf32>,
        %get3A_418 = arith.index_cast %add3A_393 : i32 to index
        %get3A_419 = arith.constant 48 : index
        %get3A_420 = tpu.vector_load %arg10[%get3A_418, %get3A_419] {strides = array<i32>} : memref<128x64xf32, #tpu.memory_space<vmem>>, vector<16xf32>,
        %mul3A_421 = arith.mulf %get3A_420, %gather3A_396 : vector<16xf32>
        %swap3A_422 = arith.index_cast %add3A_393 : i32 to index
        %swap3A_423 = arith.constant 48 : index
        %swap3A_424 = tpu.vector_load %arg10[%swap3A_422, %swap3A_423] {strides = array<i32>} : memref<128x64xf32, #tpu.memory_space<vmem>>, vector<16xf32>,
        tpu.vector_store %arg10[%swap3A_422, %swap3A_423], %mul3A_421 {strides = array<i32>} : memref<128x64xf32, #tpu.memory_space<vmem>>, vector<16xf32>,
        %mul3A_425 = arith.constant 16 : i32
        %mul3A_426 = arith.muli %scan3A_78, %mul3A_425 : i32
        %add3A_427 = arith.constant 10 : i32
        %add3A_428 = arith.addi %mul3A_426, %add3A_427 : i32
        %add3A_429 = arith.addi %mul3A_44, %add3A_428 : i32
        %broadcast_in_dim3A_430 = vector.broadcast %add3A_429 : i32 to vector<16xi32>
        %gather3A_431 = tpu.vector_load_idx %arg9[%broadcast_in_dim3A_430] : memref<20224xf32, #tpu.memory_space<vmem>>[vector<16xi32>], vector<16xf32>,
        %get3A_432 = arith.index_cast %add3A_428 : i32 to index
        %get3A_433 = arith.constant 0 : index
        %get3A_434 = tpu.vector_load %arg10[%get3A_432, %get3A_433] {strides = array<i32>} : memref<128x64xf32, #tpu.memory_space<vmem>>, vector<16xf32>,
        %mul3A_435 = arith.mulf %get3A_434, %gather3A_431 : vector<16xf32>
        %swap3A_436 = arith.index_cast %add3A_428 : i32 to index
        %swap3A_437 = arith.constant 0 : index
        %swap3A_438 = tpu.vector_load %arg10[%swap3A_436, %swap3A_437] {strides = array<i32>} : memref<128x64xf32, #tpu.memory_space<vmem>>, vector<16xf32>,
        tpu.vector_store %arg10[%swap3A_436, %swap3A_437], %mul3A_435 {strides = array<i32>} : memref<128x64xf32, #tpu.memory_space<vmem>>, vector<16xf32>,
        %get3A_439 = arith.index_cast %add3A_428 : i32 to index
        %get3A_440 = arith.constant 16 : index
        %get3A_441 = tpu.vector_load %arg10[%get3A_439, %get3A_440] {strides = array<i32>} : memref<128x64xf32, #tpu.memory_space<vmem>>, vector<16xf32>,
        %mul3A_442 = arith.mulf %get3A_441, %gather3A_431 : vector<16xf32>
        %swap3A_443 = arith.index_cast %add3A_428 : i32 to index
        %swap3A_444 = arith.constant 16 : index
        %swap3A_445 = tpu.vector_load %arg10[%swap3A_443, %swap3A_444] {strides = array<i32>} : memref<128x64xf32, #tpu.memory_space<vmem>>, vector<16xf32>,
        tpu.vector_store %arg10[%swap3A_443, %swap3A_444], %mul3A_442 {strides = array<i32>} : memref<128x64xf32, #tpu.memory_space<vmem>>, vector<16xf32>,
        %get3A_446 = arith.index_cast %add3A_428 : i32 to index
        %get3A_447 = arith.constant 32 : index
        %get3A_448 = tpu.vector_load %arg10[%get3A_446, %get3A_447] {strides = array<i32>} : memref<128x64xf32, #tpu.memory_space<vmem>>, vector<16xf32>,
        %mul3A_449 = arith.mulf %get3A_448, %gather3A_431 : vector<16xf32>
        %swap3A_450 = arith.index_cast %add3A_428 : i32 to index
        %swap3A_451 = arith.constant 32 : index
        %swap3A_452 = tpu.vector_load %arg10[%swap3A_450, %swap3A_451] {strides = array<i32>} : memref<128x64xf32, #tpu.memory_space<vmem>>, vector<16xf32>,
        tpu.vector_store %arg10[%swap3A_450, %swap3A_451], %mul3A_449 {strides = array<i32>} : memref<128x64xf32, #tpu.memory_space<vmem>>, vector<16xf32>,
        %get3A_453 = arith.index_cast %add3A_428 : i32 to index
        %get3A_454 = arith.constant 48 : index
        %get3A_455 = tpu.vector_load %arg10[%get3A_453, %get3A_454] {strides = array<i32>} : memref<128x64xf32, #tpu.memory_space<vmem>>, vector<16xf32>,
        %mul3A_456 = arith.mulf %get3A_455, %gather3A_431 : vector<16xf32>
        %swap3A_457 = arith.index_cast %add3A_428 : i32 to index
        %swap3A_458 = arith.constant 48 : index
        %swap3A_459 = tpu.vector_load %arg10[%swap3A_457, %swap3A_458] {strides = array<i32>} : memref<128x64xf32, #tpu.memory_space<vmem>>, vector<16xf32>,
        tpu.vector_store %arg10[%swap3A_457, %swap3A_458], %mul3A_456 {strides = array<i32>} : memref<128x64xf32, #tpu.memory_space<vmem>>, vector<16xf32>,
        %mul3A_460 = arith.constant 16 : i32
        %mul3A_461 = arith.muli %scan3A_78, %mul3A_460 : i32
        %add3A_462 = arith.constant 11 : i32
        %add3A_463 = arith.addi %mul3A_461, %add3A_462 : i32
        %add3A_464 = arith.addi %mul3A_44, %add3A_463 : i32
        %broadcast_in_dim3A_465 = vector.broadcast %add3A_464 : i32 to vector<16xi32>
        %gather3A_466 = tpu.vector_load_idx %arg9[%broadcast_in_dim3A_465] : memref<20224xf32, #tpu.memory_space<vmem>>[vector<16xi32>], vector<16xf32>,
        %get3A_467 = arith.index_cast %add3A_463 : i32 to index
        %get3A_468 = arith.constant 0 : index
        %get3A_469 = tpu.vector_load %arg10[%get3A_467, %get3A_468] {strides = array<i32>} : memref<128x64xf32, #tpu.memory_space<vmem>>, vector<16xf32>,
        %mul3A_470 = arith.mulf %get3A_469, %gather3A_466 : vector<16xf32>
        %swap3A_471 = arith.index_cast %add3A_463 : i32 to index
        %swap3A_472 = arith.constant 0 : index
        %swap3A_473 = tpu.vector_load %arg10[%swap3A_471, %swap3A_472] {strides = array<i32>} : memref<128x64xf32, #tpu.memory_space<vmem>>, vector<16xf32>,
        tpu.vector_store %arg10[%swap3A_471, %swap3A_472], %mul3A_470 {strides = array<i32>} : memref<128x64xf32, #tpu.memory_space<vmem>>, vector<16xf32>,
        %get3A_474 = arith.index_cast %add3A_463 : i32 to index
        %get3A_475 = arith.constant 16 : index
        %get3A_476 = tpu.vector_load %arg10[%get3A_474, %get3A_475] {strides = array<i32>} : memref<128x64xf32, #tpu.memory_space<vmem>>, vector<16xf32>,
        %mul3A_477 = arith.mulf %get3A_476, %gather3A_466 : vector<16xf32>
        %swap3A_478 = arith.index_cast %add3A_463 : i32 to index
        %swap3A_479 = arith.constant 16 : index
        %swap3A_480 = tpu.vector_load %arg10[%swap3A_478, %swap3A_479] {strides = array<i32>} : memref<128x64xf32, #tpu.memory_space<vmem>>, vector<16xf32>,
        tpu.vector_store %arg10[%swap3A_478, %swap3A_479], %mul3A_477 {strides = array<i32>} : memref<128x64xf32, #tpu.memory_space<vmem>>, vector<16xf32>,
        %get3A_481 = arith.index_cast %add3A_463 : i32 to index
        %get3A_482 = arith.constant 32 : index
        %get3A_483 = tpu.vector_load %arg10[%get3A_481, %get3A_482] {strides = array<i32>} : memref<128x64xf32, #tpu.memory_space<vmem>>, vector<16xf32>,
        %mul3A_484 = arith.mulf %get3A_483, %gather3A_466 : vector<16xf32>
        %swap3A_485 = arith.index_cast %add3A_463 : i32 to index
        %swap3A_486 = arith.constant 32 : index
        %swap3A_487 = tpu.vector_load %arg10[%swap3A_485, %swap3A_486] {strides = array<i32>} : memref<128x64xf32, #tpu.memory_space<vmem>>, vector<16xf32>,
        tpu.vector_store %arg10[%swap3A_485, %swap3A_486], %mul3A_484 {strides = array<i32>} : memref<128x64xf32, #tpu.memory_space<vmem>>, vector<16xf32>,
        %get3A_488 = arith.index_cast %add3A_463 : i32 to index
        %get3A_489 = arith.constant 48 : index
        %get3A_490 = tpu.vector_load %arg10[%get3A_488, %get3A_489] {strides = array<i32>} : memref<128x64xf32, #tpu.memory_space<vmem>>, vector<16xf32>,
        %mul3A_491 = arith.mulf %get3A_490, %gather3A_466 : vector<16xf32>
        %swap3A_492 = arith.index_cast %add3A_463 : i32 to index
        %swap3A_493 = arith.constant 48 : index
        %swap3A_494 = tpu.vector_load %arg10[%swap3A_492, %swap3A_493] {strides = array<i32>} : memref<128x64xf32, #tpu.memory_space<vmem>>, vector<16xf32>,
        tpu.vector_store %arg10[%swap3A_492, %swap3A_493], %mul3A_491 {strides = array<i32>} : memref<128x64xf32, #tpu.memory_space<vmem>>, vector<16xf32>,
        %mul3A_495 = arith.constant 16 : i32
        %mul3A_496 = arith.muli %scan3A_78, %mul3A_495 : i32
        %add3A_497 = arith.constant 12 : i32
        %add3A_498 = arith.addi %mul3A_496, %add3A_497 : i32
        %add3A_499 = arith.addi %mul3A_44, %add3A_498 : i32
        %broadcast_in_dim3A_500 = vector.broadcast %add3A_499 : i32 to vector<16xi32>
        %gather3A_501 = tpu.vector_load_idx %arg9[%broadcast_in_dim3A_500] : memref<20224xf32, #tpu.memory_space<vmem>>[vector<16xi32>], vector<16xf32>,
        %get3A_502 = arith.index_cast %add3A_498 : i32 to index
        %get3A_503 = arith.constant 0 : index
        %get3A_504 = tpu.vector_load %arg10[%get3A_502, %get3A_503] {strides = array<i32>} : memref<128x64xf32, #tpu.memory_space<vmem>>, vector<16xf32>,
        %mul3A_505 = arith.mulf %get3A_504, %gather3A_501 : vector<16xf32>
        %swap3A_506 = arith.index_cast %add3A_498 : i32 to index
        %swap3A_507 = arith.constant 0 : index
        %swap3A_508 = tpu.vector_load %arg10[%swap3A_506, %swap3A_507] {strides = array<i32>} : memref<128x64xf32, #tpu.memory_space<vmem>>, vector<16xf32>,
        tpu.vector_store %arg10[%swap3A_506, %swap3A_507], %mul3A_505 {strides = array<i32>} : memref<128x64xf32, #tpu.memory_space<vmem>>, vector<16xf32>,
        %get3A_509 = arith.index_cast %add3A_498 : i32 to index
        %get3A_510 = arith.constant 16 : index
        %get3A_511 = tpu.vector_load %arg10[%get3A_509, %get3A_510] {strides = array<i32>} : memref<128x64xf32, #tpu.memory_space<vmem>>, vector<16xf32>,
        %mul3A_512 = arith.mulf %get3A_511, %gather3A_501 : vector<16xf32>
        %swap3A_513 = arith.index_cast %add3A_498 : i32 to index
        %swap3A_514 = arith.constant 16 : index
        %swap3A_515 = tpu.vector_load %arg10[%swap3A_513, %swap3A_514] {strides = array<i32>} : memref<128x64xf32, #tpu.memory_space<vmem>>, vector<16xf32>,
        tpu.vector_store %arg10[%swap3A_513, %swap3A_514], %mul3A_512 {strides = array<i32>} : memref<128x64xf32, #tpu.memory_space<vmem>>, vector<16xf32>,
        %get3A_516 = arith.index_cast %add3A_498 : i32 to index
        %get3A_517 = arith.constant 32 : index
        %get3A_518 = tpu.vector_load %arg10[%get3A_516, %get3A_517] {strides = array<i32>} : memref<128x64xf32, #tpu.memory_space<vmem>>, vector<16xf32>,
        %mul3A_519 = arith.mulf %get3A_518, %gather3A_501 : vector<16xf32>
        %swap3A_520 = arith.index_cast %add3A_498 : i32 to index
        %swap3A_521 = arith.constant 32 : index
        %swap3A_522 = tpu.vector_load %arg10[%swap3A_520, %swap3A_521] {strides = array<i32>} : memref<128x64xf32, #tpu.memory_space<vmem>>, vector<16xf32>,
        tpu.vector_store %arg10[%swap3A_520, %swap3A_521], %mul3A_519 {strides = array<i32>} : memref<128x64xf32, #tpu.memory_space<vmem>>, vector<16xf32>,
        %get3A_523 = arith.index_cast %add3A_498 : i32 to index
        %get3A_524 = arith.constant 48 : index
        %get3A_525 = tpu.vector_load %arg10[%get3A_523, %get3A_524] {strides = array<i32>} : memref<128x64xf32, #tpu.memory_space<vmem>>, vector<16xf32>,
        %mul3A_526 = arith.mulf %get3A_525, %gather3A_501 : vector<16xf32>
        %swap3A_527 = arith.index_cast %add3A_498 : i32 to index
        %swap3A_528 = arith.constant 48 : index
        %swap3A_529 = tpu.vector_load %arg10[%swap3A_527, %swap3A_528] {strides = array<i32>} : memref<128x64xf32, #tpu.memory_space<vmem>>, vector<16xf32>,
        tpu.vector_store %arg10[%swap3A_527, %swap3A_528], %mul3A_526 {strides = array<i32>} : memref<128x64xf32, #tpu.memory_space<vmem>>, vector<16xf32>,
        %mul3A_530 = arith.constant 16 : i32
        %mul3A_531 = arith.muli %scan3A_78, %mul3A_530 : i32
        %add3A_532 = arith.constant 13 : i32
        %add3A_533 = arith.addi %mul3A_531, %add3A_532 : i32
        %add3A_534 = arith.addi %mul3A_44, %add3A_533 : i32
        %broadcast_in_dim3A_535 = vector.broadcast %add3A_534 : i32 to vector<16xi32>
        %gather3A_536 = tpu.vector_load_idx %arg9[%broadcast_in_dim3A_535] : memref<20224xf32, #tpu.memory_space<vmem>>[vector<16xi32>], vector<16xf32>,
        %get3A_537 = arith.index_cast %add3A_533 : i32 to index
        %get3A_538 = arith.constant 0 : index
        %get3A_539 = tpu.vector_load %arg10[%get3A_537, %get3A_538] {strides = array<i32>} : memref<128x64xf32, #tpu.memory_space<vmem>>, vector<16xf32>,
        %mul3A_540 = arith.mulf %get3A_539, %gather3A_536 : vector<16xf32>
        %swap3A_541 = arith.index_cast %add3A_533 : i32 to index
        %swap3A_542 = arith.constant 0 : index
        %swap3A_543 = tpu.vector_load %arg10[%swap3A_541, %swap3A_542] {strides = array<i32>} : memref<128x64xf32, #tpu.memory_space<vmem>>, vector<16xf32>,
        tpu.vector_store %arg10[%swap3A_541, %swap3A_542], %mul3A_540 {strides = array<i32>} : memref<128x64xf32, #tpu.memory_space<vmem>>, vector<16xf32>,
        %get3A_544 = arith.index_cast %add3A_533 : i32 to index
        %get3A_545 = arith.constant 16 : index
        %get3A_546 = tpu.vector_load %arg10[%get3A_544, %get3A_545] {strides = array<i32>} : memref<128x64xf32, #tpu.memory_space<vmem>>, vector<16xf32>,
        %mul3A_547 = arith.mulf %get3A_546, %gather3A_536 : vector<16xf32>
        %swap3A_548 = arith.index_cast %add3A_533 : i32 to index
        %swap3A_549 = arith.constant 16 : index
        %swap3A_550 = tpu.vector_load %arg10[%swap3A_548, %swap3A_549] {strides = array<i32>} : memref<128x64xf32, #tpu.memory_space<vmem>>, vector<16xf32>,
        tpu.vector_store %arg10[%swap3A_548, %swap3A_549], %mul3A_547 {strides = array<i32>} : memref<128x64xf32, #tpu.memory_space<vmem>>, vector<16xf32>,
        %get3A_551 = arith.index_cast %add3A_533 : i32 to index
        %get3A_552 = arith.constant 32 : index
        %get3A_553 = tpu.vector_load %arg10[%get3A_551, %get3A_552] {strides = array<i32>} : memref<128x64xf32, #tpu.memory_space<vmem>>, vector<16xf32>,
        %mul3A_554 = arith.mulf %get3A_553, %gather3A_536 : vector<16xf32>
        %swap3A_555 = arith.index_cast %add3A_533 : i32 to index
        %swap3A_556 = arith.constant 32 : index
        %swap3A_557 = tpu.vector_load %arg10[%swap3A_555, %swap3A_556] {strides = array<i32>} : memref<128x64xf32, #tpu.memory_space<vmem>>, vector<16xf32>,
        tpu.vector_store %arg10[%swap3A_555, %swap3A_556], %mul3A_554 {strides = array<i32>} : memref<128x64xf32, #tpu.memory_space<vmem>>, vector<16xf32>,
        %get3A_558 = arith.index_cast %add3A_533 : i32 to index
        %get3A_559 = arith.constant 48 : index
        %get3A_560 = tpu.vector_load %arg10[%get3A_558, %get3A_559] {strides = array<i32>} : memref<128x64xf32, #tpu.memory_space<vmem>>, vector<16xf32>,
        %mul3A_561 = arith.mulf %get3A_560, %gather3A_536 : vector<16xf32>
        %swap3A_562 = arith.index_cast %add3A_533 : i32 to index
        %swap3A_563 = arith.constant 48 : index
        %swap3A_564 = tpu.vector_load %arg10[%swap3A_562, %swap3A_563] {strides = array<i32>} : memref<128x64xf32, #tpu.memory_space<vmem>>, vector<16xf32>,
        tpu.vector_store %arg10[%swap3A_562, %swap3A_563], %mul3A_561 {strides = array<i32>} : memref<128x64xf32, #tpu.memory_space<vmem>>, vector<16xf32>,
        %mul3A_565 = arith.constant 16 : i32
        %mul3A_566 = arith.muli %scan3A_78, %mul3A_565 : i32
        %add3A_567 = arith.constant 14 : i32
        %add3A_568 = arith.addi %mul3A_566, %add3A_567 : i32
        %add3A_569 = arith.addi %mul3A_44, %add3A_568 : i32
        %broadcast_in_dim3A_570 = vector.broadcast %add3A_569 : i32 to vector<16xi32>
        %gather3A_571 = tpu.vector_load_idx %arg9[%broadcast_in_dim3A_570] : memref<20224xf32, #tpu.memory_space<vmem>>[vector<16xi32>], vector<16xf32>,
        %get3A_572 = arith.index_cast %add3A_568 : i32 to index
        %get3A_573 = arith.constant 0 : index
        %get3A_574 = tpu.vector_load %arg10[%get3A_572, %get3A_573] {strides = array<i32>} : memref<128x64xf32, #tpu.memory_space<vmem>>, vector<16xf32>,
        %mul3A_575 = arith.mulf %get3A_574, %gather3A_571 : vector<16xf32>
        %swap3A_576 = arith.index_cast %add3A_568 : i32 to index
        %swap3A_577 = arith.constant 0 : index
        %swap3A_578 = tpu.vector_load %arg10[%swap3A_576, %swap3A_577] {strides = array<i32>} : memref<128x64xf32, #tpu.memory_space<vmem>>, vector<16xf32>,
        tpu.vector_store %arg10[%swap3A_576, %swap3A_577], %mul3A_575 {strides = array<i32>} : memref<128x64xf32, #tpu.memory_space<vmem>>, vector<16xf32>,
        %get3A_579 = arith.index_cast %add3A_568 : i32 to index
        %get3A_580 = arith.constant 16 : index
        %get3A_581 = tpu.vector_load %arg10[%get3A_579, %get3A_580] {strides = array<i32>} : memref<128x64xf32, #tpu.memory_space<vmem>>, vector<16xf32>,
        %mul3A_582 = arith.mulf %get3A_581, %gather3A_571 : vector<16xf32>
        %swap3A_583 = arith.index_cast %add3A_568 : i32 to index
        %swap3A_584 = arith.constant 16 : index
        %swap3A_585 = tpu.vector_load %arg10[%swap3A_583, %swap3A_584] {strides = array<i32>} : memref<128x64xf32, #tpu.memory_space<vmem>>, vector<16xf32>,
        tpu.vector_store %arg10[%swap3A_583, %swap3A_584], %mul3A_582 {strides = array<i32>} : memref<128x64xf32, #tpu.memory_space<vmem>>, vector<16xf32>,
        %get3A_586 = arith.index_cast %add3A_568 : i32 to index
        %get3A_587 = arith.constant 32 : index
        %get3A_588 = tpu.vector_load %arg10[%get3A_586, %get3A_587] {strides = array<i32>} : memref<128x64xf32, #tpu.memory_space<vmem>>, vector<16xf32>,
        %mul3A_589 = arith.mulf %get3A_588, %gather3A_571 : vector<16xf32>
        %swap3A_590 = arith.index_cast %add3A_568 : i32 to index
        %swap3A_591 = arith.constant 32 : index
        %swap3A_592 = tpu.vector_load %arg10[%swap3A_590, %swap3A_591] {strides = array<i32>} : memref<128x64xf32, #tpu.memory_space<vmem>>, vector<16xf32>,
        tpu.vector_store %arg10[%swap3A_590, %swap3A_591], %mul3A_589 {strides = array<i32>} : memref<128x64xf32, #tpu.memory_space<vmem>>, vector<16xf32>,
        %get3A_593 = arith.index_cast %add3A_568 : i32 to index
        %get3A_594 = arith.constant 48 : index
        %get3A_595 = tpu.vector_load %arg10[%get3A_593, %get3A_594] {strides = array<i32>} : memref<128x64xf32, #tpu.memory_space<vmem>>, vector<16xf32>,
        %mul3A_596 = arith.mulf %get3A_595, %gather3A_571 : vector<16xf32>
        %swap3A_597 = arith.index_cast %add3A_568 : i32 to index
        %swap3A_598 = arith.constant 48 : index
        %swap3A_599 = tpu.vector_load %arg10[%swap3A_597, %swap3A_598] {strides = array<i32>} : memref<128x64xf32, #tpu.memory_space<vmem>>, vector<16xf32>,
        tpu.vector_store %arg10[%swap3A_597, %swap3A_598], %mul3A_596 {strides = array<i32>} : memref<128x64xf32, #tpu.memory_space<vmem>>, vector<16xf32>,
        %mul3A_600 = arith.constant 16 : i32
        %mul3A_601 = arith.muli %scan3A_78, %mul3A_600 : i32
        %add3A_602 = arith.constant 15 : i32
        %add3A_603 = arith.addi %mul3A_601, %add3A_602 : i32
        %add3A_604 = arith.addi %mul3A_44, %add3A_603 : i32
        %broadcast_in_dim3A_605 = vector.broadcast %add3A_604 : i32 to vector<16xi32>
        %gather3A_606 = tpu.vector_load_idx %arg9[%broadcast_in_dim3A_605] : memref<20224xf32, #tpu.memory_space<vmem>>[vector<16xi32>], vector<16xf32>,
        %get3A_607 = arith.index_cast %add3A_603 : i32 to index
        %get3A_608 = arith.constant 0 : index
        %get3A_609 = tpu.vector_load %arg10[%get3A_607, %get3A_608] {strides = array<i32>} : memref<128x64xf32, #tpu.memory_space<vmem>>, vector<16xf32>,
        %mul3A_610 = arith.mulf %get3A_609, %gather3A_606 : vector<16xf32>
        %swap3A_611 = arith.index_cast %add3A_603 : i32 to index
        %swap3A_612 = arith.constant 0 : index
        %swap3A_613 = tpu.vector_load %arg10[%swap3A_611, %swap3A_612] {strides = array<i32>} : memref<128x64xf32, #tpu.memory_space<vmem>>, vector<16xf32>,
        tpu.vector_store %arg10[%swap3A_611, %swap3A_612], %mul3A_610 {strides = array<i32>} : memref<128x64xf32, #tpu.memory_space<vmem>>, vector<16xf32>,
        %get3A_614 = arith.index_cast %add3A_603 : i32 to index
        %get3A_615 = arith.constant 16 : index
        %get3A_616 = tpu.vector_load %arg10[%get3A_614, %get3A_615] {strides = array<i32>} : memref<128x64xf32, #tpu.memory_space<vmem>>, vector<16xf32>,
        %mul3A_617 = arith.mulf %get3A_616, %gather3A_606 : vector<16xf32>
        %swap3A_618 = arith.index_cast %add3A_603 : i32 to index
        %swap3A_619 = arith.constant 16 : index
        %swap3A_620 = tpu.vector_load %arg10[%swap3A_618, %swap3A_619] {strides = array<i32>} : memref<128x64xf32, #tpu.memory_space<vmem>>, vector<16xf32>,
        tpu.vector_store %arg10[%swap3A_618, %swap3A_619], %mul3A_617 {strides = array<i32>} : memref<128x64xf32, #tpu.memory_space<vmem>>, vector<16xf32>,
        %get3A_621 = arith.index_cast %add3A_603 : i32 to index
        %get3A_622 = arith.constant 32 : index
        %get3A_623 = tpu.vector_load %arg10[%get3A_621, %get3A_622] {strides = array<i32>} : memref<128x64xf32, #tpu.memory_space<vmem>>, vector<16xf32>,
        %mul3A_624 = arith.mulf %get3A_623, %gather3A_606 : vector<16xf32>
        %swap3A_625 = arith.index_cast %add3A_603 : i32 to index
        %swap3A_626 = arith.constant 32 : index
        %swap3A_627 = tpu.vector_load %arg10[%swap3A_625, %swap3A_626] {strides = array<i32>} : memref<128x64xf32, #tpu.memory_space<vmem>>, vector<16xf32>,
        tpu.vector_store %arg10[%swap3A_625, %swap3A_626], %mul3A_624 {strides = array<i32>} : memref<128x64xf32, #tpu.memory_space<vmem>>, vector<16xf32>,
        %get3A_628 = arith.index_cast %add3A_603 : i32 to index
        %get3A_629 = arith.constant 48 : index
        %get3A_630 = tpu.vector_load %arg10[%get3A_628, %get3A_629] {strides = array<i32>} : memref<128x64xf32, #tpu.memory_space<vmem>>, vector<16xf32>,
        %mul3A_631 = arith.mulf %get3A_630, %gather3A_606 : vector<16xf32>
        %swap3A_632 = arith.index_cast %add3A_603 : i32 to index
        %swap3A_633 = arith.constant 48 : index
        %swap3A_634 = tpu.vector_load %arg10[%swap3A_632, %swap3A_633] {strides = array<i32>} : memref<128x64xf32, #tpu.memory_space<vmem>>, vector<16xf32>,
        tpu.vector_store %arg10[%swap3A_632, %swap3A_633], %mul3A_631 {strides = array<i32>} : memref<128x64xf32, #tpu.memory_space<vmem>>, vector<16xf32>,
      }
      %scan3A_50 = arith.constant 8 : i32
      "tpu.region"() ({
        %run_scoped3A = tpu.sem_alloc : memref<!tpu.dma_semaphore, #tpu.memory_space<semaphore_mem>>
        %dma_start3A_78 = arith.constant 0 : i32
        %dma_start3A_79 = tpu.memref_slice %arg8[%add3A_37, %dma_start3A_78] : memref<158x128xi32, #tpu.memory_space<vmem>> -> memref<1x128xi32, #tpu.memory_space<vmem>>
        %dma_start3A_80 = tpu.memref_squeeze %dma_start3A_79 : memref<1x128xi32, #tpu.memory_space<vmem>> -> memref<128xi32, #tpu.memory_space<vmem>>
        %dma_start3A_81 = arith.constant 0 : i32
        %dma_start3A_82 = arith.constant 0 : i32
        %dma_start3A_83 = tpu.memref_slice %arg12[%dma_start3A_81, %dma_start3A_82] : memref<10000x64xf32, #tpu.memory_space<vmem_shared>> -> memref<10000x64xf32, #tpu.memory_space<vmem_shared>>
        tpu.enqueue_indirect_dma source(%arg10 : memref<128x64xf32, #tpu.memory_space<vmem>>) target(%dma_start3A_83 : memref<10000x64xf32, #tpu.memory_space<vmem_shared>>) offsets(%dma_start3A_80 : memref<128xi32, #tpu.memory_space<vmem>>) semaphore(%run_scoped3A : memref<!tpu.dma_semaphore, #tpu.memory_space<semaphore_mem>>) {add = true}
        %dma_wait3A_84 = arith.constant 0 : i32
        %dma_wait3A_85 = tpu.memref_slice %arg8[%add3A_37, %dma_wait3A_84] : memref<158x128xi32, #tpu.memory_space<vmem>> -> memref<1x128xi32, #tpu.memory_space<vmem>>
        %dma_wait3A_86 = tpu.memref_squeeze %dma_wait3A_85 : memref<1x128xi32, #tpu.memory_space<vmem>> -> memref<128xi32, #tpu.memory_space<vmem>>
        %dma_wait3A_87 = arith.constant 0 : i32
        %dma_wait3A_88 = arith.constant 0 : i32
        %dma_wait3A_89 = tpu.memref_slice %arg12[%dma_wait3A_87, %dma_wait3A_88] : memref<10000x64xf32, #tpu.memory_space<vmem_shared>> -> memref<10000x64xf32, #tpu.memory_space<vmem_shared>>
        tpu.wait_indirect_dma semaphore(%run_scoped3A : memref<!tpu.dma_semaphore, #tpu.memory_space<semaphore_mem>>) src(%arg10 : memref<128x64xf32, #tpu.memory_space<vmem>>) dst(%dma_wait3A_89 : memref<10000x64xf32, #tpu.memory_space<vmem_shared>>)
        tpu.yield
      }) : () -> ()
      %add3A_51 = arith.constant 2 : i32
      %add3A_52 = arith.addi %add3A_37, %add3A_51 : i32
      %lt3A = arith.constant 158 : i32
      %lt3A_53 = arith.cmpi slt, %add3A_52, %lt3A : i32
      %convert_element_type3A = arith.extui %lt3A_53 : i1 to i32
      %cond3A = arith.constant 0 : i32
      %cond3A_54 = arith.cmpi ne, %convert_element_type3A, %cond3A : i32
      scf.if %cond3A_54 {
        %add3A_78 = arith.constant 2 : i32
        %add3A_79 = arith.addi %add3A_37, %add3A_78 : i32
        %dma_start3A_80 = arith.constant 0 : i32
        %dma_start3A_81 = tpu.memref_slice %arg7[%add3A_79, %dma_start3A_80] : memref<158x128xi32, #tpu.memory_space<vmem>> -> memref<1x128xi32, #tpu.memory_space<vmem>>
        %dma_start3A_82 = tpu.memref_squeeze %dma_start3A_81 : memref<1x128xi32, #tpu.memory_space<vmem>> -> memref<128xi32, #tpu.memory_space<vmem>>
        %dma_start3A_83 = arith.constant 0 : i32
        %dma_start3A_84 = arith.constant 0 : i32
        %dma_start3A_85 = tpu.memref_slice %arg2[%dma_start3A_83, %dma_start3A_84] : memref<20000x64xf32, #tpu.memory_space<hbm>> -> memref<20000x64xf32, #tpu.memory_space<hbm>>
        tpu.enqueue_indirect_dma source(%dma_start3A_85 : memref<20000x64xf32, #tpu.memory_space<hbm>>) target(%arg10 : memref<128x64xf32, #tpu.memory_space<vmem>>) offsets(%dma_start3A_82 : memref<128xi32, #tpu.memory_space<vmem>>) semaphore(%arg13 : memref<!tpu.dma_semaphore, #tpu.memory_space<semaphore_mem>>)
      } else {
      }
      %add3A_55 = arith.constant 1 : i32
      %add3A_56 = arith.addi %mul3A_35, %add3A_55 : i32
      %dma_wait3A_57 = arith.constant 0 : i32
      %dma_wait3A_58 = tpu.memref_slice %arg7[%add3A_56, %dma_wait3A_57] : memref<158x128xi32, #tpu.memory_space<vmem>> -> memref<1x128xi32, #tpu.memory_space<vmem>>
      %dma_wait3A_59 = tpu.memref_squeeze %dma_wait3A_58 : memref<1x128xi32, #tpu.memory_space<vmem>> -> memref<128xi32, #tpu.memory_space<vmem>>
      %dma_wait3A_60 = arith.constant 0 : i32
      %dma_wait3A_61 = arith.constant 0 : i32
      %dma_wait3A_62 = tpu.memref_slice %arg2[%dma_wait3A_60, %dma_wait3A_61] : memref<20000x64xf32, #tpu.memory_space<hbm>> -> memref<20000x64xf32, #tpu.memory_space<hbm>>
      tpu.wait_indirect_dma semaphore(%arg14 : memref<!tpu.dma_semaphore, #tpu.memory_space<semaphore_mem>>) src(%dma_wait3A_62 : memref<20000x64xf32, #tpu.memory_space<hbm>>) dst(%arg11 : memref<128x64xf32, #tpu.memory_space<vmem>>)
      %mul3A_63 = arith.constant 128 : i32
      %mul3A_64 = arith.muli %add3A_56, %mul3A_63 : i32
      %scan3A_65 = arith.constant 0 : i32
      %scan3A_66 = arith.constant 0 : i32
      %scan3A_67 = arith.constant 8 : i32
      %scan3A_68 = arith.addi %scan3A_66, %scan3A_67 : i32
      %scan3A_69 = arith.constant 1 : i32
      scf.for %scan3A_78 = %scan3A_66 to %scan3A_68 step %scan3A_69  : i32 {
        %mul3A_79 = arith.constant 16 : i32
        %mul3A_80 = arith.muli %scan3A_78, %mul3A_79 : i32
        %add3A_81 = arith.constant 0 : i32
        %add3A_82 = arith.addi %mul3A_80, %add3A_81 : i32
        %add3A_83 = arith.addi %mul3A_64, %add3A_82 : i32
        %broadcast_in_dim3A = vector.broadcast %add3A_83 : i32 to vector<16xi32>
        %gather3A = tpu.vector_load_idx %arg9[%broadcast_in_dim3A] : memref<20224xf32, #tpu.memory_space<vmem>>[vector<16xi32>], vector<16xf32>,
        %get3A = arith.index_cast %add3A_82 : i32 to index
        %get3A_84 = arith.constant 0 : index
        %get3A_85 = tpu.vector_load %arg11[%get3A, %get3A_84] {strides = array<i32>} : memref<128x64xf32, #tpu.memory_space<vmem>>, vector<16xf32>,
        %mul3A_86 = arith.mulf %get3A_85, %gather3A : vector<16xf32>
        %swap3A = arith.index_cast %add3A_82 : i32 to index
        %swap3A_87 = arith.constant 0 : index
        %swap3A_88 = tpu.vector_load %arg11[%swap3A, %swap3A_87] {strides = array<i32>} : memref<128x64xf32, #tpu.memory_space<vmem>>, vector<16xf32>,
        tpu.vector_store %arg11[%swap3A, %swap3A_87], %mul3A_86 {strides = array<i32>} : memref<128x64xf32, #tpu.memory_space<vmem>>, vector<16xf32>,
        %get3A_89 = arith.index_cast %add3A_82 : i32 to index
        %get3A_90 = arith.constant 16 : index
        %get3A_91 = tpu.vector_load %arg11[%get3A_89, %get3A_90] {strides = array<i32>} : memref<128x64xf32, #tpu.memory_space<vmem>>, vector<16xf32>,
        %mul3A_92 = arith.mulf %get3A_91, %gather3A : vector<16xf32>
        %swap3A_93 = arith.index_cast %add3A_82 : i32 to index
        %swap3A_94 = arith.constant 16 : index
        %swap3A_95 = tpu.vector_load %arg11[%swap3A_93, %swap3A_94] {strides = array<i32>} : memref<128x64xf32, #tpu.memory_space<vmem>>, vector<16xf32>,
        tpu.vector_store %arg11[%swap3A_93, %swap3A_94], %mul3A_92 {strides = array<i32>} : memref<128x64xf32, #tpu.memory_space<vmem>>, vector<16xf32>,
        %get3A_96 = arith.index_cast %add3A_82 : i32 to index
        %get3A_97 = arith.constant 32 : index
        %get3A_98 = tpu.vector_load %arg11[%get3A_96, %get3A_97] {strides = array<i32>} : memref<128x64xf32, #tpu.memory_space<vmem>>, vector<16xf32>,
        %mul3A_99 = arith.mulf %get3A_98, %gather3A : vector<16xf32>
        %swap3A_100 = arith.index_cast %add3A_82 : i32 to index
        %swap3A_101 = arith.constant 32 : index
        %swap3A_102 = tpu.vector_load %arg11[%swap3A_100, %swap3A_101] {strides = array<i32>} : memref<128x64xf32, #tpu.memory_space<vmem>>, vector<16xf32>,
        tpu.vector_store %arg11[%swap3A_100, %swap3A_101], %mul3A_99 {strides = array<i32>} : memref<128x64xf32, #tpu.memory_space<vmem>>, vector<16xf32>,
        %get3A_103 = arith.index_cast %add3A_82 : i32 to index
        %get3A_104 = arith.constant 48 : index
        %get3A_105 = tpu.vector_load %arg11[%get3A_103, %get3A_104] {strides = array<i32>} : memref<128x64xf32, #tpu.memory_space<vmem>>, vector<16xf32>,
        %mul3A_106 = arith.mulf %get3A_105, %gather3A : vector<16xf32>
        %swap3A_107 = arith.index_cast %add3A_82 : i32 to index
        %swap3A_108 = arith.constant 48 : index
        %swap3A_109 = tpu.vector_load %arg11[%swap3A_107, %swap3A_108] {strides = array<i32>} : memref<128x64xf32, #tpu.memory_space<vmem>>, vector<16xf32>,
        tpu.vector_store %arg11[%swap3A_107, %swap3A_108], %mul3A_106 {strides = array<i32>} : memref<128x64xf32, #tpu.memory_space<vmem>>, vector<16xf32>,
        %mul3A_110 = arith.constant 16 : i32
        %mul3A_111 = arith.muli %scan3A_78, %mul3A_110 : i32
        %add3A_112 = arith.constant 1 : i32
        %add3A_113 = arith.addi %mul3A_111, %add3A_112 : i32
        %add3A_114 = arith.addi %mul3A_64, %add3A_113 : i32
        %broadcast_in_dim3A_115 = vector.broadcast %add3A_114 : i32 to vector<16xi32>
        %gather3A_116 = tpu.vector_load_idx %arg9[%broadcast_in_dim3A_115] : memref<20224xf32, #tpu.memory_space<vmem>>[vector<16xi32>], vector<16xf32>,
        %get3A_117 = arith.index_cast %add3A_113 : i32 to index
        %get3A_118 = arith.constant 0 : index
        %get3A_119 = tpu.vector_load %arg11[%get3A_117, %get3A_118] {strides = array<i32>} : memref<128x64xf32, #tpu.memory_space<vmem>>, vector<16xf32>,
        %mul3A_120 = arith.mulf %get3A_119, %gather3A_116 : vector<16xf32>
        %swap3A_121 = arith.index_cast %add3A_113 : i32 to index
        %swap3A_122 = arith.constant 0 : index
        %swap3A_123 = tpu.vector_load %arg11[%swap3A_121, %swap3A_122] {strides = array<i32>} : memref<128x64xf32, #tpu.memory_space<vmem>>, vector<16xf32>,
        tpu.vector_store %arg11[%swap3A_121, %swap3A_122], %mul3A_120 {strides = array<i32>} : memref<128x64xf32, #tpu.memory_space<vmem>>, vector<16xf32>,
        %get3A_124 = arith.index_cast %add3A_113 : i32 to index
        %get3A_125 = arith.constant 16 : index
        %get3A_126 = tpu.vector_load %arg11[%get3A_124, %get3A_125] {strides = array<i32>} : memref<128x64xf32, #tpu.memory_space<vmem>>, vector<16xf32>,
        %mul3A_127 = arith.mulf %get3A_126, %gather3A_116 : vector<16xf32>
        %swap3A_128 = arith.index_cast %add3A_113 : i32 to index
        %swap3A_129 = arith.constant 16 : index
        %swap3A_130 = tpu.vector_load %arg11[%swap3A_128, %swap3A_129] {strides = array<i32>} : memref<128x64xf32, #tpu.memory_space<vmem>>, vector<16xf32>,
        tpu.vector_store %arg11[%swap3A_128, %swap3A_129], %mul3A_127 {strides = array<i32>} : memref<128x64xf32, #tpu.memory_space<vmem>>, vector<16xf32>,
        %get3A_131 = arith.index_cast %add3A_113 : i32 to index
        %get3A_132 = arith.constant 32 : index
        %get3A_133 = tpu.vector_load %arg11[%get3A_131, %get3A_132] {strides = array<i32>} : memref<128x64xf32, #tpu.memory_space<vmem>>, vector<16xf32>,
        %mul3A_134 = arith.mulf %get3A_133, %gather3A_116 : vector<16xf32>
        %swap3A_135 = arith.index_cast %add3A_113 : i32 to index
        %swap3A_136 = arith.constant 32 : index
        %swap3A_137 = tpu.vector_load %arg11[%swap3A_135, %swap3A_136] {strides = array<i32>} : memref<128x64xf32, #tpu.memory_space<vmem>>, vector<16xf32>,
        tpu.vector_store %arg11[%swap3A_135, %swap3A_136], %mul3A_134 {strides = array<i32>} : memref<128x64xf32, #tpu.memory_space<vmem>>, vector<16xf32>,
        %get3A_138 = arith.index_cast %add3A_113 : i32 to index
        %get3A_139 = arith.constant 48 : index
        %get3A_140 = tpu.vector_load %arg11[%get3A_138, %get3A_139] {strides = array<i32>} : memref<128x64xf32, #tpu.memory_space<vmem>>, vector<16xf32>,
        %mul3A_141 = arith.mulf %get3A_140, %gather3A_116 : vector<16xf32>
        %swap3A_142 = arith.index_cast %add3A_113 : i32 to index
        %swap3A_143 = arith.constant 48 : index
        %swap3A_144 = tpu.vector_load %arg11[%swap3A_142, %swap3A_143] {strides = array<i32>} : memref<128x64xf32, #tpu.memory_space<vmem>>, vector<16xf32>,
        tpu.vector_store %arg11[%swap3A_142, %swap3A_143], %mul3A_141 {strides = array<i32>} : memref<128x64xf32, #tpu.memory_space<vmem>>, vector<16xf32>,
        %mul3A_145 = arith.constant 16 : i32
        %mul3A_146 = arith.muli %scan3A_78, %mul3A_145 : i32
        %add3A_147 = arith.constant 2 : i32
        %add3A_148 = arith.addi %mul3A_146, %add3A_147 : i32
        %add3A_149 = arith.addi %mul3A_64, %add3A_148 : i32
        %broadcast_in_dim3A_150 = vector.broadcast %add3A_149 : i32 to vector<16xi32>
        %gather3A_151 = tpu.vector_load_idx %arg9[%broadcast_in_dim3A_150] : memref<20224xf32, #tpu.memory_space<vmem>>[vector<16xi32>], vector<16xf32>,
        %get3A_152 = arith.index_cast %add3A_148 : i32 to index
        %get3A_153 = arith.constant 0 : index
        %get3A_154 = tpu.vector_load %arg11[%get3A_152, %get3A_153] {strides = array<i32>} : memref<128x64xf32, #tpu.memory_space<vmem>>, vector<16xf32>,
        %mul3A_155 = arith.mulf %get3A_154, %gather3A_151 : vector<16xf32>
        %swap3A_156 = arith.index_cast %add3A_148 : i32 to index
        %swap3A_157 = arith.constant 0 : index
        %swap3A_158 = tpu.vector_load %arg11[%swap3A_156, %swap3A_157] {strides = array<i32>} : memref<128x64xf32, #tpu.memory_space<vmem>>, vector<16xf32>,
        tpu.vector_store %arg11[%swap3A_156, %swap3A_157], %mul3A_155 {strides = array<i32>} : memref<128x64xf32, #tpu.memory_space<vmem>>, vector<16xf32>,
        %get3A_159 = arith.index_cast %add3A_148 : i32 to index
        %get3A_160 = arith.constant 16 : index
        %get3A_161 = tpu.vector_load %arg11[%get3A_159, %get3A_160] {strides = array<i32>} : memref<128x64xf32, #tpu.memory_space<vmem>>, vector<16xf32>,
        %mul3A_162 = arith.mulf %get3A_161, %gather3A_151 : vector<16xf32>
        %swap3A_163 = arith.index_cast %add3A_148 : i32 to index
        %swap3A_164 = arith.constant 16 : index
        %swap3A_165 = tpu.vector_load %arg11[%swap3A_163, %swap3A_164] {strides = array<i32>} : memref<128x64xf32, #tpu.memory_space<vmem>>, vector<16xf32>,
        tpu.vector_store %arg11[%swap3A_163, %swap3A_164], %mul3A_162 {strides = array<i32>} : memref<128x64xf32, #tpu.memory_space<vmem>>, vector<16xf32>,
        %get3A_166 = arith.index_cast %add3A_148 : i32 to index
        %get3A_167 = arith.constant 32 : index
        %get3A_168 = tpu.vector_load %arg11[%get3A_166, %get3A_167] {strides = array<i32>} : memref<128x64xf32, #tpu.memory_space<vmem>>, vector<16xf32>,
        %mul3A_169 = arith.mulf %get3A_168, %gather3A_151 : vector<16xf32>
        %swap3A_170 = arith.index_cast %add3A_148 : i32 to index
        %swap3A_171 = arith.constant 32 : index
        %swap3A_172 = tpu.vector_load %arg11[%swap3A_170, %swap3A_171] {strides = array<i32>} : memref<128x64xf32, #tpu.memory_space<vmem>>, vector<16xf32>,
        tpu.vector_store %arg11[%swap3A_170, %swap3A_171], %mul3A_169 {strides = array<i32>} : memref<128x64xf32, #tpu.memory_space<vmem>>, vector<16xf32>,
        %get3A_173 = arith.index_cast %add3A_148 : i32 to index
        %get3A_174 = arith.constant 48 : index
        %get3A_175 = tpu.vector_load %arg11[%get3A_173, %get3A_174] {strides = array<i32>} : memref<128x64xf32, #tpu.memory_space<vmem>>, vector<16xf32>,
        %mul3A_176 = arith.mulf %get3A_175, %gather3A_151 : vector<16xf32>
        %swap3A_177 = arith.index_cast %add3A_148 : i32 to index
        %swap3A_178 = arith.constant 48 : index
        %swap3A_179 = tpu.vector_load %arg11[%swap3A_177, %swap3A_178] {strides = array<i32>} : memref<128x64xf32, #tpu.memory_space<vmem>>, vector<16xf32>,
        tpu.vector_store %arg11[%swap3A_177, %swap3A_178], %mul3A_176 {strides = array<i32>} : memref<128x64xf32, #tpu.memory_space<vmem>>, vector<16xf32>,
        %mul3A_180 = arith.constant 16 : i32
        %mul3A_181 = arith.muli %scan3A_78, %mul3A_180 : i32
        %add3A_182 = arith.constant 3 : i32
        %add3A_183 = arith.addi %mul3A_181, %add3A_182 : i32
        %add3A_184 = arith.addi %mul3A_64, %add3A_183 : i32
        %broadcast_in_dim3A_185 = vector.broadcast %add3A_184 : i32 to vector<16xi32>
        %gather3A_186 = tpu.vector_load_idx %arg9[%broadcast_in_dim3A_185] : memref<20224xf32, #tpu.memory_space<vmem>>[vector<16xi32>], vector<16xf32>,
        %get3A_187 = arith.index_cast %add3A_183 : i32 to index
        %get3A_188 = arith.constant 0 : index
        %get3A_189 = tpu.vector_load %arg11[%get3A_187, %get3A_188] {strides = array<i32>} : memref<128x64xf32, #tpu.memory_space<vmem>>, vector<16xf32>,
        %mul3A_190 = arith.mulf %get3A_189, %gather3A_186 : vector<16xf32>
        %swap3A_191 = arith.index_cast %add3A_183 : i32 to index
        %swap3A_192 = arith.constant 0 : index
        %swap3A_193 = tpu.vector_load %arg11[%swap3A_191, %swap3A_192] {strides = array<i32>} : memref<128x64xf32, #tpu.memory_space<vmem>>, vector<16xf32>,
        tpu.vector_store %arg11[%swap3A_191, %swap3A_192], %mul3A_190 {strides = array<i32>} : memref<128x64xf32, #tpu.memory_space<vmem>>, vector<16xf32>,
        %get3A_194 = arith.index_cast %add3A_183 : i32 to index
        %get3A_195 = arith.constant 16 : index
        %get3A_196 = tpu.vector_load %arg11[%get3A_194, %get3A_195] {strides = array<i32>} : memref<128x64xf32, #tpu.memory_space<vmem>>, vector<16xf32>,
        %mul3A_197 = arith.mulf %get3A_196, %gather3A_186 : vector<16xf32>
        %swap3A_198 = arith.index_cast %add3A_183 : i32 to index
        %swap3A_199 = arith.constant 16 : index
        %swap3A_200 = tpu.vector_load %arg11[%swap3A_198, %swap3A_199] {strides = array<i32>} : memref<128x64xf32, #tpu.memory_space<vmem>>, vector<16xf32>,
        tpu.vector_store %arg11[%swap3A_198, %swap3A_199], %mul3A_197 {strides = array<i32>} : memref<128x64xf32, #tpu.memory_space<vmem>>, vector<16xf32>,
        %get3A_201 = arith.index_cast %add3A_183 : i32 to index
        %get3A_202 = arith.constant 32 : index
        %get3A_203 = tpu.vector_load %arg11[%get3A_201, %get3A_202] {strides = array<i32>} : memref<128x64xf32, #tpu.memory_space<vmem>>, vector<16xf32>,
        %mul3A_204 = arith.mulf %get3A_203, %gather3A_186 : vector<16xf32>
        %swap3A_205 = arith.index_cast %add3A_183 : i32 to index
        %swap3A_206 = arith.constant 32 : index
        %swap3A_207 = tpu.vector_load %arg11[%swap3A_205, %swap3A_206] {strides = array<i32>} : memref<128x64xf32, #tpu.memory_space<vmem>>, vector<16xf32>,
        tpu.vector_store %arg11[%swap3A_205, %swap3A_206], %mul3A_204 {strides = array<i32>} : memref<128x64xf32, #tpu.memory_space<vmem>>, vector<16xf32>,
        %get3A_208 = arith.index_cast %add3A_183 : i32 to index
        %get3A_209 = arith.constant 48 : index
        %get3A_210 = tpu.vector_load %arg11[%get3A_208, %get3A_209] {strides = array<i32>} : memref<128x64xf32, #tpu.memory_space<vmem>>, vector<16xf32>,
        %mul3A_211 = arith.mulf %get3A_210, %gather3A_186 : vector<16xf32>
        %swap3A_212 = arith.index_cast %add3A_183 : i32 to index
        %swap3A_213 = arith.constant 48 : index
        %swap3A_214 = tpu.vector_load %arg11[%swap3A_212, %swap3A_213] {strides = array<i32>} : memref<128x64xf32, #tpu.memory_space<vmem>>, vector<16xf32>,
        tpu.vector_store %arg11[%swap3A_212, %swap3A_213], %mul3A_211 {strides = array<i32>} : memref<128x64xf32, #tpu.memory_space<vmem>>, vector<16xf32>,
        %mul3A_215 = arith.constant 16 : i32
        %mul3A_216 = arith.muli %scan3A_78, %mul3A_215 : i32
        %add3A_217 = arith.constant 4 : i32
        %add3A_218 = arith.addi %mul3A_216, %add3A_217 : i32
        %add3A_219 = arith.addi %mul3A_64, %add3A_218 : i32
        %broadcast_in_dim3A_220 = vector.broadcast %add3A_219 : i32 to vector<16xi32>
        %gather3A_221 = tpu.vector_load_idx %arg9[%broadcast_in_dim3A_220] : memref<20224xf32, #tpu.memory_space<vmem>>[vector<16xi32>], vector<16xf32>,
        %get3A_222 = arith.index_cast %add3A_218 : i32 to index
        %get3A_223 = arith.constant 0 : index
        %get3A_224 = tpu.vector_load %arg11[%get3A_222, %get3A_223] {strides = array<i32>} : memref<128x64xf32, #tpu.memory_space<vmem>>, vector<16xf32>,
        %mul3A_225 = arith.mulf %get3A_224, %gather3A_221 : vector<16xf32>
        %swap3A_226 = arith.index_cast %add3A_218 : i32 to index
        %swap3A_227 = arith.constant 0 : index
        %swap3A_228 = tpu.vector_load %arg11[%swap3A_226, %swap3A_227] {strides = array<i32>} : memref<128x64xf32, #tpu.memory_space<vmem>>, vector<16xf32>,
        tpu.vector_store %arg11[%swap3A_226, %swap3A_227], %mul3A_225 {strides = array<i32>} : memref<128x64xf32, #tpu.memory_space<vmem>>, vector<16xf32>,
        %get3A_229 = arith.index_cast %add3A_218 : i32 to index
        %get3A_230 = arith.constant 16 : index
        %get3A_231 = tpu.vector_load %arg11[%get3A_229, %get3A_230] {strides = array<i32>} : memref<128x64xf32, #tpu.memory_space<vmem>>, vector<16xf32>,
        %mul3A_232 = arith.mulf %get3A_231, %gather3A_221 : vector<16xf32>
        %swap3A_233 = arith.index_cast %add3A_218 : i32 to index
        %swap3A_234 = arith.constant 16 : index
        %swap3A_235 = tpu.vector_load %arg11[%swap3A_233, %swap3A_234] {strides = array<i32>} : memref<128x64xf32, #tpu.memory_space<vmem>>, vector<16xf32>,
        tpu.vector_store %arg11[%swap3A_233, %swap3A_234], %mul3A_232 {strides = array<i32>} : memref<128x64xf32, #tpu.memory_space<vmem>>, vector<16xf32>,
        %get3A_236 = arith.index_cast %add3A_218 : i32 to index
        %get3A_237 = arith.constant 32 : index
        %get3A_238 = tpu.vector_load %arg11[%get3A_236, %get3A_237] {strides = array<i32>} : memref<128x64xf32, #tpu.memory_space<vmem>>, vector<16xf32>,
        %mul3A_239 = arith.mulf %get3A_238, %gather3A_221 : vector<16xf32>
        %swap3A_240 = arith.index_cast %add3A_218 : i32 to index
        %swap3A_241 = arith.constant 32 : index
        %swap3A_242 = tpu.vector_load %arg11[%swap3A_240, %swap3A_241] {strides = array<i32>} : memref<128x64xf32, #tpu.memory_space<vmem>>, vector<16xf32>,
        tpu.vector_store %arg11[%swap3A_240, %swap3A_241], %mul3A_239 {strides = array<i32>} : memref<128x64xf32, #tpu.memory_space<vmem>>, vector<16xf32>,
        %get3A_243 = arith.index_cast %add3A_218 : i32 to index
        %get3A_244 = arith.constant 48 : index
        %get3A_245 = tpu.vector_load %arg11[%get3A_243, %get3A_244] {strides = array<i32>} : memref<128x64xf32, #tpu.memory_space<vmem>>, vector<16xf32>,
        %mul3A_246 = arith.mulf %get3A_245, %gather3A_221 : vector<16xf32>
        %swap3A_247 = arith.index_cast %add3A_218 : i32 to index
        %swap3A_248 = arith.constant 48 : index
        %swap3A_249 = tpu.vector_load %arg11[%swap3A_247, %swap3A_248] {strides = array<i32>} : memref<128x64xf32, #tpu.memory_space<vmem>>, vector<16xf32>,
        tpu.vector_store %arg11[%swap3A_247, %swap3A_248], %mul3A_246 {strides = array<i32>} : memref<128x64xf32, #tpu.memory_space<vmem>>, vector<16xf32>,
        %mul3A_250 = arith.constant 16 : i32
        %mul3A_251 = arith.muli %scan3A_78, %mul3A_250 : i32
        %add3A_252 = arith.constant 5 : i32
        %add3A_253 = arith.addi %mul3A_251, %add3A_252 : i32
        %add3A_254 = arith.addi %mul3A_64, %add3A_253 : i32
        %broadcast_in_dim3A_255 = vector.broadcast %add3A_254 : i32 to vector<16xi32>
        %gather3A_256 = tpu.vector_load_idx %arg9[%broadcast_in_dim3A_255] : memref<20224xf32, #tpu.memory_space<vmem>>[vector<16xi32>], vector<16xf32>,
        %get3A_257 = arith.index_cast %add3A_253 : i32 to index
        %get3A_258 = arith.constant 0 : index
        %get3A_259 = tpu.vector_load %arg11[%get3A_257, %get3A_258] {strides = array<i32>} : memref<128x64xf32, #tpu.memory_space<vmem>>, vector<16xf32>,
        %mul3A_260 = arith.mulf %get3A_259, %gather3A_256 : vector<16xf32>
        %swap3A_261 = arith.index_cast %add3A_253 : i32 to index
        %swap3A_262 = arith.constant 0 : index
        %swap3A_263 = tpu.vector_load %arg11[%swap3A_261, %swap3A_262] {strides = array<i32>} : memref<128x64xf32, #tpu.memory_space<vmem>>, vector<16xf32>,
        tpu.vector_store %arg11[%swap3A_261, %swap3A_262], %mul3A_260 {strides = array<i32>} : memref<128x64xf32, #tpu.memory_space<vmem>>, vector<16xf32>,
        %get3A_264 = arith.index_cast %add3A_253 : i32 to index
        %get3A_265 = arith.constant 16 : index
        %get3A_266 = tpu.vector_load %arg11[%get3A_264, %get3A_265] {strides = array<i32>} : memref<128x64xf32, #tpu.memory_space<vmem>>, vector<16xf32>,
        %mul3A_267 = arith.mulf %get3A_266, %gather3A_256 : vector<16xf32>
        %swap3A_268 = arith.index_cast %add3A_253 : i32 to index
        %swap3A_269 = arith.constant 16 : index
        %swap3A_270 = tpu.vector_load %arg11[%swap3A_268, %swap3A_269] {strides = array<i32>} : memref<128x64xf32, #tpu.memory_space<vmem>>, vector<16xf32>,
        tpu.vector_store %arg11[%swap3A_268, %swap3A_269], %mul3A_267 {strides = array<i32>} : memref<128x64xf32, #tpu.memory_space<vmem>>, vector<16xf32>,
        %get3A_271 = arith.index_cast %add3A_253 : i32 to index
        %get3A_272 = arith.constant 32 : index
        %get3A_273 = tpu.vector_load %arg11[%get3A_271, %get3A_272] {strides = array<i32>} : memref<128x64xf32, #tpu.memory_space<vmem>>, vector<16xf32>,
        %mul3A_274 = arith.mulf %get3A_273, %gather3A_256 : vector<16xf32>
        %swap3A_275 = arith.index_cast %add3A_253 : i32 to index
        %swap3A_276 = arith.constant 32 : index
        %swap3A_277 = tpu.vector_load %arg11[%swap3A_275, %swap3A_276] {strides = array<i32>} : memref<128x64xf32, #tpu.memory_space<vmem>>, vector<16xf32>,
        tpu.vector_store %arg11[%swap3A_275, %swap3A_276], %mul3A_274 {strides = array<i32>} : memref<128x64xf32, #tpu.memory_space<vmem>>, vector<16xf32>,
        %get3A_278 = arith.index_cast %add3A_253 : i32 to index
        %get3A_279 = arith.constant 48 : index
        %get3A_280 = tpu.vector_load %arg11[%get3A_278, %get3A_279] {strides = array<i32>} : memref<128x64xf32, #tpu.memory_space<vmem>>, vector<16xf32>,
        %mul3A_281 = arith.mulf %get3A_280, %gather3A_256 : vector<16xf32>
        %swap3A_282 = arith.index_cast %add3A_253 : i32 to index
        %swap3A_283 = arith.constant 48 : index
        %swap3A_284 = tpu.vector_load %arg11[%swap3A_282, %swap3A_283] {strides = array<i32>} : memref<128x64xf32, #tpu.memory_space<vmem>>, vector<16xf32>,
        tpu.vector_store %arg11[%swap3A_282, %swap3A_283], %mul3A_281 {strides = array<i32>} : memref<128x64xf32, #tpu.memory_space<vmem>>, vector<16xf32>,
        %mul3A_285 = arith.constant 16 : i32
        %mul3A_286 = arith.muli %scan3A_78, %mul3A_285 : i32
        %add3A_287 = arith.constant 6 : i32
        %add3A_288 = arith.addi %mul3A_286, %add3A_287 : i32
        %add3A_289 = arith.addi %mul3A_64, %add3A_288 : i32
        %broadcast_in_dim3A_290 = vector.broadcast %add3A_289 : i32 to vector<16xi32>
        %gather3A_291 = tpu.vector_load_idx %arg9[%broadcast_in_dim3A_290] : memref<20224xf32, #tpu.memory_space<vmem>>[vector<16xi32>], vector<16xf32>,
        %get3A_292 = arith.index_cast %add3A_288 : i32 to index
        %get3A_293 = arith.constant 0 : index
        %get3A_294 = tpu.vector_load %arg11[%get3A_292, %get3A_293] {strides = array<i32>} : memref<128x64xf32, #tpu.memory_space<vmem>>, vector<16xf32>,
        %mul3A_295 = arith.mulf %get3A_294, %gather3A_291 : vector<16xf32>
        %swap3A_296 = arith.index_cast %add3A_288 : i32 to index
        %swap3A_297 = arith.constant 0 : index
        %swap3A_298 = tpu.vector_load %arg11[%swap3A_296, %swap3A_297] {strides = array<i32>} : memref<128x64xf32, #tpu.memory_space<vmem>>, vector<16xf32>,
        tpu.vector_store %arg11[%swap3A_296, %swap3A_297], %mul3A_295 {strides = array<i32>} : memref<128x64xf32, #tpu.memory_space<vmem>>, vector<16xf32>,
        %get3A_299 = arith.index_cast %add3A_288 : i32 to index
        %get3A_300 = arith.constant 16 : index
        %get3A_301 = tpu.vector_load %arg11[%get3A_299, %get3A_300] {strides = array<i32>} : memref<128x64xf32, #tpu.memory_space<vmem>>, vector<16xf32>,
        %mul3A_302 = arith.mulf %get3A_301, %gather3A_291 : vector<16xf32>
        %swap3A_303 = arith.index_cast %add3A_288 : i32 to index
        %swap3A_304 = arith.constant 16 : index
        %swap3A_305 = tpu.vector_load %arg11[%swap3A_303, %swap3A_304] {strides = array<i32>} : memref<128x64xf32, #tpu.memory_space<vmem>>, vector<16xf32>,
        tpu.vector_store %arg11[%swap3A_303, %swap3A_304], %mul3A_302 {strides = array<i32>} : memref<128x64xf32, #tpu.memory_space<vmem>>, vector<16xf32>,
        %get3A_306 = arith.index_cast %add3A_288 : i32 to index
        %get3A_307 = arith.constant 32 : index
        %get3A_308 = tpu.vector_load %arg11[%get3A_306, %get3A_307] {strides = array<i32>} : memref<128x64xf32, #tpu.memory_space<vmem>>, vector<16xf32>,
        %mul3A_309 = arith.mulf %get3A_308, %gather3A_291 : vector<16xf32>
        %swap3A_310 = arith.index_cast %add3A_288 : i32 to index
        %swap3A_311 = arith.constant 32 : index
        %swap3A_312 = tpu.vector_load %arg11[%swap3A_310, %swap3A_311] {strides = array<i32>} : memref<128x64xf32, #tpu.memory_space<vmem>>, vector<16xf32>,
        tpu.vector_store %arg11[%swap3A_310, %swap3A_311], %mul3A_309 {strides = array<i32>} : memref<128x64xf32, #tpu.memory_space<vmem>>, vector<16xf32>,
        %get3A_313 = arith.index_cast %add3A_288 : i32 to index
        %get3A_314 = arith.constant 48 : index
        %get3A_315 = tpu.vector_load %arg11[%get3A_313, %get3A_314] {strides = array<i32>} : memref<128x64xf32, #tpu.memory_space<vmem>>, vector<16xf32>,
        %mul3A_316 = arith.mulf %get3A_315, %gather3A_291 : vector<16xf32>
        %swap3A_317 = arith.index_cast %add3A_288 : i32 to index
        %swap3A_318 = arith.constant 48 : index
        %swap3A_319 = tpu.vector_load %arg11[%swap3A_317, %swap3A_318] {strides = array<i32>} : memref<128x64xf32, #tpu.memory_space<vmem>>, vector<16xf32>,
        tpu.vector_store %arg11[%swap3A_317, %swap3A_318], %mul3A_316 {strides = array<i32>} : memref<128x64xf32, #tpu.memory_space<vmem>>, vector<16xf32>,
        %mul3A_320 = arith.constant 16 : i32
        %mul3A_321 = arith.muli %scan3A_78, %mul3A_320 : i32
        %add3A_322 = arith.constant 7 : i32
        %add3A_323 = arith.addi %mul3A_321, %add3A_322 : i32
        %add3A_324 = arith.addi %mul3A_64, %add3A_323 : i32
        %broadcast_in_dim3A_325 = vector.broadcast %add3A_324 : i32 to vector<16xi32>
        %gather3A_326 = tpu.vector_load_idx %arg9[%broadcast_in_dim3A_325] : memref<20224xf32, #tpu.memory_space<vmem>>[vector<16xi32>], vector<16xf32>,
        %get3A_327 = arith.index_cast %add3A_323 : i32 to index
        %get3A_328 = arith.constant 0 : index
        %get3A_329 = tpu.vector_load %arg11[%get3A_327, %get3A_328] {strides = array<i32>} : memref<128x64xf32, #tpu.memory_space<vmem>>, vector<16xf32>,
        %mul3A_330 = arith.mulf %get3A_329, %gather3A_326 : vector<16xf32>
        %swap3A_331 = arith.index_cast %add3A_323 : i32 to index
        %swap3A_332 = arith.constant 0 : index
        %swap3A_333 = tpu.vector_load %arg11[%swap3A_331, %swap3A_332] {strides = array<i32>} : memref<128x64xf32, #tpu.memory_space<vmem>>, vector<16xf32>,
        tpu.vector_store %arg11[%swap3A_331, %swap3A_332], %mul3A_330 {strides = array<i32>} : memref<128x64xf32, #tpu.memory_space<vmem>>, vector<16xf32>,
        %get3A_334 = arith.index_cast %add3A_323 : i32 to index
        %get3A_335 = arith.constant 16 : index
        %get3A_336 = tpu.vector_load %arg11[%get3A_334, %get3A_335] {strides = array<i32>} : memref<128x64xf32, #tpu.memory_space<vmem>>, vector<16xf32>,
        %mul3A_337 = arith.mulf %get3A_336, %gather3A_326 : vector<16xf32>
        %swap3A_338 = arith.index_cast %add3A_323 : i32 to index
        %swap3A_339 = arith.constant 16 : index
        %swap3A_340 = tpu.vector_load %arg11[%swap3A_338, %swap3A_339] {strides = array<i32>} : memref<128x64xf32, #tpu.memory_space<vmem>>, vector<16xf32>,
        tpu.vector_store %arg11[%swap3A_338, %swap3A_339], %mul3A_337 {strides = array<i32>} : memref<128x64xf32, #tpu.memory_space<vmem>>, vector<16xf32>,
        %get3A_341 = arith.index_cast %add3A_323 : i32 to index
        %get3A_342 = arith.constant 32 : index
        %get3A_343 = tpu.vector_load %arg11[%get3A_341, %get3A_342] {strides = array<i32>} : memref<128x64xf32, #tpu.memory_space<vmem>>, vector<16xf32>,
        %mul3A_344 = arith.mulf %get3A_343, %gather3A_326 : vector<16xf32>
        %swap3A_345 = arith.index_cast %add3A_323 : i32 to index
        %swap3A_346 = arith.constant 32 : index
        %swap3A_347 = tpu.vector_load %arg11[%swap3A_345, %swap3A_346] {strides = array<i32>} : memref<128x64xf32, #tpu.memory_space<vmem>>, vector<16xf32>,
        tpu.vector_store %arg11[%swap3A_345, %swap3A_346], %mul3A_344 {strides = array<i32>} : memref<128x64xf32, #tpu.memory_space<vmem>>, vector<16xf32>,
        %get3A_348 = arith.index_cast %add3A_323 : i32 to index
        %get3A_349 = arith.constant 48 : index
        %get3A_350 = tpu.vector_load %arg11[%get3A_348, %get3A_349] {strides = array<i32>} : memref<128x64xf32, #tpu.memory_space<vmem>>, vector<16xf32>,
        %mul3A_351 = arith.mulf %get3A_350, %gather3A_326 : vector<16xf32>
        %swap3A_352 = arith.index_cast %add3A_323 : i32 to index
        %swap3A_353 = arith.constant 48 : index
        %swap3A_354 = tpu.vector_load %arg11[%swap3A_352, %swap3A_353] {strides = array<i32>} : memref<128x64xf32, #tpu.memory_space<vmem>>, vector<16xf32>,
        tpu.vector_store %arg11[%swap3A_352, %swap3A_353], %mul3A_351 {strides = array<i32>} : memref<128x64xf32, #tpu.memory_space<vmem>>, vector<16xf32>,
        %mul3A_355 = arith.constant 16 : i32
        %mul3A_356 = arith.muli %scan3A_78, %mul3A_355 : i32
        %add3A_357 = arith.constant 8 : i32
        %add3A_358 = arith.addi %mul3A_356, %add3A_357 : i32
        %add3A_359 = arith.addi %mul3A_64, %add3A_358 : i32
        %broadcast_in_dim3A_360 = vector.broadcast %add3A_359 : i32 to vector<16xi32>
        %gather3A_361 = tpu.vector_load_idx %arg9[%broadcast_in_dim3A_360] : memref<20224xf32, #tpu.memory_space<vmem>>[vector<16xi32>], vector<16xf32>,
        %get3A_362 = arith.index_cast %add3A_358 : i32 to index
        %get3A_363 = arith.constant 0 : index
        %get3A_364 = tpu.vector_load %arg11[%get3A_362, %get3A_363] {strides = array<i32>} : memref<128x64xf32, #tpu.memory_space<vmem>>, vector<16xf32>,
        %mul3A_365 = arith.mulf %get3A_364, %gather3A_361 : vector<16xf32>
        %swap3A_366 = arith.index_cast %add3A_358 : i32 to index
        %swap3A_367 = arith.constant 0 : index
        %swap3A_368 = tpu.vector_load %arg11[%swap3A_366, %swap3A_367] {strides = array<i32>} : memref<128x64xf32, #tpu.memory_space<vmem>>, vector<16xf32>,
        tpu.vector_store %arg11[%swap3A_366, %swap3A_367], %mul3A_365 {strides = array<i32>} : memref<128x64xf32, #tpu.memory_space<vmem>>, vector<16xf32>,
        %get3A_369 = arith.index_cast %add3A_358 : i32 to index
        %get3A_370 = arith.constant 16 : index
        %get3A_371 = tpu.vector_load %arg11[%get3A_369, %get3A_370] {strides = array<i32>} : memref<128x64xf32, #tpu.memory_space<vmem>>, vector<16xf32>,
        %mul3A_372 = arith.mulf %get3A_371, %gather3A_361 : vector<16xf32>
        %swap3A_373 = arith.index_cast %add3A_358 : i32 to index
        %swap3A_374 = arith.constant 16 : index
        %swap3A_375 = tpu.vector_load %arg11[%swap3A_373, %swap3A_374] {strides = array<i32>} : memref<128x64xf32, #tpu.memory_space<vmem>>, vector<16xf32>,
        tpu.vector_store %arg11[%swap3A_373, %swap3A_374], %mul3A_372 {strides = array<i32>} : memref<128x64xf32, #tpu.memory_space<vmem>>, vector<16xf32>,
        %get3A_376 = arith.index_cast %add3A_358 : i32 to index
        %get3A_377 = arith.constant 32 : index
        %get3A_378 = tpu.vector_load %arg11[%get3A_376, %get3A_377] {strides = array<i32>} : memref<128x64xf32, #tpu.memory_space<vmem>>, vector<16xf32>,
        %mul3A_379 = arith.mulf %get3A_378, %gather3A_361 : vector<16xf32>
        %swap3A_380 = arith.index_cast %add3A_358 : i32 to index
        %swap3A_381 = arith.constant 32 : index
        %swap3A_382 = tpu.vector_load %arg11[%swap3A_380, %swap3A_381] {strides = array<i32>} : memref<128x64xf32, #tpu.memory_space<vmem>>, vector<16xf32>,
        tpu.vector_store %arg11[%swap3A_380, %swap3A_381], %mul3A_379 {strides = array<i32>} : memref<128x64xf32, #tpu.memory_space<vmem>>, vector<16xf32>,
        %get3A_383 = arith.index_cast %add3A_358 : i32 to index
        %get3A_384 = arith.constant 48 : index
        %get3A_385 = tpu.vector_load %arg11[%get3A_383, %get3A_384] {strides = array<i32>} : memref<128x64xf32, #tpu.memory_space<vmem>>, vector<16xf32>,
        %mul3A_386 = arith.mulf %get3A_385, %gather3A_361 : vector<16xf32>
        %swap3A_387 = arith.index_cast %add3A_358 : i32 to index
        %swap3A_388 = arith.constant 48 : index
        %swap3A_389 = tpu.vector_load %arg11[%swap3A_387, %swap3A_388] {strides = array<i32>} : memref<128x64xf32, #tpu.memory_space<vmem>>, vector<16xf32>,
        tpu.vector_store %arg11[%swap3A_387, %swap3A_388], %mul3A_386 {strides = array<i32>} : memref<128x64xf32, #tpu.memory_space<vmem>>, vector<16xf32>,
        %mul3A_390 = arith.constant 16 : i32
        %mul3A_391 = arith.muli %scan3A_78, %mul3A_390 : i32
        %add3A_392 = arith.constant 9 : i32
        %add3A_393 = arith.addi %mul3A_391, %add3A_392 : i32
        %add3A_394 = arith.addi %mul3A_64, %add3A_393 : i32
        %broadcast_in_dim3A_395 = vector.broadcast %add3A_394 : i32 to vector<16xi32>
        %gather3A_396 = tpu.vector_load_idx %arg9[%broadcast_in_dim3A_395] : memref<20224xf32, #tpu.memory_space<vmem>>[vector<16xi32>], vector<16xf32>,
        %get3A_397 = arith.index_cast %add3A_393 : i32 to index
        %get3A_398 = arith.constant 0 : index
        %get3A_399 = tpu.vector_load %arg11[%get3A_397, %get3A_398] {strides = array<i32>} : memref<128x64xf32, #tpu.memory_space<vmem>>, vector<16xf32>,
        %mul3A_400 = arith.mulf %get3A_399, %gather3A_396 : vector<16xf32>
        %swap3A_401 = arith.index_cast %add3A_393 : i32 to index
        %swap3A_402 = arith.constant 0 : index
        %swap3A_403 = tpu.vector_load %arg11[%swap3A_401, %swap3A_402] {strides = array<i32>} : memref<128x64xf32, #tpu.memory_space<vmem>>, vector<16xf32>,
        tpu.vector_store %arg11[%swap3A_401, %swap3A_402], %mul3A_400 {strides = array<i32>} : memref<128x64xf32, #tpu.memory_space<vmem>>, vector<16xf32>,
        %get3A_404 = arith.index_cast %add3A_393 : i32 to index
        %get3A_405 = arith.constant 16 : index
        %get3A_406 = tpu.vector_load %arg11[%get3A_404, %get3A_405] {strides = array<i32>} : memref<128x64xf32, #tpu.memory_space<vmem>>, vector<16xf32>,
        %mul3A_407 = arith.mulf %get3A_406, %gather3A_396 : vector<16xf32>
        %swap3A_408 = arith.index_cast %add3A_393 : i32 to index
        %swap3A_409 = arith.constant 16 : index
        %swap3A_410 = tpu.vector_load %arg11[%swap3A_408, %swap3A_409] {strides = array<i32>} : memref<128x64xf32, #tpu.memory_space<vmem>>, vector<16xf32>,
        tpu.vector_store %arg11[%swap3A_408, %swap3A_409], %mul3A_407 {strides = array<i32>} : memref<128x64xf32, #tpu.memory_space<vmem>>, vector<16xf32>,
        %get3A_411 = arith.index_cast %add3A_393 : i32 to index
        %get3A_412 = arith.constant 32 : index
        %get3A_413 = tpu.vector_load %arg11[%get3A_411, %get3A_412] {strides = array<i32>} : memref<128x64xf32, #tpu.memory_space<vmem>>, vector<16xf32>,
        %mul3A_414 = arith.mulf %get3A_413, %gather3A_396 : vector<16xf32>
        %swap3A_415 = arith.index_cast %add3A_393 : i32 to index
        %swap3A_416 = arith.constant 32 : index
        %swap3A_417 = tpu.vector_load %arg11[%swap3A_415, %swap3A_416] {strides = array<i32>} : memref<128x64xf32, #tpu.memory_space<vmem>>, vector<16xf32>,
        tpu.vector_store %arg11[%swap3A_415, %swap3A_416], %mul3A_414 {strides = array<i32>} : memref<128x64xf32, #tpu.memory_space<vmem>>, vector<16xf32>,
        %get3A_418 = arith.index_cast %add3A_393 : i32 to index
        %get3A_419 = arith.constant 48 : index
        %get3A_420 = tpu.vector_load %arg11[%get3A_418, %get3A_419] {strides = array<i32>} : memref<128x64xf32, #tpu.memory_space<vmem>>, vector<16xf32>,
        %mul3A_421 = arith.mulf %get3A_420, %gather3A_396 : vector<16xf32>
        %swap3A_422 = arith.index_cast %add3A_393 : i32 to index
        %swap3A_423 = arith.constant 48 : index
        %swap3A_424 = tpu.vector_load %arg11[%swap3A_422, %swap3A_423] {strides = array<i32>} : memref<128x64xf32, #tpu.memory_space<vmem>>, vector<16xf32>,
        tpu.vector_store %arg11[%swap3A_422, %swap3A_423], %mul3A_421 {strides = array<i32>} : memref<128x64xf32, #tpu.memory_space<vmem>>, vector<16xf32>,
        %mul3A_425 = arith.constant 16 : i32
        %mul3A_426 = arith.muli %scan3A_78, %mul3A_425 : i32
        %add3A_427 = arith.constant 10 : i32
        %add3A_428 = arith.addi %mul3A_426, %add3A_427 : i32
        %add3A_429 = arith.addi %mul3A_64, %add3A_428 : i32
        %broadcast_in_dim3A_430 = vector.broadcast %add3A_429 : i32 to vector<16xi32>
        %gather3A_431 = tpu.vector_load_idx %arg9[%broadcast_in_dim3A_430] : memref<20224xf32, #tpu.memory_space<vmem>>[vector<16xi32>], vector<16xf32>,
        %get3A_432 = arith.index_cast %add3A_428 : i32 to index
        %get3A_433 = arith.constant 0 : index
        %get3A_434 = tpu.vector_load %arg11[%get3A_432, %get3A_433] {strides = array<i32>} : memref<128x64xf32, #tpu.memory_space<vmem>>, vector<16xf32>,
        %mul3A_435 = arith.mulf %get3A_434, %gather3A_431 : vector<16xf32>
        %swap3A_436 = arith.index_cast %add3A_428 : i32 to index
        %swap3A_437 = arith.constant 0 : index
        %swap3A_438 = tpu.vector_load %arg11[%swap3A_436, %swap3A_437] {strides = array<i32>} : memref<128x64xf32, #tpu.memory_space<vmem>>, vector<16xf32>,
        tpu.vector_store %arg11[%swap3A_436, %swap3A_437], %mul3A_435 {strides = array<i32>} : memref<128x64xf32, #tpu.memory_space<vmem>>, vector<16xf32>,
        %get3A_439 = arith.index_cast %add3A_428 : i32 to index
        %get3A_440 = arith.constant 16 : index
        %get3A_441 = tpu.vector_load %arg11[%get3A_439, %get3A_440] {strides = array<i32>} : memref<128x64xf32, #tpu.memory_space<vmem>>, vector<16xf32>,
        %mul3A_442 = arith.mulf %get3A_441, %gather3A_431 : vector<16xf32>
        %swap3A_443 = arith.index_cast %add3A_428 : i32 to index
        %swap3A_444 = arith.constant 16 : index
        %swap3A_445 = tpu.vector_load %arg11[%swap3A_443, %swap3A_444] {strides = array<i32>} : memref<128x64xf32, #tpu.memory_space<vmem>>, vector<16xf32>,
        tpu.vector_store %arg11[%swap3A_443, %swap3A_444], %mul3A_442 {strides = array<i32>} : memref<128x64xf32, #tpu.memory_space<vmem>>, vector<16xf32>,
        %get3A_446 = arith.index_cast %add3A_428 : i32 to index
        %get3A_447 = arith.constant 32 : index
        %get3A_448 = tpu.vector_load %arg11[%get3A_446, %get3A_447] {strides = array<i32>} : memref<128x64xf32, #tpu.memory_space<vmem>>, vector<16xf32>,
        %mul3A_449 = arith.mulf %get3A_448, %gather3A_431 : vector<16xf32>
        %swap3A_450 = arith.index_cast %add3A_428 : i32 to index
        %swap3A_451 = arith.constant 32 : index
        %swap3A_452 = tpu.vector_load %arg11[%swap3A_450, %swap3A_451] {strides = array<i32>} : memref<128x64xf32, #tpu.memory_space<vmem>>, vector<16xf32>,
        tpu.vector_store %arg11[%swap3A_450, %swap3A_451], %mul3A_449 {strides = array<i32>} : memref<128x64xf32, #tpu.memory_space<vmem>>, vector<16xf32>,
        %get3A_453 = arith.index_cast %add3A_428 : i32 to index
        %get3A_454 = arith.constant 48 : index
        %get3A_455 = tpu.vector_load %arg11[%get3A_453, %get3A_454] {strides = array<i32>} : memref<128x64xf32, #tpu.memory_space<vmem>>, vector<16xf32>,
        %mul3A_456 = arith.mulf %get3A_455, %gather3A_431 : vector<16xf32>
        %swap3A_457 = arith.index_cast %add3A_428 : i32 to index
        %swap3A_458 = arith.constant 48 : index
        %swap3A_459 = tpu.vector_load %arg11[%swap3A_457, %swap3A_458] {strides = array<i32>} : memref<128x64xf32, #tpu.memory_space<vmem>>, vector<16xf32>,
        tpu.vector_store %arg11[%swap3A_457, %swap3A_458], %mul3A_456 {strides = array<i32>} : memref<128x64xf32, #tpu.memory_space<vmem>>, vector<16xf32>,
        %mul3A_460 = arith.constant 16 : i32
        %mul3A_461 = arith.muli %scan3A_78, %mul3A_460 : i32
        %add3A_462 = arith.constant 11 : i32
        %add3A_463 = arith.addi %mul3A_461, %add3A_462 : i32
        %add3A_464 = arith.addi %mul3A_64, %add3A_463 : i32
        %broadcast_in_dim3A_465 = vector.broadcast %add3A_464 : i32 to vector<16xi32>
        %gather3A_466 = tpu.vector_load_idx %arg9[%broadcast_in_dim3A_465] : memref<20224xf32, #tpu.memory_space<vmem>>[vector<16xi32>], vector<16xf32>,
        %get3A_467 = arith.index_cast %add3A_463 : i32 to index
        %get3A_468 = arith.constant 0 : index
        %get3A_469 = tpu.vector_load %arg11[%get3A_467, %get3A_468] {strides = array<i32>} : memref<128x64xf32, #tpu.memory_space<vmem>>, vector<16xf32>,
        %mul3A_470 = arith.mulf %get3A_469, %gather3A_466 : vector<16xf32>
        %swap3A_471 = arith.index_cast %add3A_463 : i32 to index
        %swap3A_472 = arith.constant 0 : index
        %swap3A_473 = tpu.vector_load %arg11[%swap3A_471, %swap3A_472] {strides = array<i32>} : memref<128x64xf32, #tpu.memory_space<vmem>>, vector<16xf32>,
        tpu.vector_store %arg11[%swap3A_471, %swap3A_472], %mul3A_470 {strides = array<i32>} : memref<128x64xf32, #tpu.memory_space<vmem>>, vector<16xf32>,
        %get3A_474 = arith.index_cast %add3A_463 : i32 to index
        %get3A_475 = arith.constant 16 : index
        %get3A_476 = tpu.vector_load %arg11[%get3A_474, %get3A_475] {strides = array<i32>} : memref<128x64xf32, #tpu.memory_space<vmem>>, vector<16xf32>,
        %mul3A_477 = arith.mulf %get3A_476, %gather3A_466 : vector<16xf32>
        %swap3A_478 = arith.index_cast %add3A_463 : i32 to index
        %swap3A_479 = arith.constant 16 : index
        %swap3A_480 = tpu.vector_load %arg11[%swap3A_478, %swap3A_479] {strides = array<i32>} : memref<128x64xf32, #tpu.memory_space<vmem>>, vector<16xf32>,
        tpu.vector_store %arg11[%swap3A_478, %swap3A_479], %mul3A_477 {strides = array<i32>} : memref<128x64xf32, #tpu.memory_space<vmem>>, vector<16xf32>,
        %get3A_481 = arith.index_cast %add3A_463 : i32 to index
        %get3A_482 = arith.constant 32 : index
        %get3A_483 = tpu.vector_load %arg11[%get3A_481, %get3A_482] {strides = array<i32>} : memref<128x64xf32, #tpu.memory_space<vmem>>, vector<16xf32>,
        %mul3A_484 = arith.mulf %get3A_483, %gather3A_466 : vector<16xf32>
        %swap3A_485 = arith.index_cast %add3A_463 : i32 to index
        %swap3A_486 = arith.constant 32 : index
        %swap3A_487 = tpu.vector_load %arg11[%swap3A_485, %swap3A_486] {strides = array<i32>} : memref<128x64xf32, #tpu.memory_space<vmem>>, vector<16xf32>,
        tpu.vector_store %arg11[%swap3A_485, %swap3A_486], %mul3A_484 {strides = array<i32>} : memref<128x64xf32, #tpu.memory_space<vmem>>, vector<16xf32>,
        %get3A_488 = arith.index_cast %add3A_463 : i32 to index
        %get3A_489 = arith.constant 48 : index
        %get3A_490 = tpu.vector_load %arg11[%get3A_488, %get3A_489] {strides = array<i32>} : memref<128x64xf32, #tpu.memory_space<vmem>>, vector<16xf32>,
        %mul3A_491 = arith.mulf %get3A_490, %gather3A_466 : vector<16xf32>
        %swap3A_492 = arith.index_cast %add3A_463 : i32 to index
        %swap3A_493 = arith.constant 48 : index
        %swap3A_494 = tpu.vector_load %arg11[%swap3A_492, %swap3A_493] {strides = array<i32>} : memref<128x64xf32, #tpu.memory_space<vmem>>, vector<16xf32>,
        tpu.vector_store %arg11[%swap3A_492, %swap3A_493], %mul3A_491 {strides = array<i32>} : memref<128x64xf32, #tpu.memory_space<vmem>>, vector<16xf32>,
        %mul3A_495 = arith.constant 16 : i32
        %mul3A_496 = arith.muli %scan3A_78, %mul3A_495 : i32
        %add3A_497 = arith.constant 12 : i32
        %add3A_498 = arith.addi %mul3A_496, %add3A_497 : i32
        %add3A_499 = arith.addi %mul3A_64, %add3A_498 : i32
        %broadcast_in_dim3A_500 = vector.broadcast %add3A_499 : i32 to vector<16xi32>
        %gather3A_501 = tpu.vector_load_idx %arg9[%broadcast_in_dim3A_500] : memref<20224xf32, #tpu.memory_space<vmem>>[vector<16xi32>], vector<16xf32>,
        %get3A_502 = arith.index_cast %add3A_498 : i32 to index
        %get3A_503 = arith.constant 0 : index
        %get3A_504 = tpu.vector_load %arg11[%get3A_502, %get3A_503] {strides = array<i32>} : memref<128x64xf32, #tpu.memory_space<vmem>>, vector<16xf32>,
        %mul3A_505 = arith.mulf %get3A_504, %gather3A_501 : vector<16xf32>
        %swap3A_506 = arith.index_cast %add3A_498 : i32 to index
        %swap3A_507 = arith.constant 0 : index
        %swap3A_508 = tpu.vector_load %arg11[%swap3A_506, %swap3A_507] {strides = array<i32>} : memref<128x64xf32, #tpu.memory_space<vmem>>, vector<16xf32>,
        tpu.vector_store %arg11[%swap3A_506, %swap3A_507], %mul3A_505 {strides = array<i32>} : memref<128x64xf32, #tpu.memory_space<vmem>>, vector<16xf32>,
        %get3A_509 = arith.index_cast %add3A_498 : i32 to index
        %get3A_510 = arith.constant 16 : index
        %get3A_511 = tpu.vector_load %arg11[%get3A_509, %get3A_510] {strides = array<i32>} : memref<128x64xf32, #tpu.memory_space<vmem>>, vector<16xf32>,
        %mul3A_512 = arith.mulf %get3A_511, %gather3A_501 : vector<16xf32>
        %swap3A_513 = arith.index_cast %add3A_498 : i32 to index
        %swap3A_514 = arith.constant 16 : index
        %swap3A_515 = tpu.vector_load %arg11[%swap3A_513, %swap3A_514] {strides = array<i32>} : memref<128x64xf32, #tpu.memory_space<vmem>>, vector<16xf32>,
        tpu.vector_store %arg11[%swap3A_513, %swap3A_514], %mul3A_512 {strides = array<i32>} : memref<128x64xf32, #tpu.memory_space<vmem>>, vector<16xf32>,
        %get3A_516 = arith.index_cast %add3A_498 : i32 to index
        %get3A_517 = arith.constant 32 : index
        %get3A_518 = tpu.vector_load %arg11[%get3A_516, %get3A_517] {strides = array<i32>} : memref<128x64xf32, #tpu.memory_space<vmem>>, vector<16xf32>,
        %mul3A_519 = arith.mulf %get3A_518, %gather3A_501 : vector<16xf32>
        %swap3A_520 = arith.index_cast %add3A_498 : i32 to index
        %swap3A_521 = arith.constant 32 : index
        %swap3A_522 = tpu.vector_load %arg11[%swap3A_520, %swap3A_521] {strides = array<i32>} : memref<128x64xf32, #tpu.memory_space<vmem>>, vector<16xf32>,
        tpu.vector_store %arg11[%swap3A_520, %swap3A_521], %mul3A_519 {strides = array<i32>} : memref<128x64xf32, #tpu.memory_space<vmem>>, vector<16xf32>,
        %get3A_523 = arith.index_cast %add3A_498 : i32 to index
        %get3A_524 = arith.constant 48 : index
        %get3A_525 = tpu.vector_load %arg11[%get3A_523, %get3A_524] {strides = array<i32>} : memref<128x64xf32, #tpu.memory_space<vmem>>, vector<16xf32>,
        %mul3A_526 = arith.mulf %get3A_525, %gather3A_501 : vector<16xf32>
        %swap3A_527 = arith.index_cast %add3A_498 : i32 to index
        %swap3A_528 = arith.constant 48 : index
        %swap3A_529 = tpu.vector_load %arg11[%swap3A_527, %swap3A_528] {strides = array<i32>} : memref<128x64xf32, #tpu.memory_space<vmem>>, vector<16xf32>,
        tpu.vector_store %arg11[%swap3A_527, %swap3A_528], %mul3A_526 {strides = array<i32>} : memref<128x64xf32, #tpu.memory_space<vmem>>, vector<16xf32>,
        %mul3A_530 = arith.constant 16 : i32
        %mul3A_531 = arith.muli %scan3A_78, %mul3A_530 : i32
        %add3A_532 = arith.constant 13 : i32
        %add3A_533 = arith.addi %mul3A_531, %add3A_532 : i32
        %add3A_534 = arith.addi %mul3A_64, %add3A_533 : i32
        %broadcast_in_dim3A_535 = vector.broadcast %add3A_534 : i32 to vector<16xi32>
        %gather3A_536 = tpu.vector_load_idx %arg9[%broadcast_in_dim3A_535] : memref<20224xf32, #tpu.memory_space<vmem>>[vector<16xi32>], vector<16xf32>,
        %get3A_537 = arith.index_cast %add3A_533 : i32 to index
        %get3A_538 = arith.constant 0 : index
        %get3A_539 = tpu.vector_load %arg11[%get3A_537, %get3A_538] {strides = array<i32>} : memref<128x64xf32, #tpu.memory_space<vmem>>, vector<16xf32>,
        %mul3A_540 = arith.mulf %get3A_539, %gather3A_536 : vector<16xf32>
        %swap3A_541 = arith.index_cast %add3A_533 : i32 to index
        %swap3A_542 = arith.constant 0 : index
        %swap3A_543 = tpu.vector_load %arg11[%swap3A_541, %swap3A_542] {strides = array<i32>} : memref<128x64xf32, #tpu.memory_space<vmem>>, vector<16xf32>,
        tpu.vector_store %arg11[%swap3A_541, %swap3A_542], %mul3A_540 {strides = array<i32>} : memref<128x64xf32, #tpu.memory_space<vmem>>, vector<16xf32>,
        %get3A_544 = arith.index_cast %add3A_533 : i32 to index
        %get3A_545 = arith.constant 16 : index
        %get3A_546 = tpu.vector_load %arg11[%get3A_544, %get3A_545] {strides = array<i32>} : memref<128x64xf32, #tpu.memory_space<vmem>>, vector<16xf32>,
        %mul3A_547 = arith.mulf %get3A_546, %gather3A_536 : vector<16xf32>
        %swap3A_548 = arith.index_cast %add3A_533 : i32 to index
        %swap3A_549 = arith.constant 16 : index
        %swap3A_550 = tpu.vector_load %arg11[%swap3A_548, %swap3A_549] {strides = array<i32>} : memref<128x64xf32, #tpu.memory_space<vmem>>, vector<16xf32>,
        tpu.vector_store %arg11[%swap3A_548, %swap3A_549], %mul3A_547 {strides = array<i32>} : memref<128x64xf32, #tpu.memory_space<vmem>>, vector<16xf32>,
        %get3A_551 = arith.index_cast %add3A_533 : i32 to index
        %get3A_552 = arith.constant 32 : index
        %get3A_553 = tpu.vector_load %arg11[%get3A_551, %get3A_552] {strides = array<i32>} : memref<128x64xf32, #tpu.memory_space<vmem>>, vector<16xf32>,
        %mul3A_554 = arith.mulf %get3A_553, %gather3A_536 : vector<16xf32>
        %swap3A_555 = arith.index_cast %add3A_533 : i32 to index
        %swap3A_556 = arith.constant 32 : index
        %swap3A_557 = tpu.vector_load %arg11[%swap3A_555, %swap3A_556] {strides = array<i32>} : memref<128x64xf32, #tpu.memory_space<vmem>>, vector<16xf32>,
        tpu.vector_store %arg11[%swap3A_555, %swap3A_556], %mul3A_554 {strides = array<i32>} : memref<128x64xf32, #tpu.memory_space<vmem>>, vector<16xf32>,
        %get3A_558 = arith.index_cast %add3A_533 : i32 to index
        %get3A_559 = arith.constant 48 : index
        %get3A_560 = tpu.vector_load %arg11[%get3A_558, %get3A_559] {strides = array<i32>} : memref<128x64xf32, #tpu.memory_space<vmem>>, vector<16xf32>,
        %mul3A_561 = arith.mulf %get3A_560, %gather3A_536 : vector<16xf32>
        %swap3A_562 = arith.index_cast %add3A_533 : i32 to index
        %swap3A_563 = arith.constant 48 : index
        %swap3A_564 = tpu.vector_load %arg11[%swap3A_562, %swap3A_563] {strides = array<i32>} : memref<128x64xf32, #tpu.memory_space<vmem>>, vector<16xf32>,
        tpu.vector_store %arg11[%swap3A_562, %swap3A_563], %mul3A_561 {strides = array<i32>} : memref<128x64xf32, #tpu.memory_space<vmem>>, vector<16xf32>,
        %mul3A_565 = arith.constant 16 : i32
        %mul3A_566 = arith.muli %scan3A_78, %mul3A_565 : i32
        %add3A_567 = arith.constant 14 : i32
        %add3A_568 = arith.addi %mul3A_566, %add3A_567 : i32
        %add3A_569 = arith.addi %mul3A_64, %add3A_568 : i32
        %broadcast_in_dim3A_570 = vector.broadcast %add3A_569 : i32 to vector<16xi32>
        %gather3A_571 = tpu.vector_load_idx %arg9[%broadcast_in_dim3A_570] : memref<20224xf32, #tpu.memory_space<vmem>>[vector<16xi32>], vector<16xf32>,
        %get3A_572 = arith.index_cast %add3A_568 : i32 to index
        %get3A_573 = arith.constant 0 : index
        %get3A_574 = tpu.vector_load %arg11[%get3A_572, %get3A_573] {strides = array<i32>} : memref<128x64xf32, #tpu.memory_space<vmem>>, vector<16xf32>,
        %mul3A_575 = arith.mulf %get3A_574, %gather3A_571 : vector<16xf32>
        %swap3A_576 = arith.index_cast %add3A_568 : i32 to index
        %swap3A_577 = arith.constant 0 : index
        %swap3A_578 = tpu.vector_load %arg11[%swap3A_576, %swap3A_577] {strides = array<i32>} : memref<128x64xf32, #tpu.memory_space<vmem>>, vector<16xf32>,
        tpu.vector_store %arg11[%swap3A_576, %swap3A_577], %mul3A_575 {strides = array<i32>} : memref<128x64xf32, #tpu.memory_space<vmem>>, vector<16xf32>,
        %get3A_579 = arith.index_cast %add3A_568 : i32 to index
        %get3A_580 = arith.constant 16 : index
        %get3A_581 = tpu.vector_load %arg11[%get3A_579, %get3A_580] {strides = array<i32>} : memref<128x64xf32, #tpu.memory_space<vmem>>, vector<16xf32>,
        %mul3A_582 = arith.mulf %get3A_581, %gather3A_571 : vector<16xf32>
        %swap3A_583 = arith.index_cast %add3A_568 : i32 to index
        %swap3A_584 = arith.constant 16 : index
        %swap3A_585 = tpu.vector_load %arg11[%swap3A_583, %swap3A_584] {strides = array<i32>} : memref<128x64xf32, #tpu.memory_space<vmem>>, vector<16xf32>,
        tpu.vector_store %arg11[%swap3A_583, %swap3A_584], %mul3A_582 {strides = array<i32>} : memref<128x64xf32, #tpu.memory_space<vmem>>, vector<16xf32>,
        %get3A_586 = arith.index_cast %add3A_568 : i32 to index
        %get3A_587 = arith.constant 32 : index
        %get3A_588 = tpu.vector_load %arg11[%get3A_586, %get3A_587] {strides = array<i32>} : memref<128x64xf32, #tpu.memory_space<vmem>>, vector<16xf32>,
        %mul3A_589 = arith.mulf %get3A_588, %gather3A_571 : vector<16xf32>
        %swap3A_590 = arith.index_cast %add3A_568 : i32 to index
        %swap3A_591 = arith.constant 32 : index
        %swap3A_592 = tpu.vector_load %arg11[%swap3A_590, %swap3A_591] {strides = array<i32>} : memref<128x64xf32, #tpu.memory_space<vmem>>, vector<16xf32>,
        tpu.vector_store %arg11[%swap3A_590, %swap3A_591], %mul3A_589 {strides = array<i32>} : memref<128x64xf32, #tpu.memory_space<vmem>>, vector<16xf32>,
        %get3A_593 = arith.index_cast %add3A_568 : i32 to index
        %get3A_594 = arith.constant 48 : index
        %get3A_595 = tpu.vector_load %arg11[%get3A_593, %get3A_594] {strides = array<i32>} : memref<128x64xf32, #tpu.memory_space<vmem>>, vector<16xf32>,
        %mul3A_596 = arith.mulf %get3A_595, %gather3A_571 : vector<16xf32>
        %swap3A_597 = arith.index_cast %add3A_568 : i32 to index
        %swap3A_598 = arith.constant 48 : index
        %swap3A_599 = tpu.vector_load %arg11[%swap3A_597, %swap3A_598] {strides = array<i32>} : memref<128x64xf32, #tpu.memory_space<vmem>>, vector<16xf32>,
        tpu.vector_store %arg11[%swap3A_597, %swap3A_598], %mul3A_596 {strides = array<i32>} : memref<128x64xf32, #tpu.memory_space<vmem>>, vector<16xf32>,
        %mul3A_600 = arith.constant 16 : i32
        %mul3A_601 = arith.muli %scan3A_78, %mul3A_600 : i32
        %add3A_602 = arith.constant 15 : i32
        %add3A_603 = arith.addi %mul3A_601, %add3A_602 : i32
        %add3A_604 = arith.addi %mul3A_64, %add3A_603 : i32
        %broadcast_in_dim3A_605 = vector.broadcast %add3A_604 : i32 to vector<16xi32>
        %gather3A_606 = tpu.vector_load_idx %arg9[%broadcast_in_dim3A_605] : memref<20224xf32, #tpu.memory_space<vmem>>[vector<16xi32>], vector<16xf32>,
        %get3A_607 = arith.index_cast %add3A_603 : i32 to index
        %get3A_608 = arith.constant 0 : index
        %get3A_609 = tpu.vector_load %arg11[%get3A_607, %get3A_608] {strides = array<i32>} : memref<128x64xf32, #tpu.memory_space<vmem>>, vector<16xf32>,
        %mul3A_610 = arith.mulf %get3A_609, %gather3A_606 : vector<16xf32>
        %swap3A_611 = arith.index_cast %add3A_603 : i32 to index
        %swap3A_612 = arith.constant 0 : index
        %swap3A_613 = tpu.vector_load %arg11[%swap3A_611, %swap3A_612] {strides = array<i32>} : memref<128x64xf32, #tpu.memory_space<vmem>>, vector<16xf32>,
        tpu.vector_store %arg11[%swap3A_611, %swap3A_612], %mul3A_610 {strides = array<i32>} : memref<128x64xf32, #tpu.memory_space<vmem>>, vector<16xf32>,
        %get3A_614 = arith.index_cast %add3A_603 : i32 to index
        %get3A_615 = arith.constant 16 : index
        %get3A_616 = tpu.vector_load %arg11[%get3A_614, %get3A_615] {strides = array<i32>} : memref<128x64xf32, #tpu.memory_space<vmem>>, vector<16xf32>,
        %mul3A_617 = arith.mulf %get3A_616, %gather3A_606 : vector<16xf32>
        %swap3A_618 = arith.index_cast %add3A_603 : i32 to index
        %swap3A_619 = arith.constant 16 : index
        %swap3A_620 = tpu.vector_load %arg11[%swap3A_618, %swap3A_619] {strides = array<i32>} : memref<128x64xf32, #tpu.memory_space<vmem>>, vector<16xf32>,
        tpu.vector_store %arg11[%swap3A_618, %swap3A_619], %mul3A_617 {strides = array<i32>} : memref<128x64xf32, #tpu.memory_space<vmem>>, vector<16xf32>,
        %get3A_621 = arith.index_cast %add3A_603 : i32 to index
        %get3A_622 = arith.constant 32 : index
        %get3A_623 = tpu.vector_load %arg11[%get3A_621, %get3A_622] {strides = array<i32>} : memref<128x64xf32, #tpu.memory_space<vmem>>, vector<16xf32>,
        %mul3A_624 = arith.mulf %get3A_623, %gather3A_606 : vector<16xf32>
        %swap3A_625 = arith.index_cast %add3A_603 : i32 to index
        %swap3A_626 = arith.constant 32 : index
        %swap3A_627 = tpu.vector_load %arg11[%swap3A_625, %swap3A_626] {strides = array<i32>} : memref<128x64xf32, #tpu.memory_space<vmem>>, vector<16xf32>,
        tpu.vector_store %arg11[%swap3A_625, %swap3A_626], %mul3A_624 {strides = array<i32>} : memref<128x64xf32, #tpu.memory_space<vmem>>, vector<16xf32>,
        %get3A_628 = arith.index_cast %add3A_603 : i32 to index
        %get3A_629 = arith.constant 48 : index
        %get3A_630 = tpu.vector_load %arg11[%get3A_628, %get3A_629] {strides = array<i32>} : memref<128x64xf32, #tpu.memory_space<vmem>>, vector<16xf32>,
        %mul3A_631 = arith.mulf %get3A_630, %gather3A_606 : vector<16xf32>
        %swap3A_632 = arith.index_cast %add3A_603 : i32 to index
        %swap3A_633 = arith.constant 48 : index
        %swap3A_634 = tpu.vector_load %arg11[%swap3A_632, %swap3A_633] {strides = array<i32>} : memref<128x64xf32, #tpu.memory_space<vmem>>, vector<16xf32>,
        tpu.vector_store %arg11[%swap3A_632, %swap3A_633], %mul3A_631 {strides = array<i32>} : memref<128x64xf32, #tpu.memory_space<vmem>>, vector<16xf32>,
      }
      %scan3A_70 = arith.constant 8 : i32
      "tpu.region"() ({
        %run_scoped3A = tpu.sem_alloc : memref<!tpu.dma_semaphore, #tpu.memory_space<semaphore_mem>>
        %dma_start3A_78 = arith.constant 0 : i32
        %dma_start3A_79 = tpu.memref_slice %arg8[%add3A_56, %dma_start3A_78] : memref<158x128xi32, #tpu.memory_space<vmem>> -> memref<1x128xi32, #tpu.memory_space<vmem>>
        %dma_start3A_80 = tpu.memref_squeeze %dma_start3A_79 : memref<1x128xi32, #tpu.memory_space<vmem>> -> memref<128xi32, #tpu.memory_space<vmem>>
        %dma_start3A_81 = arith.constant 0 : i32
        %dma_start3A_82 = arith.constant 0 : i32
        %dma_start3A_83 = tpu.memref_slice %arg12[%dma_start3A_81, %dma_start3A_82] : memref<10000x64xf32, #tpu.memory_space<vmem_shared>> -> memref<10000x64xf32, #tpu.memory_space<vmem_shared>>
        tpu.enqueue_indirect_dma source(%arg11 : memref<128x64xf32, #tpu.memory_space<vmem>>) target(%dma_start3A_83 : memref<10000x64xf32, #tpu.memory_space<vmem_shared>>) offsets(%dma_start3A_80 : memref<128xi32, #tpu.memory_space<vmem>>) semaphore(%run_scoped3A : memref<!tpu.dma_semaphore, #tpu.memory_space<semaphore_mem>>) {add = true}
        %dma_wait3A_84 = arith.constant 0 : i32
        %dma_wait3A_85 = tpu.memref_slice %arg8[%add3A_56, %dma_wait3A_84] : memref<158x128xi32, #tpu.memory_space<vmem>> -> memref<1x128xi32, #tpu.memory_space<vmem>>
        %dma_wait3A_86 = tpu.memref_squeeze %dma_wait3A_85 : memref<1x128xi32, #tpu.memory_space<vmem>> -> memref<128xi32, #tpu.memory_space<vmem>>
        %dma_wait3A_87 = arith.constant 0 : i32
        %dma_wait3A_88 = arith.constant 0 : i32
        %dma_wait3A_89 = tpu.memref_slice %arg12[%dma_wait3A_87, %dma_wait3A_88] : memref<10000x64xf32, #tpu.memory_space<vmem_shared>> -> memref<10000x64xf32, #tpu.memory_space<vmem_shared>>
        tpu.wait_indirect_dma semaphore(%run_scoped3A : memref<!tpu.dma_semaphore, #tpu.memory_space<semaphore_mem>>) src(%arg11 : memref<128x64xf32, #tpu.memory_space<vmem>>) dst(%dma_wait3A_89 : memref<10000x64xf32, #tpu.memory_space<vmem_shared>>)
        tpu.yield
      }) : () -> ()
      %add3A_71 = arith.constant 2 : i32
      %add3A_72 = arith.addi %add3A_56, %add3A_71 : i32
      %lt3A_73 = arith.constant 158 : i32
      %lt3A_74 = arith.cmpi slt, %add3A_72, %lt3A_73 : i32
      %convert_element_type3A_75 = arith.extui %lt3A_74 : i1 to i32
      %cond3A_76 = arith.constant 0 : i32
      %cond3A_77 = arith.cmpi ne, %convert_element_type3A_75, %cond3A_76 : i32
      scf.if %cond3A_77 {
        %add3A_78 = arith.constant 2 : i32
        %add3A_79 = arith.addi %add3A_56, %add3A_78 : i32
        %dma_start3A_80 = arith.constant 0 : i32
        %dma_start3A_81 = tpu.memref_slice %arg7[%add3A_79, %dma_start3A_80] : memref<158x128xi32, #tpu.memory_space<vmem>> -> memref<1x128xi32, #tpu.memory_space<vmem>>
        %dma_start3A_82 = tpu.memref_squeeze %dma_start3A_81 : memref<1x128xi32, #tpu.memory_space<vmem>> -> memref<128xi32, #tpu.memory_space<vmem>>
        %dma_start3A_83 = arith.constant 0 : i32
        %dma_start3A_84 = arith.constant 0 : i32
        %dma_start3A_85 = tpu.memref_slice %arg2[%dma_start3A_83, %dma_start3A_84] : memref<20000x64xf32, #tpu.memory_space<hbm>> -> memref<20000x64xf32, #tpu.memory_space<hbm>>
        tpu.enqueue_indirect_dma source(%dma_start3A_85 : memref<20000x64xf32, #tpu.memory_space<hbm>>) target(%arg11 : memref<128x64xf32, #tpu.memory_space<vmem>>) offsets(%dma_start3A_82 : memref<128xi32, #tpu.memory_space<vmem>>) semaphore(%arg14 : memref<!tpu.dma_semaphore, #tpu.memory_space<semaphore_mem>>)
      } else {
      }
    }
    %scan3A_31 = arith.constant 79 : i32
    %barrier3A_32 = arith.constant 0 : index
    tpu.barrier barrier_id(%barrier3A_32)
    "tpu.region"() ({
      %run_scoped3A = tpu.sem_alloc : memref<!tpu.dma_semaphore, #tpu.memory_space<semaphore_mem>>
      %dma_start3A_33 = arith.constant 0 : i32
      %dma_start3A_34 = arith.constant 0 : i32
      %dma_start3A_35 = tpu.memref_slice %arg6[%arg0, %arg1, %dma_start3A_33, %dma_start3A_34] : memref<2x16x625x64xf32, #tpu.memory_space<hbm>> -> memref<1x1x625x64xf32, #tpu.memory_space<hbm>>
      %dma_start3A_36 = tpu.memref_squeeze %dma_start3A_35 : memref<1x1x625x64xf32, #tpu.memory_space<hbm>> -> memref<625x64xf32, #tpu.memory_space<hbm>>
      %dma_start3A_37 = arith.constant 0 : i32
      %dma_start3A_38 = tpu.memref_slice %arg12[%mul3A_5, %dma_start3A_37] : memref<10000x64xf32, #tpu.memory_space<vmem_shared>> -> memref<625x64xf32, #tpu.memory_space<vmem_shared>>
      tpu.enqueue_dma source(%dma_start3A_38 : memref<625x64xf32, #tpu.memory_space<vmem_shared>>) target(%dma_start3A_36 : memref<625x64xf32, #tpu.memory_space<hbm>>) target_semaphore(%run_scoped3A : memref<!tpu.dma_semaphore, #tpu.memory_space<semaphore_mem>>)
      %dma_wait3A = arith.constant 0 : i32
      %dma_wait3A_39 = arith.constant 0 : i32
      %dma_wait3A_40 = tpu.memref_slice %arg6[%arg0, %arg1, %dma_wait3A, %dma_wait3A_39] : memref<2x16x625x64xf32, #tpu.memory_space<hbm>> -> memref<1x1x625x64xf32, #tpu.memory_space<hbm>>
      %dma_wait3A_41 = tpu.memref_squeeze %dma_wait3A_40 : memref<1x1x625x64xf32, #tpu.memory_space<hbm>> -> memref<625x64xf32, #tpu.memory_space<hbm>>
      %dma_wait3A_42 = arith.constant 0 : i32
      %dma_wait3A_43 = tpu.memref_slice %arg12[%mul3A_5, %dma_wait3A_42] : memref<10000x64xf32, #tpu.memory_space<vmem_shared>> -> memref<625x64xf32, #tpu.memory_space<vmem_shared>>
      tpu.wait_dma2 semaphore(%run_scoped3A : memref<!tpu.dma_semaphore, #tpu.memory_space<semaphore_mem>>) src(%dma_wait3A_43 : memref<625x64xf32, #tpu.memory_space<vmem_shared>>) dst(%dma_wait3A_41 : memref<625x64xf32, #tpu.memory_space<hbm>>)
      tpu.yield
    }) : () -> ()
    return
  }
}

module attributes {stable_mosaic.version = 14 : i64} {
  func.func @_pre_body(%arg0: i32, %arg1: memref<2000x128xf32, #tpu.memory_space<vmem>>, %arg2: memref<64x64xf32, #tpu.memory_space<vmem>>, %arg3: memref<64x64xf32, #tpu.memory_space<vmem>>, %arg4: memref<2x2000x64xf32, #tpu.memory_space<vmem>>) attributes {dimension_semantics = [#tpu.dimension_semantics<arbitrary>], iteration_bounds = array<i64: 5>, scalar_prefetch = 0 : i64, scratch_operands = 0 : i64, tpu.core_type = #tpu.core_type<tc>, window_params = [{transform_indices = @transform_0, window_bounds = array<i64: 2000, 128>}, {pipeline_mode = #tpu.pipeline_mode<synchronous>, transform_indices = @transform_1, window_bounds = array<i64: 64, 64>}, {pipeline_mode = #tpu.pipeline_mode<synchronous>, transform_indices = @transform_2, window_bounds = array<i64: 64, 64>}, {transform_indices = @transform_3, window_bounds = array<i64: 2, 2000, 64>}]} {
    %get3A = arith.constant 0 : index
    %get3A_0 = arith.constant 0 : index
    %get3A_1 = vector.load %arg1[%get3A, %get3A_0] : memref<2000x128xf32, #tpu.memory_space<vmem>>, vector<2000x128xf32>
    %slice3A = vector.extract_strided_slice %get3A_1 {offsets = [0, 0], sizes = [2000, 64], strides = [1, 1]} : vector<2000x128xf32> to vector<2000x64xf32>
    %get3A_2 = arith.constant 0 : index
    %get3A_3 = arith.constant 0 : index
    %get3A_4 = vector.load %arg2[%get3A_2, %get3A_3] : memref<64x64xf32, #tpu.memory_space<vmem>>, vector<64x64xf32>
    %dot_general3A = arith.constant dense<0.000000e+00> : vector<2000x64xf32>
    %dot_general3A_5 = tpu.matmul %slice3A, %get3A_4, %dot_general3A {dimension_numbers = #tpu.dot_dimension_numbers<[1], [0], [0], [1], [0, 0, 1, 1], [], []>, precision = #tpu.contract_precision<fp32>, transpose_lhs_hint = false} : vector<2000x64xf32>, vector<64x64xf32>, vector<2000x64xf32> -> vector<2000x64xf32>
    %slice3A_6 = vector.extract_strided_slice %get3A_1 {offsets = [0, 64], sizes = [2000, 64], strides = [1, 1]} : vector<2000x128xf32> to vector<2000x64xf32>
    %get3A_7 = arith.constant 0 : index
    %get3A_8 = arith.constant 0 : index
    %get3A_9 = vector.load %arg3[%get3A_7, %get3A_8] : memref<64x64xf32, #tpu.memory_space<vmem>>, vector<64x64xf32>
    %dot_general3A_10 = arith.constant dense<0.000000e+00> : vector<2000x64xf32>
    %dot_general3A_11 = tpu.matmul %slice3A_6, %get3A_9, %dot_general3A_10 {dimension_numbers = #tpu.dot_dimension_numbers<[1], [0], [0], [1], [0, 0, 1, 1], [], []>, precision = #tpu.contract_precision<fp32>, transpose_lhs_hint = false} : vector<2000x64xf32>, vector<64x64xf32>, vector<2000x64xf32> -> vector<2000x64xf32>
    %gt3A = arith.constant 0.000000e+00 : f32
    %gt3A_12 = vector.broadcast %gt3A : f32 to vector<2000x64xf32>
    %gt3A_13 = arith.cmpf ogt, %dot_general3A_5, %gt3A_12 : vector<2000x64xf32>
    %exp3A = math.exp %dot_general3A_5 : vector<2000x64xf32>
    %sub3A = arith.constant 1.000000e+00 : f32
    %sub3A_14 = vector.broadcast %sub3A : f32 to vector<2000x64xf32>
    %sub3A_15 = arith.subf %exp3A, %sub3A_14 : vector<2000x64xf32>
    %select_n3A = arith.select %gt3A_13, %dot_general3A_5, %sub3A_15 : vector<2000x64xi1>, vector<2000x64xf32>
    %max3A = arith.constant 0.000000e+00 : f32
    %max3A_16 = vector.broadcast %max3A : f32 to vector<2000x64xf32>
    %max3A_17 = arith.maximumf %dot_general3A_11, %max3A_16 : vector<2000x64xf32>
    %mul3A = arith.constant -1.000000e+00 : f32
    %mul3A_18 = vector.broadcast %mul3A : f32 to vector<2000x64xf32>
    %mul3A_19 = arith.mulf %mul3A_18, %max3A_17 : vector<2000x64xf32>
    %exp3A_20 = math.exp %mul3A_19 : vector<2000x64xf32>
    %mul3A_21 = arith.mulf %select_n3A, %exp3A_20 : vector<2000x64xf32>
    %swap3A = arith.constant 0 : index
    %swap3A_22 = arith.constant 0 : index
    %swap3A_23 = arith.constant 0 : index
    %swap3A_24 = vector.load %arg4[%swap3A, %swap3A_22, %swap3A_23] : memref<2x2000x64xf32, #tpu.memory_space<vmem>>, vector<1x2000x64xf32>
    %swap3A_25 = vector.shape_cast %swap3A_24 : vector<1x2000x64xf32> to vector<2000x64xf32>
    %swap3A_26 = vector.shape_cast %mul3A_21 : vector<2000x64xf32> to vector<1x2000x64xf32>
    tpu.vector_store %arg4[%swap3A, %swap3A_22, %swap3A_23], %swap3A_26 {strides = array<i32>} : memref<2x2000x64xf32, #tpu.memory_space<vmem>>, vector<1x2000x64xf32>,
    %mul3A_27 = arith.mulf %max3A_17, %exp3A_20 : vector<2000x64xf32>
    %mul3A_28 = arith.mulf %mul3A_27, %exp3A_20 : vector<2000x64xf32>
    %swap3A_29 = arith.constant 1 : index
    %swap3A_30 = arith.constant 0 : index
    %swap3A_31 = arith.constant 0 : index
    %swap3A_32 = vector.load %arg4[%swap3A_29, %swap3A_30, %swap3A_31] : memref<2x2000x64xf32, #tpu.memory_space<vmem>>, vector<1x2000x64xf32>
    %swap3A_33 = vector.shape_cast %swap3A_32 : vector<1x2000x64xf32> to vector<2000x64xf32>
    %swap3A_34 = vector.shape_cast %mul3A_28 : vector<2000x64xf32> to vector<1x2000x64xf32>
    tpu.vector_store %arg4[%swap3A_29, %swap3A_30, %swap3A_31], %swap3A_34 {strides = array<i32>} : memref<2x2000x64xf32, #tpu.memory_space<vmem>>, vector<1x2000x64xf32>,
    return
  }
  func.func @transform_0(%arg0: i32) -> (i32, i32) {
    %c0_i32 = arith.constant 0 : i32
    %c0_i32_0 = arith.constant 0 : i32
    return %arg0, %c0_i32 : i32, i32
  }
  func.func @transform_1(%arg0: i32) -> (i32, i32) {
    %c0_i32 = arith.constant 0 : i32
    %c0_i32_0 = arith.constant 0 : i32
    %c0_i32_1 = arith.constant 0 : i32
    return %c0_i32, %c0_i32_0 : i32, i32
  }
  func.func @transform_2(%arg0: i32) -> (i32, i32) {
    %c0_i32 = arith.constant 0 : i32
    %c0_i32_0 = arith.constant 0 : i32
    %c0_i32_1 = arith.constant 0 : i32
    return %c0_i32, %c0_i32_0 : i32, i32
  }
  func.func @transform_3(%arg0: i32) -> (i32, i32, i32) {
    %c0_i32 = arith.constant 0 : i32
    %c0_i32_0 = arith.constant 0 : i32
    %c0_i32_1 = arith.constant 0 : i32
    return %c0_i32, %arg0, %c0_i32_0 : i32, i32, i32
  }
}

module attributes {stable_mosaic.version = 14 : i64} {
  func.func @_post_body(%arg0: i32, %arg1: memref<2x2000x64xf32, #tpu.memory_space<vmem>>, %arg2: memref<2000x64xf32, #tpu.memory_space<vmem>>, %arg3: memref<2000x64xf32, #tpu.memory_space<vmem>>) attributes {dimension_semantics = [#tpu.dimension_semantics<arbitrary>], iteration_bounds = array<i64: 5>, scalar_prefetch = 0 : i64, scratch_operands = 0 : i64, tpu.core_type = #tpu.core_type<tc>, window_params = [{transform_indices = @transform_0, window_bounds = array<i64: 2, 2000, 64>}, {transform_indices = @transform_1, window_bounds = array<i64: 2000, 64>}, {transform_indices = @transform_2, window_bounds = array<i64: 2000, 64>}]} {
    %get3A = arith.constant 0 : index
    %get3A_0 = arith.constant 0 : index
    %get3A_1 = arith.constant 0 : index
    %get3A_2 = vector.load %arg1[%get3A, %get3A_0, %get3A_1] : memref<2x2000x64xf32, #tpu.memory_space<vmem>>, vector<1x2000x64xf32>
    %get3A_3 = vector.shape_cast %get3A_2 : vector<1x2000x64xf32> to vector<2000x64xf32>
    %get3A_4 = arith.constant 1 : index
    %get3A_5 = arith.constant 0 : index
    %get3A_6 = arith.constant 0 : index
    %get3A_7 = vector.load %arg1[%get3A_4, %get3A_5, %get3A_6] : memref<2x2000x64xf32, #tpu.memory_space<vmem>>, vector<1x2000x64xf32>
    %get3A_8 = vector.shape_cast %get3A_7 : vector<1x2000x64xf32> to vector<2000x64xf32>
    %add3A = arith.constant 9.99999993E-9 : f32
    %add3A_9 = vector.broadcast %add3A : f32 to vector<2000x64xf32>
    %add3A_10 = arith.addf %get3A_8, %add3A_9 : vector<2000x64xf32>
    %sqrt3A = math.sqrt %add3A_10 : vector<2000x64xf32>
    %get3A_11 = arith.constant 0 : index
    %get3A_12 = arith.constant 0 : index
    %get3A_13 = vector.load %arg2[%get3A_11, %get3A_12] : memref<2000x64xf32, #tpu.memory_space<vmem>>, vector<2000x64xf32>
    %mul3A = arith.mulf %sqrt3A, %get3A_13 : vector<2000x64xf32>
    %add3A_14 = arith.addf %get3A_3, %mul3A : vector<2000x64xf32>
    %swap3A = arith.constant 0 : index
    %swap3A_15 = arith.constant 0 : index
    %swap3A_16 = vector.load %arg3[%swap3A, %swap3A_15] : memref<2000x64xf32, #tpu.memory_space<vmem>>, vector<2000x64xf32>
    tpu.vector_store %arg3[%swap3A, %swap3A_15], %add3A_14 {strides = array<i32>} : memref<2000x64xf32, #tpu.memory_space<vmem>>, vector<2000x64xf32>,
    return
  }
  func.func @transform_0(%arg0: i32) -> (i32, i32, i32) {
    %c0_i32 = arith.constant 0 : i32
    %c0_i32_0 = arith.constant 0 : i32
    %c0_i32_1 = arith.constant 0 : i32
    return %c0_i32, %arg0, %c0_i32_0 : i32, i32, i32
  }
  func.func @transform_1(%arg0: i32) -> (i32, i32) {
    %c0_i32 = arith.constant 0 : i32
    %c0_i32_0 = arith.constant 0 : i32
    return %arg0, %c0_i32 : i32, i32
  }
  func.func @transform_2(%arg0: i32) -> (i32, i32) {
    %c0_i32 = arith.constant 0 : i32
    %c0_i32_0 = arith.constant 0 : i32
    return %arg0, %c0_i32 : i32, i32
  }
}

</mosaic_0001>

<sc_bundles>
// kernel: kernel.5.cloned.1.call-start
scs
__scs_entry_jumppad:
0x0: {  	(pc) =	sbr.rel $0x88, $3  }
0x1: {  	(tag) =	ssettag $0x0;
	lr =	simm.s32 $0x1  }
0x2: {  	[smem:$0x3F9A] =	sst lr;
	_ =	strace $0xD0000000  }
0x3: {  	_ = 	snop  }
0x4: {  	_ = 	snop  }
0x5: {  	_ = 	snop  }
0x6: {  	_ = 	snop  }
0x7: {  	_ = 	snop  }
__scs_overlays_trampoline_lowered:
0x8: {  	[smem:$0x3FA9] =	sst s0  }
0x9: {  	[smem:$0x3FAA] =	sst s1  }
0xa: {  	[smem:$0x3FAB] =	sst s2  }
0xb: {  	[smem:$0x3FAC] =	sst s3  }
0xc: {  	[smem:$0x3FAD] =	sst s4  }
0xd: {  	[smem:$0x3FAE] =	sst s5  }
0xe: {  	[smem:$0x3FAF] =	sst s6  }
0xf: {  	[smem:$0x3FB0] =	sst s7  }
0x10: {  	[smem:$0x3FB1] =	sst s8  }
0x11: {  	[smem:$0x3FB2] =	sst s9;
	s0 =	simm.s32 @!p0 $0x0  }
0x12: {  	s1 =	sld [smem:$0x3F98];
	s0 =	simm.s32 @p0 $0x1  }
0x13: {  	[smem:$0x3FB3] =	sst s0;
	s0 =	simm.s32 @!p1 $0x0  }
0x14: {  	s2 =	sld [smem:$0x3F97];
	s0 =	simm.s32 @p1 $0x1  }
0x15: {  	[smem:$0x3FB4] =	sst s0;
	s0 =	simm.s32 @!p2 $0x0  }
0x16: {  	s3 =	sld [smem:$0x3FDB];
	s0 =	simm.s32 @p2 $0x1  }
0x17: {  	s4 =	simm.s32 $0x1BF5;
	[smem:$0x3FB6] =	sst s0  }
0x18: {  	s0 =	sld [smem:$0x3F99];
	_ =	swait.ge [sflag:s4], $0x0  }
0x19: {  	s7 =	sld [smem:$0x3F9A]  }
0x1a: {  	s8 =	sadd.s32 $0xFFFFE003, lr  }
0x1b: {  	s9 =	sadd.s32 $0xFFFFFEF7, lr;
	s5 =	simm.s32 $0xFFFFFFFF;
	p2 =	slt.u32 s8, $0xFFFFF086  }
0x1c: {  	p1 =	slt.u32 s9, $0xF7A;
	s5 =	simm.s32 @!p2 $0x0  }
0x1d: {  	s5 =	simm.s32 @p1 $0x1;
	p0 =	seq.s32 s7, s2  }
0x1e: {  	s7 =	smul.u32 @!p0 $0xF7A, s2;
	p2 =	seq.s32 @!p0 s5, $0x0  }
0x1f: {  	s9 =	smul.u32 $0xF7A, s1;
	s8 =	simm.s32 @!p0 $0x1BF5;
	p2 =	por !p2, p0  }
0x20: {  	[sflag:s8] =	ssyncset.s32 @!p0 $0xFFFFF086;
	s6 =	sadd.s32 @!p0 s3, s7;
	s7 =	simm.s32 @!p0 $0x108  }
0x21: {  	s3 =	sadd.s32 s3, s9;
	s6 =	sadd.s32 @!p0 $0x88, s6;
	s7 =	simm.s32 @p2 $0x1082  }
0x22: {  	[simem:s7], [sflag:s8] =	dma.local @!p0 [hbm:s6], $0xF7A  }
0x23: {  	s9 =	sor.u32 $0xD0000000, s2;
	s6 =	simm.s32 $0x108;
	_ =	swait.ge @!p0 [sflag:s8], $0x0  }
0x24: {  	s3 =	sadd.s32 $0x88, s3;
	s6 =	simm.s32 @!p1 $0x1082;
	[sflag:s4] =	ssyncset.s32 $0xFFFFF086  }
0x25: {  	[simem:s6], [sflag:s4] =	dma.local [hbm:s3], $0xF7A  }
0x26: {  	[smem:$0x3F9A] =	sst s1;
	(tag) =	ssettag s2;
	_ =	strace s9  }
0x27: {  	s1 =	sld [smem:$0x3FAA]  }
0x28: {  	s2 =	sld [smem:$0x3FAB]  }
0x29: {  	s4 =	sld [smem:$0x3FAD]  }
0x2a: {  	p0 =	seq.s32 s5, $0x0;
	s5 =	sld [smem:$0x3FAE]  }
0x2b: {  	s6 =	sld [smem:$0x3FAF]  }
0x2c: {  	s7 =	sld [smem:$0x3FB0]  }
0x2d: {  	s3 =	simm.s32 $0x108;
	s8 =	sld [smem:$0x3FB1]  }
0x2e: {  	s3 =	simm.s32 @!p0 $0x1082;
	s9 =	sld [smem:$0x3FB2]  }
0x2f: {  	lr =	sadd.s32 s0, s3;
	s0 =	sld [smem:$0x3FA9]  }
0x30: {  	s3 =	sld [smem:$0x3FAC]  }
0x31: {  	[smem:$0x3FB5] =	sst s10  }
0x32: {  	s10 =	sld [smem:$0x3FB3];
	_ =	sdelay $0x3  }
0x33: {  	p0 =	seq.s32 s10, $0x1;
	s10 =	sld [smem:$0x3FB5];
	_ =	sdelay $0x3  }
0x34: {  	[smem:$0x3FB5] =	sst s10  }
0x35: {  	s10 =	sld [smem:$0x3FB4];
	_ =	sdelay $0x3  }
0x36: {  	p1 =	seq.s32 s10, $0x1;
	s10 =	sld [smem:$0x3FB5];
	_ =	sdelay $0x3  }
0x37: {  	[smem:$0x3FB5] =	sst s10  }
0x38: {  	s10 =	sld [smem:$0x3FB6]  }
0x39: {  	_ = 	snop;
	(pc) =	sbr.ind lr, $3  }
0x3a: {  	_ = 	snop  }
0x3b: {  	_ = 	snop  }
0x3c: {  	p2 =	seq.s32 s10, $0x1;
	s10 =	sld [smem:$0x3FB5]  }
0x3d: {  	_ =	shalt  }
0x3e: {  	_ =	shalt  }
0x3f: {  	_ =	shalt  }
0x40: {  	_ =	shalt  }
0x41: {  	_ =	shalt  }
0x42: {  	_ =	shalt  }
0x43: {  	_ =	shalt  }
0x44: {  	_ =	shalt  }
0x45: {  	_ =	shalt  }
0x46: {  	_ =	shalt  }
0x47: {  	_ =	shalt  }
0x48: {  	_ =	shalt  }
0x49: {  	_ =	shalt  }
0x4a: {  	_ =	shalt  }
0x4b: {  	_ =	shalt  }
0x4c: {  	_ =	shalt  }
0x4d: {  	_ =	shalt  }
0x4e: {  	_ =	shalt  }
0x4f: {  	_ =	shalt  }
0x50: {  	_ =	shalt  }
0x51: {  	_ =	shalt  }
0x52: {  	_ =	shalt  }
0x53: {  	_ =	shalt  }
0x54: {  	_ =	shalt  }
0x55: {  	_ =	shalt  }
0x56: {  	_ =	shalt  }
0x57: {  	_ =	shalt  }
0x58: {  	_ =	shalt  }
0x59: {  	_ =	shalt  }
0x5a: {  	_ =	shalt  }
0x5b: {  	_ =	shalt  }
0x5c: {  	_ =	shalt  }
0x5d: {  	_ =	shalt  }
0x5e: {  	_ =	shalt  }
0x5f: {  	_ =	shalt  }
0x60: {  	_ =	shalt  }
0x61: {  	_ =	shalt  }
0x62: {  	_ =	shalt  }
0x63: {  	_ =	shalt  }
0x64: {  	_ =	shalt  }
0x65: {  	_ =	shalt  }
0x66: {  	_ =	shalt  }
0x67: {  	_ =	shalt  }
0x68: {  	_ =	shalt  }
0x69: {  	_ =	shalt  }
0x6a: {  	_ =	shalt  }
0x6b: {  	_ =	shalt  }
0x6c: {  	_ =	shalt  }
0x6d: {  	_ =	shalt  }
0x6e: {  	_ =	shalt  }
0x6f: {  	_ =	shalt  }
0x70: {  	_ =	shalt  }
0x71: {  	_ =	shalt  }
0x72: {  	_ =	shalt  }
0x73: {  	_ =	shalt  }
0x74: {  	_ =	shalt  }
0x75: {  	_ =	shalt  }
0x76: {  	_ =	shalt  }
0x77: {  	_ =	shalt  }
0x78: {  	_ =	shalt  }
0x79: {  	_ =	shalt  }
0x7a: {  	_ =	shalt  }
0x7b: {  	_ =	shalt  }
0x7c: {  	_ =	shalt  }
0x7d: {  	_ =	shalt  }
0x7e: {  	_ =	shalt  }
0x7f: {  	_ =	shalt  }
0x80: {  	_ =	shalt  }
0x81: {  	_ =	shalt  }
0x82: {  	_ =	shalt  }
0x83: {  	_ =	shalt  }
0x84: {  	_ =	shalt  }
0x85: {  	_ =	shalt  }
0x86: {  	_ =	shalt  }
0x87: {  	_ =	shalt  }
.Lfunc_end0:
.L_simem_size_0:
called_computation_lowered:
.L_overlay_start_0:
0x88: {  	s2 =	sld [smem:$0x3FD9]  }
0x89: {  	s3 =	sld [smem:$0x3FFE];
	_ =	sdelay $0x1  }
0x8a: {  	s1 =	srdreg.scid  }
0x8b: {  	s0 =	sand.u32 $0x1, s1  }
0x8c: {  	s17 =	sshll.u32 s0, $0xA;
	s2 =	sadd.s32 s3, s2  }
0x8d: {  	s2 =	sadd.s32 s2, s17  }
0x8e: {  	[smem:$0x3FC1] =	sst s2  }
0x8f: {  	_ = 	snop  }
0x90: {  	s2 =	sld [smem:$0x3FD0];
	(tm) =	ssettm $0x1  }
0x91: {  	s18 =	sld [smem:$0x3FFB];
	_ =	sdelay $0x3  }
0x92: {  	_ =	strace s18  }
0x93: {  	s3 =	sld [smem:$0x3FFC];
	_ =	sdelay $0x3  }
0x94: {  	_ =	strace s3  }
0x95: {  	s3 =	sld [smem:$0x3FFD];
	_ =	sdelay $0x3  }
0x96: {  	_ =	strace s3  }
0x97: {  	_ =	strace $0x8FFFFFFF  }
0x98: {  	s19 =	sld [smem:$0x3FDB];
	_ =	sdelay $0x1  }
0x99: {  	s4 =	simm.s32 $_scs_section_size  }
0x9a: {  	s5 =	simm.s32 $_size__tile_overlayer_lowered;
	s6 =	simm.s32 $_tile_overlayer_lowered  }
0x9b: {  	s22 =	simm.s32 $0x1BFF;
	s21 =	sshll.u32 s6, $0x1;
	s3 =	sadd.s32 s4, s19  }
0x9c: {  	s7 =	simm.s32 $0x0;
	s20 =	sshll.u32 s5, $0x1;
	s5 =	sadd.s32 s21, s3  }
0x9d: {  	[timem:s7], [sflag:s22] =	dma.local [hbm:s5], s20  }
0x9e: {  	_ =	swait.ge [sflag:s22], s20  }
0x9f: {  	s4 =	ssub.s32 $0x0, s20;
	[sflag:s22] =	ssyncset.done $0x0  }
0xa0: {  	[sflag:s22] =	ssyncadd.s32 s4;
	_ =	sdelay $0x1  }
0xa1: {  	s23 =	simm.s32 $0x1B8B  }
0xa2: {  	_ =	swait.ge [sflag:s23], $0x1  }
0xa3: {  	[sflag:s23] =	ssyncset.done $0x0  }
0xa4: {  	s25 =	simm.s32 $0x1B8E;
	s24 =	sld [smem:$0x3FFE];
	[sflag:s23] =	ssyncadd.s32 $0xFFFFFFFF  }
0xa5: {  	s26 =	simm.s32 $execute0_lowered;
	[smem:$0x3FD2] =	sst s25  }
0xa6: {  	s5 =	sshll.u32 s26, $0x1;
	_ =	strace $0x80000046;
	[dreg:$0x1] =	wrdreg $0xFFFFFFFF  }
0xa7: {  	s28 =	simm.s32 $_size_execute0_lowered;
	s3 =	sadd.s32 s3, s5;
	[dreg:$0x0] =	wrdreg $0x0  }
0xa8: {  	s5 =	sshll.u32 s28, $0x1;
	[dreg:$0x2] =	wrdreg s3  }
0xa9: {  	[dreg:$0x3] =	wrdreg s5  }
0xaa: {  	[dreg:$0x4] =	wrdreg $0xC0  }
0xab: {  	_ =	task [dreg:s7], $0x5FFFF  }
0xac: {  	[dreg:$0x1] =	wrdreg $0xFFFFFFFF  }
0xad: {  	[dreg:$0x0] =	wrdreg $0x60  }
0xae: {  	[dreg:$0x2] =	wrdreg s24  }
0xaf: {  	[dreg:$0x3] =	wrdreg s2  }
0xb0: {  	[dreg:$0x4] =	wrdreg $0x12D000  }
0xb1: {  	[dreg:$0x5] =	wrdreg $0x9  }
0xb2: {  	_ =	task.clear_ibuf [dreg:s7], $0x6FFFF;
	_ =	strace $0x90000046  }
0xb3: {  	s29 =	simm.s32 $0x9;
	_ =	strace $0x80000048  }
0xb4: {  	_ =	swait.ge [sflag:s29], $0x1  }
0xb5: {  	[sflag:s29] =	ssyncadd.s32 $0xFFFFFFFF  }
0xb6: {  	_ =	strace $0x90000048  }
0xb7: {  	_ =	sfence  }
0xb8: {  	s30 =	sld [smem:$0x0];
	_ =	sdelay $0x2  }
0xb9: {  	s31 =	sshll.u32 s1, $0xD;
	s1 =	sshrl.u32 s1, $0x2  }
0xba: {  	s3 =	sand.u32 $0x4000, s31;
	s1 =	sadd.s32 s1, s30  }
0xbb: {  	s0 =	sor.u32 s3, s0;
	s1 =	sshll.u32 s1, $0x11  }
0xbc: {  	s0 =	sor.u32 s1, s0  }
0xbd: {  	s0 =	sadd.s32 $0x8F2B, s0  }
0xbe: {  	[sflag:s0] =	ssyncadd.remote.s32 $0x1  }
0xbf: {  	_ =	sfence.sel $0xFFFF  }
0xc0: {  	[dreg:$0x0] =	wrdreg $0xFFFFFFFF;
	(pc) =	sbr.abs _section_cstart, $3  }
0xc1: {  	[dreg:$0x1] =	wrdreg $0xFFFFFFFF  }
0xc2: {  	_ =	task.clear_ibuf [dreg:s7], $0x2FFFF;
	_ =	strace $0x9FFFFFFF  }
0xc3: {  	(tm) =	ssettm $0x7FFFFFFF  }
tec
execute0_lowered:
.L_overlay_start_1:
0x0: {  	(tag) =	ssettag $0x1  }
0x1: {  	s0 =	rddreg [dreg:$0x0]  }
0x2: {  	s1 =	rddreg [dreg:$0x1];
	s11 =	stileid.u32  }
0x3: {  	s3 =	srdreg.scid;
	s2 =	rddreg [dreg:$0x2]  }
0x4: {  	s19 =	simm.s32 $0x0;
	s15 =	simm.s32 $0x3;
	s5 =	smul.u32 $0x4F00, s11  }
0x5: {  	s17 =	simm.s32 $0x9E00;
	s18 =	simm.s32 $0xED00;
	s9 =	smul.u32 $0x9C40, s11  }
0x6: {  	s6 =	sand.u32 $0x1, s3;
	[smem:$0x7FF] =	sst s19;
	s21 =	smul.u32 $0x27100, s11  }
0x7: {  	s4 =	sadd.s32 $0xAC00, s0;
	s19 =	simm.s32 $0x80;
	s7 =	smul.u32 $0x4F000, s6  }
0x8: {  	s8 =	smul.u32 $0x9C400, s6;
	_ =	strace $0x80000047;
	s6 =	ssub.s32 $0x2, s6  }
0x9: {  	s10 =	sshrl.u32 s5, $0x3;
	s23 =	sshrl.u32 s6, $0x1;
	s24 =	sshrl.u32 s21, $0x2  }
0xa: {  	s21 =	simm.s32 $0x1;
	s20 =	sadd.s32 s10, s0;
	s3 =	sadd.s32 s24, s2  }
0xb: {  	s6 =	ssub.s32 s6, s23;
	s25 =	sadd.s32 $0xE00, s20;
	[dreg:$0x7] =	wrdreg s3  }
0xc: {  	s5 =	sadd.s32 s5, s7;
	s28 =	smax.u32 s6, $0x1;
	[dreg:$0x5] =	wrdreg s25  }
0xd: {  	s8 =	sadd.s32 s9, s8;
	s29 =	sadd.s32 $0x2000, s3;
	[dreg:$0xa] =	wrdreg s28  }
0xe: {  	s5 =	sshrl.u32 s5, $0x3;
	s30 =	sadd.s32 $0x4000, s3;
	[dreg:$0xb] =	wrdreg s29  }
0xf: {  	s31 =	sadd.s32 $0x6000, s3;
	s22 =	sadd.s32 s5, s0;
	[dreg:$0xc] =	wrdreg s30  }
.Ltmp0:
0x10: {  	s1 =	sadd.s32 s1, s5;
	[dreg:$0xd] =	wrdreg s31;
	(pc) =	sbr.rel .LBB2_1-.Ltmp0, $4  }
0x11: {  	s8 =	sshrl.u32 s8, $0x3;
	[dreg:$0x4] =	wrdreg s1;
	s26 =	sadd.s32 $0x31E00, s22  }
0x12: {  	s0 =	sadd.s32 s8, s0;
	s1 =	sadd.s32 $0x8000, s3;
	[dreg:$0x6] =	wrdreg s26  }
0x13: {  	v1 =	vimm.s32 $0x0;
	vm0 =	vcmask $0x300;
	s23 =	simm.s32 $0x0;
	s0 =	sadd.s32 $0x45A00, s0;
	[dreg:$0x8] =	wrdreg s1  }
0x14: {  	v0 =	vimm.f32 $0.0e+00;
	v1 =	vsel vm0, $0x3, v1;
	s20 =	simm.s32 $0x10D00;
	s22 =	simm.s32 $0x2;
	[dreg:$0x9] =	wrdreg s0  }
.LBB2_10:
0x15: {  	s0 =	stileid.u32;
	[bflag:$0x0] =	sbarrier.arrive $0xFFFF  }
0x16: {  	s0 =	sshll.u32 s0, $0x6;
	s3 =	rddreg [dreg:$0x7]  }
0x17: {  	s5 =	rddreg [dreg:$0x9];
	s0 =	sor.u32 $0x1C03, s0;
	s1 =	sshrl.u32 s3, $0x3  }
0x18: {  	[hbm:s5], [sflag:s0] =	dma.local [spmem:s1], $0x1388  }
0x19: {  	_ =	swait.ge [sflag:s15], $0x1388  }
0x1a: {  	s23 =	sadd.s32 $0x1, s23;
	s31 =	rddreg [dreg:$0xa]  }
0x1b: {  	p0 =	sne.s32 s23, s31  }
.Ltmp1:
0x1c: {  	_ = 	snop;
	(pc) =	sbr.rel @!p0 .LBB2_11-.Ltmp1, $3  }
0x1d: {  	_ =	sdelay $0x1  }
0x1e: {  	[sflag:s15] =	ssyncset.done $0x0  }
0x1f: {  	[sflag:s15] =	ssyncadd.s32 $0xFFFFEC78  }
.LBB2_1:
0x20: {  	s0 =	simm.s32 $0x0;
	s1 =	rddreg [dreg:$0x4]  }
0x21: {  	[tilespmem:s0], [sflag:$0x3] =	stream.linear.gather [hbm4b:s1+s0], $0x4F00, $0x38;
	[tilespmem:$0x1C940] =	vst v63  }
0x22: {  	_ =	swait.ge [sflag:s15], $0x4F00  }
0x23: {  	[sflag:s15] =	ssyncset.done $0x0  }
0x24: {  	s5 =	simm.s32 $0x4F00;
	s30 =	rddreg [dreg:$0x5];
	[sflag:s15] =	ssyncadd.s32 $0xFFFFB100  }
0x25: {  	[tilespmem:s5], [sflag:$0x3] =	stream.linear.gather [hbm4b:s30+s0], $0x4F00, $0x38;
	[tilespmem:$0x1C940] =	vst v63  }
0x26: {  	_ =	swait.ge [sflag:s15], $0x4F00  }
0x27: {  	[sflag:s15] =	ssyncset.done $0x0  }
0x28: {  	s31 =	rddreg [dreg:$0x6];
	[sflag:s15] =	ssyncadd.s32 $0xFFFFB100  }
0x29: {  	[tilespmem:s17], [sflag:$0x3] =	stream.linear.gather [hbm4b:s31+s0], $0x4F00, $0x38;
	[tilespmem:$0x1C940] =	vst v63  }
0x2a: {  	_ =	swait.ge [sflag:s15], $0x4F00  }
0x2b: {  	[sflag:s15] =	ssyncset.done $0x0  }
0x2c: {  	s1 =	simm.s32 $0x100;
	s0 =	simm.s32 $0x0;
	[sflag:s15] =	ssyncadd.s32 $0xFFFFB100  }
.LBB2_2:
0x2d: {  	p0 =	sne.s32 s1, $0x7F00;
	[tilespmem:s0+$0xED30] =	vst v0;
	s5 =	smov.u32 s1;
	s1 =	sadd.s32 $0x100, s1  }
.Ltmp2:
0x2e: {  	[tilespmem:s0+$0xED20] =	vst v0;
	(pc) =	sbr.rel @p0 .LBB2_2-.Ltmp2, $3  }
0x2f: {  	[tilespmem:s0+$0xED00] =	vst v0  }
0x30: {  	[tilespmem:s0+$0xED10] =	vst v0;
	_ =	sdelay $0x1  }
0x31: {  	s0 =	sshra.s32 s5, $0x2  }
0x32: {  	[tilespmem:s0+$0xED30] =	vst v0  }
0x33: {  	[tilespmem:s0+$0xED20] =	vst v0  }
0x34: {  	[tilespmem:s0+$0xED00] =	vst v0  }
0x35: {  	[tilespmem:s0+$0xED10] =	vst v0  }
0x36: {  	[spmem:s3] =	stream.linear.scatter [tilespmem:s18], [sflag:$0x3], $0x2000, $0x38;
	[tilespmem:$0x1C940] =	vst v63  }
0x37: {  	_ =	swait.ge [sflag:s15], $0x2000  }
0x38: {  	[sflag:s15] =	ssyncset.done $0x0  }
0x39: {  	s28 =	rddreg [dreg:$0xb];
	[sflag:s15] =	ssyncadd.s32 $0xFFFFE000  }
0x3a: {  	[spmem:s28] =	stream.linear.scatter [tilespmem:s18], [sflag:$0x3], $0x2000, $0x38;
	[tilespmem:$0x1C940] =	vst v63  }
0x3b: {  	_ =	swait.ge [sflag:s15], $0x2000  }
0x3c: {  	[sflag:s15] =	ssyncset.done $0x0  }
0x3d: {  	s29 =	rddreg [dreg:$0xc];
	[sflag:s15] =	ssyncadd.s32 $0xFFFFE000  }
0x3e: {  	[spmem:s29] =	stream.linear.scatter [tilespmem:s18], [sflag:$0x3], $0x2000, $0x38;
	[tilespmem:$0x1C940] =	vst v63  }
0x3f: {  	_ =	swait.ge [sflag:s15], $0x2000  }
0x40: {  	[sflag:s15] =	ssyncset.done $0x0  }
0x41: {  	s30 =	rddreg [dreg:$0xd];
	[sflag:s15] =	ssyncadd.s32 $0xFFFFE000  }
0x42: {  	[spmem:s30] =	stream.linear.scatter [tilespmem:s18], [sflag:$0x3], $0x2000, $0x38;
	[tilespmem:$0x1C940] =	vst v63  }
0x43: {  	_ =	swait.ge [sflag:s15], $0x2000  }
0x44: {  	[sflag:s15] =	ssyncset.done $0x0  }
0x45: {  	s31 =	rddreg [dreg:$0x8];
	[sflag:s15] =	ssyncadd.s32 $0xFFFFE000  }
0x46: {  	[spmem:s31] =	stream.linear.scatter [tilespmem:s18], [sflag:$0x3], $0x1C40, $0x38;
	[tilespmem:$0x1C940] =	vst v63  }
0x47: {  	_ =	swait.ge [sflag:s15], $0x1C40  }
0x48: {  	[sflag:s15] =	ssyncset.done $0x0  }
0x49: {  	[sflag:s15] =	ssyncadd.s32 $0xFFFFE3C0  }
0x4a: {  	s24 =	simm.s32 $0x0;
	[bflag:$0x0] =	sbarrier.arrive $0xFFFF  }
0x4b: {  	[tilespmem:s18], [sflag:$0x1] =	stream.indirect.gather [hbm4b:s4+s19], $0x40, s24, s19, $0xb8;
	[tilespmem:$0x1C940] =	vst v63  }
0x4c: {  	s25 =	simm.s32 $0x0  }
0x4d: {  	[tilespmem:s20], [sflag:$0x2] =	stream.indirect.gather [hbm4b:s4+s19], $0x40, s19, s19, $0xb8;
	[tilespmem:$0x1C940] =	vst v63  }
.LBB2_4:
0x4e: {  	s26 =	sadd.s32 $0x0, s24  }
0x4f: {  	v2 =	vmov s26  }
0x50: {  	v2 =	vshrl.u32 v2, $0x3  }
0x51: {  	v2 =	vshll.u32 v2, v1  }
0x52: {  	v2 =	vbroadcast v2, $0x0;
	_ =	sdelay $0x1  }
0x53: {  	_ =	swait.ge [sflag:s21], $0x2000  }
0x54: {  	[sflag:s21] =	ssyncset.done $0x0  }
0x55: {  	s29 =	simm.s32 $0xEF00;
	[sflag:s21] =	ssyncadd.s32 $0xFFFFE000  }
0x56: {  	v3 =	vld [tilespmem:s29+$0xFFFFFE30]  }
0x57: {  	s0 =	sadd.s32 $0x1, s26;
	v2 =	vld.idx.msk [tilespmem:v2+s17+$0x0], $0xffff  }
0x58: {  	v4 =	vmov s0;
	v5 =	vld [tilespmem:s29+$0xFFFFFE00]  }
0x59: {  	v4 =	vshrl.u32 v4, $0x3;
	v6 =	vld [tilespmem:s29+$0xFFFFFE10]  }
0x5a: {  	v7 =	vld [tilespmem:s29+$0xFFFFFE20];
	v4 =	vshll.u32 v4, v1  }
0x5b: {  	v4 =	vadd.s32 $0x1, v4  }
0x5c: {  	v4 =	vbroadcast v4, $0x0;
	v3 =	vmul.f32 v3, v2  }
0x5d: {  	v5 =	vmul.f32 v5, v2  }
0x5e: {  	v6 =	vmul.f32 v6, v2;
	[tilespmem:s29+$0xFFFFFE30] =	vst v3  }
0x5f: {  	v2 =	vmul.f32 v7, v2;
	[tilespmem:s29+$0xFFFFFE00] =	vst v5  }
0x60: {  	[tilespmem:s29+$0xFFFFFE10] =	vst v6  }
0x61: {  	[tilespmem:s29+$0xFFFFFE20] =	vst v2;
	v3 =	vld [tilespmem:s29+$0xFFFFFE40]  }
0x62: {  	s3 =	sadd.s32 $0x2, s26;
	v2 =	vld.idx.msk [tilespmem:v4+s17+$0x0], $0xffff  }
0x63: {  	v5 =	vld [tilespmem:s29+$0xFFFFFE50];
	v4 =	vmov s3  }
0x64: {  	v6 =	vld [tilespmem:s29+$0xFFFFFE70];
	v4 =	vshrl.u32 v4, $0x3  }
0x65: {  	v7 =	vld [tilespmem:s29+$0xFFFFFE60];
	v4 =	vshll.u32 v4, v1  }
0x66: {  	v4 =	vadd.s32 $0x2, v4  }
0x67: {  	v4 =	vbroadcast v4, $0x0;
	v3 =	vmul.f32 v3, v2  }
0x68: {  	v5 =	vmul.f32 v5, v2  }
0x69: {  	v6 =	vmul.f32 v6, v2;
	[tilespmem:s29+$0xFFFFFE40] =	vst v3  }
0x6a: {  	v2 =	vmul.f32 v7, v2;
	[tilespmem:s29+$0xFFFFFE50] =	vst v5  }
0x6b: {  	[tilespmem:s29+$0xFFFFFE70] =	vst v6  }
0x6c: {  	[tilespmem:s29+$0xFFFFFE60] =	vst v2;
	v3 =	vld [tilespmem:s29+$0xFFFFFE80]  }
0x6d: {  	s5 =	sadd.s32 $0x3, s26;
	v2 =	vld.idx.msk [tilespmem:v4+s17+$0x0], $0xffff  }
0x6e: {  	v5 =	vld [tilespmem:s29+$0xFFFFFEB0];
	v4 =	vmov s5  }
0x6f: {  	v6 =	vld [tilespmem:s29+$0xFFFFFE90];
	v4 =	vshrl.u32 v4, $0x3  }
0x70: {  	v7 =	vld [tilespmem:s29+$0xFFFFFEA0];
	v4 =	vshll.u32 v4, v1  }
0x71: {  	v4 =	vadd.s32 $0x3, v4  }
0x72: {  	v4 =	vbroadcast v4, $0x0;
	v3 =	vmul.f32 v3, v2  }
0x73: {  	v5 =	vmul.f32 v5, v2  }
0x74: {  	v6 =	vmul.f32 v6, v2;
	[tilespmem:s29+$0xFFFFFE80] =	vst v3  }
0x75: {  	v2 =	vmul.f32 v7, v2;
	[tilespmem:s29+$0xFFFFFEB0] =	vst v5  }
0x76: {  	[tilespmem:s29+$0xFFFFFE90] =	vst v6  }
0x77: {  	[tilespmem:s29+$0xFFFFFEA0] =	vst v2;
	v3 =	vld [tilespmem:s29+$0xFFFFFEC0]  }
0x78: {  	s6 =	sadd.s32 $0x4, s26;
	v2 =	vld.idx.msk [tilespmem:v4+s17+$0x0], $0xffff  }
0x79: {  	v5 =	vld [tilespmem:s29+$0xFFFFFED0];
	v4 =	vmov s6  }
0x7a: {  	v6 =	vld [tilespmem:s29+$0xFFFFFEF0];
	v4 =	vshrl.u32 v4, $0x3  }
0x7b: {  	v7 =	vld [tilespmem:s29+$0xFFFFFEE0];
	v4 =	vshll.u32 v4, v1  }
0x7c: {  	v4 =	vadd.s32 $0x4, v4  }
0x7d: {  	v4 =	vbroadcast v4, $0x0;
	v3 =	vmul.f32 v3, v2  }
0x7e: {  	v5 =	vmul.f32 v5, v2  }
0x7f: {  	v6 =	vmul.f32 v6, v2;
	[tilespmem:s29+$0xFFFFFEC0] =	vst v3  }
0x80: {  	v2 =	vmul.f32 v7, v2;
	[tilespmem:s29+$0xFFFFFED0] =	vst v5  }
0x81: {  	[tilespmem:s29+$0xFFFFFEF0] =	vst v6  }
0x82: {  	[tilespmem:s29+$0xFFFFFEE0] =	vst v2;
	v3 =	vld [tilespmem:s29+$0xFFFFFF00]  }
0x83: {  	s7 =	sadd.s32 $0x5, s26;
	v2 =	vld.idx.msk [tilespmem:v4+s17+$0x0], $0xffff  }
0x84: {  	v5 =	vld [tilespmem:s29+$0xFFFFFF20];
	v4 =	vmov s7  }
0x85: {  	v6 =	vld [tilespmem:s29+$0xFFFFFF10];
	v4 =	vshrl.u32 v4, $0x3  }
0x86: {  	v7 =	vld [tilespmem:s29+$0xFFFFFF30];
	v4 =	vshll.u32 v4, v1  }
0x87: {  	v4 =	vadd.s32 $0x5, v4  }
0x88: {  	v4 =	vbroadcast v4, $0x0;
	v3 =	vmul.f32 v3, v2  }
0x89: {  	v5 =	vmul.f32 v5, v2  }
0x8a: {  	v6 =	vmul.f32 v6, v2;
	[tilespmem:s29+$0xFFFFFF00] =	vst v3  }
0x8b: {  	v2 =	vmul.f32 v7, v2;
	[tilespmem:s29+$0xFFFFFF20] =	vst v5  }
0x8c: {  	[tilespmem:s29+$0xFFFFFF10] =	vst v6  }
0x8d: {  	[tilespmem:s29+$0xFFFFFF30] =	vst v2;
	v3 =	vld [tilespmem:s29+$0xFFFFFF40]  }
0x8e: {  	s8 =	sadd.s32 $0x6, s26;
	v2 =	vld.idx.msk [tilespmem:v4+s17+$0x0], $0xffff  }
0x8f: {  	v5 =	vld [tilespmem:s29+$0xFFFFFF60];
	v4 =	vmov s8  }
0x90: {  	v6 =	vld [tilespmem:s29+$0xFFFFFF50];
	v4 =	vshrl.u32 v4, $0x3  }
0x91: {  	v7 =	vld [tilespmem:s29+$0xFFFFFF70];
	v4 =	vshll.u32 v4, v1  }
0x92: {  	v4 =	vadd.s32 $0x6, v4  }
0x93: {  	v4 =	vbroadcast v4, $0x0;
	v3 =	vmul.f32 v3, v2  }
0x94: {  	v5 =	vmul.f32 v5, v2  }
0x95: {  	v6 =	vmul.f32 v6, v2;
	[tilespmem:s29+$0xFFFFFF40] =	vst v3  }
0x96: {  	v2 =	vmul.f32 v7, v2;
	[tilespmem:s29+$0xFFFFFF60] =	vst v5  }
0x97: {  	[tilespmem:s29+$0xFFFFFF50] =	vst v6  }
0x98: {  	[tilespmem:s29+$0xFFFFFF70] =	vst v2;
	v3 =	vld [tilespmem:s29+$0xFFFFFF80]  }
0x99: {  	s9 =	sadd.s32 $0x7, s26;
	v2 =	vld.idx.msk [tilespmem:v4+s17+$0x0], $0xffff  }
0x9a: {  	v5 =	vld [tilespmem:s29+$0xFFFFFF90];
	v4 =	vmov s9  }
0x9b: {  	v6 =	vld [tilespmem:s29+$0xFFFFFFB0];
	v4 =	vshrl.u32 v4, $0x3  }
0x9c: {  	v7 =	vld [tilespmem:s29+$0xFFFFFFA0];
	v4 =	vshll.u32 v4, v1  }
0x9d: {  	v4 =	vadd.s32 $0x7, v4  }
0x9e: {  	v4 =	vbroadcast v4, $0x0;
	v3 =	vmul.f32 v3, v2  }
0x9f: {  	v5 =	vmul.f32 v5, v2  }
0xa0: {  	v6 =	vmul.f32 v6, v2;
	[tilespmem:s29+$0xFFFFFF80] =	vst v3  }
0xa1: {  	v2 =	vmul.f32 v7, v2;
	[tilespmem:s29+$0xFFFFFF90] =	vst v5  }
0xa2: {  	[tilespmem:s29+$0xFFFFFFB0] =	vst v6  }
0xa3: {  	[tilespmem:s29+$0xFFFFFFA0] =	vst v2;
	v3 =	vld [tilespmem:s29+$0xFFFFFFC0]  }
0xa4: {  	v2 =	vld.idx.msk [tilespmem:v4+s17+$0x0], $0xffff  }
0xa5: {  	s10 =	sadd.s32 $0x8, s26;
	v4 =	vld [tilespmem:s29+$0xFFFFFFD0]  }
0xa6: {  	v5 =	vmov s10;
	v6 =	vld [tilespmem:s29+$0xFFFFFFE0]  }
0xa7: {  	v7 =	vld [tilespmem:s29+$0xFFFFFFF0];
	v5 =	vshrl.u32 v5, $0x3  }
0xa8: {  	v5 =	vshll.u32 v5, v1  }
0xa9: {  	v5 =	vbroadcast v5, $0x0;
	v3 =	vmul.f32 v3, v2  }
0xaa: {  	v4 =	vmul.f32 v4, v2  }
0xab: {  	v6 =	vmul.f32 v6, v2;
	[tilespmem:s29+$0xFFFFFFC0] =	vst v3  }
0xac: {  	v2 =	vmul.f32 v7, v2;
	[tilespmem:s29+$0xFFFFFFD0] =	vst v4  }
0xad: {  	[tilespmem:s29+$0xFFFFFFE0] =	vst v6  }
0xae: {  	[tilespmem:s29+$0xFFFFFFF0] =	vst v2;
	v3 =	vld [tilespmem:s29+$0x0]  }
0xaf: {  	s11 =	sadd.s32 $0x9, s26;
	v2 =	vld.idx.msk [tilespmem:v5+s17+$0x0], $0xffff  }
0xb0: {  	v4 =	vmov s11;
	v5 =	vld [tilespmem:s29+$0x30]  }
0xb1: {  	v6 =	vld [tilespmem:s29+$0x10];
	v4 =	vshrl.u32 v4, $0x3  }
0xb2: {  	v7 =	vld [tilespmem:s29+$0x20];
	v4 =	vshll.u32 v4, v1  }
0xb3: {  	v4 =	vadd.s32 $0x1, v4  }
0xb4: {  	v4 =	vbroadcast v4, $0x0;
	v3 =	vmul.f32 v3, v2  }
0xb5: {  	v5 =	vmul.f32 v5, v2  }
0xb6: {  	v6 =	vmul.f32 v6, v2;
	[tilespmem:s29+$0x0] =	vst v3  }
0xb7: {  	v2 =	vmul.f32 v7, v2;
	[tilespmem:s29+$0x30] =	vst v5  }
0xb8: {  	[tilespmem:s29+$0x10] =	vst v6  }
0xb9: {  	[tilespmem:s29+$0x20] =	vst v2;
	v3 =	vld [tilespmem:s29+$0x40]  }
0xba: {  	s12 =	sadd.s32 $0xA, s26;
	v2 =	vld.idx.msk [tilespmem:v4+s17+$0x0], $0xffff  }
0xbb: {  	v5 =	vld [tilespmem:s29+$0x50];
	v4 =	vmov s12  }
0xbc: {  	v6 =	vld [tilespmem:s29+$0x60];
	v4 =	vshrl.u32 v4, $0x3  }
0xbd: {  	v7 =	vld [tilespmem:s29+$0x70];
	v4 =	vshll.u32 v4, v1  }
0xbe: {  	v4 =	vadd.s32 $0x2, v4  }
0xbf: {  	v4 =	vbroadcast v4, $0x0;
	v3 =	vmul.f32 v3, v2  }
0xc0: {  	v5 =	vmul.f32 v5, v2  }
0xc1: {  	v6 =	vmul.f32 v6, v2;
	[tilespmem:s29+$0x40] =	vst v3  }
0xc2: {  	v2 =	vmul.f32 v7, v2;
	[tilespmem:s29+$0x50] =	vst v5  }
0xc3: {  	[tilespmem:s29+$0x60] =	vst v6  }
0xc4: {  	[tilespmem:s29+$0x70] =	vst v2  }
0xc5: {  	v2 =	vld.idx.msk [tilespmem:v4+s17+$0x0], $0xffff  }
0xc6: {  	s13 =	sadd.s32 $0xB, s26;
	v4 =	vld [tilespmem:s29+$0x80]  }
0xc7: {  	v3 =	vld [tilespmem:s29+$0xA0];
	v5 =	vmov s13  }
0xc8: {  	v6 =	vld [tilespmem:s29+$0xB0];
	v5 =	vshrl.u32 v5, $0x3  }
0xc9: {  	v7 =	vld [tilespmem:s29+$0x90];
	v5 =	vshll.u32 v5, v1  }
0xca: {  	v5 =	vadd.s32 $0x3, v5  }
0xcb: {  	v5 =	vbroadcast v5, $0x0;
	v4 =	vmul.f32 v4, v2  }
0xcc: {  	v3 =	vmul.f32 v3, v2  }
0xcd: {  	v6 =	vmul.f32 v6, v2;
	[tilespmem:s29+$0x80] =	vst v4  }
0xce: {  	v2 =	vmul.f32 v7, v2;
	[tilespmem:s29+$0xA0] =	vst v3  }
0xcf: {  	[tilespmem:s29+$0xB0] =	vst v6  }
0xd0: {  	[tilespmem:s29+$0x90] =	vst v2;
	v2 =	vld [tilespmem:s29+$0xC0]  }
0xd1: {  	v5 =	vld.idx.msk [tilespmem:v5+s17+$0x0], $0xffff  }
0xd2: {  	s14 =	sadd.s32 $0xC, s26;
	v3 =	vld [tilespmem:s29+$0xE0]  }
0xd3: {  	s31 =	sadd.s32 $0xF, s26;
	v7 =	vld [tilespmem:s29+$0xF0];
	v4 =	vmov s14  }
0xd4: {  	s1 =	sadd.s32 $0xD, s26;
	v10 =	vmov s31;
	v8 =	vld [tilespmem:s29+$0xD0];
	v4 =	vshrl.u32 v4, $0x3  }
0xd5: {  	s16 =	sadd.s32 $0xE, s26;
	v10 =	vshrl.u32 v10, $0x3;
	v6 =	vmov s1;
	v4 =	vshll.u32 v4, v1  }
0xd6: {  	v9 =	vadd.s32 $0x4, v4;
	v4 =	vmov s16;
	v2 =	vmul.f32 v2, v5  }
0xd7: {  	v6 =	vshrl.u32 v6, $0x3;
	v4 =	vshrl.u32 v4, $0x3;
	v11 =	vmul.f32 v3, v5  }
0xd8: {  	v6 =	vshll.u32 v6, v1;
	v3 =	vshll.u32 v4, v1;
	v7 =	vmul.f32 v7, v5;
	[tilespmem:s29+$0xC0] =	vst v2  }
0xd9: {  	v4 =	vadd.s32 $0x5, v6;
	v6 =	vmul.f32 v8, v5;
	v2 =	vshll.u32 v10, v1;
	[tilespmem:s29+$0xE0] =	vst v11  }
0xda: {  	s28 =	sshll.u32 s25, $0x8;
	s30 =	simm.s32 $0xEF00;
	s26 =	simm.s32 $0x10;
	v5 =	vbroadcast v9, $0x0;
	v3 =	vadd.s32 $0x6, v3;
	[tilespmem:s29+$0xF0] =	vst v7;
	v2 =	vadd.s32 $0x7, v2  }
.LBB2_5:
0xdb: {  	p0 =	sne.s32 s26, $0x70  }
0xdc: {  	[tilespmem:s29+$0xD0] =	vst v6;
	s30 =	sadd.s32 $0x400, s30;
	s31 =	smov.u32 s26;
	s26 =	sadd.s32 $0x10, s26  }
0xdd: {  	_ =	sdelay $0x1  }
0xde: {  	v6 =	vld [tilespmem:s29+$0x130]  }
0xdf: {  	v7 =	vld [tilespmem:s29+$0x110]  }
0xe0: {  	v5 =	vld.idx.msk [tilespmem:v5+s17+$0x0], $0xffff  }
0xe1: {  	v8 =	vld [tilespmem:s29+$0x100]  }
0xe2: {  	v9 =	vld [tilespmem:s29+$0x120];
	_ =	sdelay $0x2  }
0xe3: {  	v4 =	vbroadcast v4, $0x0  }
0xe4: {  	v6 =	vmul.f32 v6, v5;
	v8 =	vmul.f32 v8, v5  }
0xe5: {  	v7 =	vmul.f32 v7, v5;
	v5 =	vmul.f32 v9, v5  }
0xe6: {  	[tilespmem:s29+$0x130] =	vst v6  }
0xe7: {  	[tilespmem:s29+$0x100] =	vst v8  }
0xe8: {  	[tilespmem:s29+$0x110] =	vst v7;
	v6 =	vld [tilespmem:s29+$0x140]  }
0xe9: {  	[tilespmem:s29+$0x120] =	vst v5;
	v5 =	vld [tilespmem:s29+$0x170]  }
0xea: {  	v4 =	vld.idx.msk [tilespmem:v4+s17+$0x0], $0xffff  }
0xeb: {  	v7 =	vld [tilespmem:s29+$0x150]  }
0xec: {  	v8 =	vld [tilespmem:s29+$0x160];
	_ =	sdelay $0x2  }
0xed: {  	v3 =	vbroadcast v3, $0x0  }
0xee: {  	v6 =	vmul.f32 v6, v4;
	v7 =	vmul.f32 v7, v4  }
0xef: {  	v8 =	vmul.f32 v8, v4;
	v4 =	vmul.f32 v5, v4  }
0xf0: {  	[tilespmem:s29+$0x140] =	vst v6  }
0xf1: {  	[tilespmem:s29+$0x150] =	vst v7  }
0xf2: {  	[tilespmem:s29+$0x170] =	vst v4;
	v4 =	vld [tilespmem:s29+$0x180]  }
0xf3: {  	[tilespmem:s29+$0x160] =	vst v8;
	v5 =	vld [tilespmem:s29+$0x1B0]  }
0xf4: {  	v3 =	vld.idx.msk [tilespmem:v3+s17+$0x0], $0xffff  }
0xf5: {  	v6 =	vld [tilespmem:s29+$0x190]  }
0xf6: {  	v7 =	vld [tilespmem:s29+$0x1A0];
	_ =	sdelay $0x2  }
0xf7: {  	v2 =	vbroadcast v2, $0x0  }
0xf8: {  	v4 =	vmul.f32 v4, v3;
	v6 =	vmul.f32 v6, v3  }
0xf9: {  	v7 =	vmul.f32 v7, v3;
	v3 =	vmul.f32 v5, v3  }
0xfa: {  	[tilespmem:s29+$0x180] =	vst v4  }
0xfb: {  	[tilespmem:s29+$0x190] =	vst v6  }
0xfc: {  	[tilespmem:s29+$0x1B0] =	vst v3;
	v3 =	vld [tilespmem:s29+$0x1C0]  }
0xfd: {  	[tilespmem:s29+$0x1A0] =	vst v7;
	v4 =	vld [tilespmem:s29+$0x1F0]  }
0xfe: {  	v2 =	vld.idx.msk [tilespmem:v2+s17+$0x0], $0xffff  }
0xff: {  	v5 =	vld [tilespmem:s29+$0x1D0]  }
0x100: {  	v6 =	vld [tilespmem:s29+$0x1E0];
	_ =	sdelay $0x3  }
0x101: {  	s1 =	sadd.s32 s31, s24;
	v3 =	vmul.f32 v3, v2;
	v5 =	vmul.f32 v5, v2  }
0x102: {  	s0 =	sadd.s32 $0x1, s1;
	s5 =	sadd.s32 $0x2, s1;
	s6 =	sadd.s32 $0x3, s1;
	v7 =	vmov s1;
	v6 =	vmul.f32 v6, v2;
	v2 =	vmul.f32 v4, v2  }
0x103: {  	s31 =	sadd.s32 $0x5, s1;
	s7 =	sadd.s32 $0x6, s1;
	v8 =	vmov s5;
	s5 =	sadd.s32 $0x4, s1;
	v4 =	vshrl.u32 v7, $0x3;
	v7 =	vmov s0;
	[tilespmem:s29+$0x1C0] =	vst v3  }
0x104: {  	s9 =	sadd.s32 $0x7, s1;
	s10 =	sadd.s32 $0x8, s1;
	s11 =	sadd.s32 $0x9, s1;
	v3 =	vshll.u32 v4, v1;
	v4 =	vshrl.u32 v7, $0x3;
	v7 =	vshrl.u32 v8, $0x3;
	[tilespmem:s29+$0x1D0] =	vst v5  }
0x105: {  	s12 =	sadd.s32 $0xA, s1;
	s13 =	sadd.s32 $0xB, s1;
	s0 =	sadd.s32 $0xC, s1;
	v3 =	vbroadcast v3, $0x0;
	v4 =	vshll.u32 v4, v1;
	v5 =	vshll.u32 v7, v1;
	[tilespmem:s29+$0x1F0] =	vst v2  }
0x106: {  	s16 =	sadd.s32 $0xE, s1;
	v2 =	vadd.s32 $0x1, v4;
	v13 =	vadd.s32 $0x2, v5;
	v4 =	vmov s6;
	s6 =	sadd.s32 $0xD, s1;
	s1 =	sadd.s32 $0xF, s1;
	[tilespmem:s29+$0x1E0] =	vst v6  }
0x107: {  	v5 =	vmov s5;
	v4 =	vshrl.u32 v4, $0x3;
	v6 =	vmov s31;
	s29 =	smov.u32 s30  }
0x108: {  	v5 =	vshrl.u32 v5, $0x3;
	v4 =	vshll.u32 v4, v1;
	v6 =	vshrl.u32 v6, $0x3  }
0x109: {  	v14 =	vadd.s32 $0x3, v4;
	v4 =	vshll.u32 v5, v1;
	v5 =	vshll.u32 v6, v1;
	v7 =	vld [tilespmem:s30+$0xFFFFFE20]  }
0x10a: {  	v15 =	vadd.s32 $0x4, v4;
	v12 =	vadd.s32 $0x5, v5;
	v4 =	vmov s7;
	v6 =	vld [tilespmem:s30+$0xFFFFFE30]  }
0x10b: {  	v8 =	vmov s10;
	v5 =	vmov s9;
	v4 =	vshrl.u32 v4, $0x3;
	v3 =	vld.idx.msk [tilespmem:v3+s17+$0x0], $0xffff  }
0x10c: {  	v8 =	vshrl.u32 v8, $0x3;
	v5 =	vshrl.u32 v5, $0x3;
	v4 =	vshll.u32 v4, v1;
	v16 =	vld [tilespmem:s30+$0xFFFFFE00]  }
0x10d: {  	v9 =	vshll.u32 v8, v1;
	v11 =	vadd.s32 $0x6, v4;
	v4 =	vshll.u32 v5, v1;
	v17 =	vld [tilespmem:s30+$0xFFFFFE10]  }
0x10e: {  	v5 =	vmov s12;
	v10 =	vadd.s32 $0x7, v4;
	v4 =	vmov s11  }
0x10f: {  	v18 =	vmov s13;
	v5 =	vshrl.u32 v5, $0x3;
	v4 =	vshrl.u32 v4, $0x3  }
0x110: {  	v2 =	vbroadcast v2, $0x0;
	v5 =	vshll.u32 v5, v1;
	v4 =	vshll.u32 v4, v1  }
0x111: {  	v6 =	vmul.f32 v6, v3;
	v8 =	vadd.s32 $0x1, v4;
	v16 =	vmul.f32 v16, v3  }
0x112: {  	v4 =	vmul.f32 v17, v3;
	v3 =	vmul.f32 v7, v3;
	v7 =	vadd.s32 $0x2, v5  }
0x113: {  	v5 =	vshrl.u32 v18, $0x3;
	v17 =	vmov s6;
	[tilespmem:s30+$0xFFFFFE30] =	vst v6;
	v6 =	vmov s0  }
0x114: {  	v5 =	vshll.u32 v5, v1;
	v17 =	vshrl.u32 v17, $0x3;
	[tilespmem:s30+$0xFFFFFE00] =	vst v16;
	v16 =	vshrl.u32 v6, $0x3  }
0x115: {  	v6 =	vadd.s32 $0x3, v5;
	[tilespmem:s30+$0xFFFFFE10] =	vst v4;
	v18 =	vld [tilespmem:s30+$0xFFFFFE70];
	v4 =	vshll.u32 v16, v1;
	v16 =	vshll.u32 v17, v1  }
0x116: {  	[tilespmem:s30+$0xFFFFFE20] =	vst v3;
	v17 =	vld [tilespmem:s30+$0xFFFFFE50];
	v5 =	vadd.s32 $0x4, v4;
	v4 =	vadd.s32 $0x5, v16;
	v3 =	vmov s16  }
0x117: {  	v16 =	vld.idx.msk [tilespmem:v2+s17+$0x0], $0xffff;
	v2 =	vshrl.u32 v3, $0x3;
	v3 =	vmov s1  }
0x118: {  	v19 =	vld [tilespmem:s30+$0xFFFFFE40];
	v2 =	vshll.u32 v2, v1;
	v20 =	vshrl.u32 v3, $0x3  }
0x119: {  	v21 =	vld [tilespmem:s30+$0xFFFFFE60];
	v3 =	vadd.s32 $0x6, v2;
	v2 =	vshll.u32 v20, v1  }
0x11a: {  	v2 =	vadd.s32 $0x7, v2;
	_ =	sdelay $0x1  }
0x11b: {  	v13 =	vbroadcast v13, $0x0  }
0x11c: {  	v17 =	vmul.f32 v17, v16;
	v19 =	vmul.f32 v19, v16  }
0x11d: {  	v20 =	vmul.f32 v21, v16;
	v16 =	vmul.f32 v18, v16  }
0x11e: {  	[tilespmem:s30+$0xFFFFFE40] =	vst v19  }
0x11f: {  	[tilespmem:s30+$0xFFFFFE50] =	vst v17  }
0x120: {  	[tilespmem:s30+$0xFFFFFE70] =	vst v16;
	v16 =	vld [tilespmem:s30+$0xFFFFFEB0]  }
0x121: {  	[tilespmem:s30+$0xFFFFFE60] =	vst v20;
	v17 =	vld [tilespmem:s30+$0xFFFFFE90]  }
0x122: {  	v13 =	vld.idx.msk [tilespmem:v13+s17+$0x0], $0xffff  }
0x123: {  	v18 =	vld [tilespmem:s30+$0xFFFFFE80]  }
0x124: {  	v19 =	vld [tilespmem:s30+$0xFFFFFEA0];
	_ =	sdelay $0x2  }
0x125: {  	v14 =	vbroadcast v14, $0x0  }
0x126: {  	v17 =	vmul.f32 v17, v13;
	v18 =	vmul.f32 v18, v13  }
0x127: {  	v19 =	vmul.f32 v19, v13;
	v13 =	vmul.f32 v16, v13  }
0x128: {  	[tilespmem:s30+$0xFFFFFE80] =	vst v18  }
0x129: {  	[tilespmem:s30+$0xFFFFFEB0] =	vst v13  }
0x12a: {  	[tilespmem:s30+$0xFFFFFE90] =	vst v17;
	v13 =	vld [tilespmem:s30+$0xFFFFFEF0]  }
0x12b: {  	[tilespmem:s30+$0xFFFFFEA0] =	vst v19;
	v16 =	vld [tilespmem:s30+$0xFFFFFED0]  }
0x12c: {  	v14 =	vld.idx.msk [tilespmem:v14+s17+$0x0], $0xffff  }
0x12d: {  	v17 =	vld [tilespmem:s30+$0xFFFFFEC0]  }
0x12e: {  	v18 =	vld [tilespmem:s30+$0xFFFFFEE0];
	_ =	sdelay $0x2  }
0x12f: {  	v15 =	vbroadcast v15, $0x0  }
0x130: {  	v16 =	vmul.f32 v16, v14;
	v17 =	vmul.f32 v17, v14  }
0x131: {  	v13 =	vmul.f32 v13, v14;
	v18 =	vmul.f32 v18, v14  }
0x132: {  	[tilespmem:s30+$0xFFFFFEC0] =	vst v17  }
0x133: {  	[tilespmem:s30+$0xFFFFFED0] =	vst v16  }
0x134: {  	[tilespmem:s30+$0xFFFFFEF0] =	vst v13;
	v13 =	vld [tilespmem:s30+$0xFFFFFF30]  }
0x135: {  	[tilespmem:s30+$0xFFFFFEE0] =	vst v18;
	v14 =	vld [tilespmem:s30+$0xFFFFFF10]  }
0x136: {  	v15 =	vld.idx.msk [tilespmem:v15+s17+$0x0], $0xffff  }
0x137: {  	v16 =	vld [tilespmem:s30+$0xFFFFFF00]  }
0x138: {  	v17 =	vld [tilespmem:s30+$0xFFFFFF20];
	_ =	sdelay $0x2  }
0x139: {  	v12 =	vbroadcast v12, $0x0  }
0x13a: {  	v14 =	vmul.f32 v14, v15;
	v16 =	vmul.f32 v16, v15  }
0x13b: {  	v13 =	vmul.f32 v13, v15;
	v17 =	vmul.f32 v17, v15  }
0x13c: {  	[tilespmem:s30+$0xFFFFFF00] =	vst v16  }
0x13d: {  	[tilespmem:s30+$0xFFFFFF20] =	vst v17  }
0x13e: {  	[tilespmem:s30+$0xFFFFFF10] =	vst v14;
	v14 =	vld [tilespmem:s30+$0xFFFFFF70]  }
0x13f: {  	[tilespmem:s30+$0xFFFFFF30] =	vst v13;
	v13 =	vld [tilespmem:s30+$0xFFFFFF50]  }
0x140: {  	v12 =	vld.idx.msk [tilespmem:v12+s17+$0x0], $0xffff  }
0x141: {  	v15 =	vld [tilespmem:s30+$0xFFFFFF40]  }
0x142: {  	v16 =	vld [tilespmem:s30+$0xFFFFFF60];
	_ =	sdelay $0x2  }
0x143: {  	v11 =	vbroadcast v11, $0x0  }
0x144: {  	v13 =	vmul.f32 v13, v12;
	v15 =	vmul.f32 v15, v12  }
0x145: {  	v16 =	vmul.f32 v16, v12;
	v12 =	vmul.f32 v14, v12  }
0x146: {  	[tilespmem:s30+$0xFFFFFF40] =	vst v15  }
0x147: {  	[tilespmem:s30+$0xFFFFFF60] =	vst v16  }
0x148: {  	[tilespmem:s30+$0xFFFFFF50] =	vst v13;
	v13 =	vld [tilespmem:s30+$0xFFFFFFB0]  }
0x149: {  	[tilespmem:s30+$0xFFFFFF70] =	vst v12;
	v12 =	vld [tilespmem:s30+$0xFFFFFF90]  }
0x14a: {  	v11 =	vld.idx.msk [tilespmem:v11+s17+$0x0], $0xffff  }
0x14b: {  	v14 =	vld [tilespmem:s30+$0xFFFFFF80]  }
0x14c: {  	v15 =	vld [tilespmem:s30+$0xFFFFFFA0];
	_ =	sdelay $0x2  }
0x14d: {  	v10 =	vbroadcast v10, $0x0  }
0x14e: {  	v12 =	vmul.f32 v12, v11;
	v14 =	vmul.f32 v14, v11  }
0x14f: {  	v15 =	vmul.f32 v15, v11;
	v11 =	vmul.f32 v13, v11  }
0x150: {  	[tilespmem:s30+$0xFFFFFF80] =	vst v14  }
0x151: {  	[tilespmem:s30+$0xFFFFFF90] =	vst v12  }
0x152: {  	[tilespmem:s30+$0xFFFFFFB0] =	vst v11;
	v11 =	vld [tilespmem:s30+$0xFFFFFFF0]  }
0x153: {  	[tilespmem:s30+$0xFFFFFFA0] =	vst v15;
	v12 =	vld [tilespmem:s30+$0xFFFFFFD0]  }
0x154: {  	v10 =	vld.idx.msk [tilespmem:v10+s17+$0x0], $0xffff  }
0x155: {  	v13 =	vld [tilespmem:s30+$0xFFFFFFC0]  }
0x156: {  	v14 =	vld [tilespmem:s30+$0xFFFFFFE0];
	_ =	sdelay $0x2  }
0x157: {  	v9 =	vbroadcast v9, $0x0  }
0x158: {  	v12 =	vmul.f32 v12, v10;
	v13 =	vmul.f32 v13, v10  }
0x159: {  	v14 =	vmul.f32 v14, v10;
	v10 =	vmul.f32 v11, v10  }
0x15a: {  	[tilespmem:s30+$0xFFFFFFC0] =	vst v13  }
0x15b: {  	[tilespmem:s30+$0xFFFFFFD0] =	vst v12  }
0x15c: {  	[tilespmem:s30+$0xFFFFFFE0] =	vst v14;
	v11 =	vld [tilespmem:s30+$0x30]  }
0x15d: {  	[tilespmem:s30+$0xFFFFFFF0] =	vst v10;
	v10 =	vld [tilespmem:s30+$0x10]  }
0x15e: {  	v9 =	vld.idx.msk [tilespmem:v9+s17+$0x0], $0xffff  }
0x15f: {  	v12 =	vld [tilespmem:s30+$0x0]  }
0x160: {  	v13 =	vld [tilespmem:s30+$0x20];
	_ =	sdelay $0x2  }
0x161: {  	v8 =	vbroadcast v8, $0x0  }
0x162: {  	v10 =	vmul.f32 v10, v9;
	v12 =	vmul.f32 v12, v9  }
0x163: {  	v13 =	vmul.f32 v13, v9;
	v9 =	vmul.f32 v11, v9  }
0x164: {  	[tilespmem:s30+$0x0] =	vst v12  }
0x165: {  	[tilespmem:s30+$0x30] =	vst v9  }
0x166: {  	[tilespmem:s30+$0x10] =	vst v10;
	v9 =	vld [tilespmem:s30+$0x70]  }
0x167: {  	[tilespmem:s30+$0x20] =	vst v13;
	v10 =	vld [tilespmem:s30+$0x50]  }
0x168: {  	v8 =	vld.idx.msk [tilespmem:v8+s17+$0x0], $0xffff  }
0x169: {  	v11 =	vld [tilespmem:s30+$0x40]  }
0x16a: {  	v12 =	vld [tilespmem:s30+$0x60];
	_ =	sdelay $0x2  }
0x16b: {  	v7 =	vbroadcast v7, $0x0  }
0x16c: {  	v10 =	vmul.f32 v10, v8;
	v11 =	vmul.f32 v11, v8  }
0x16d: {  	v12 =	vmul.f32 v12, v8;
	v8 =	vmul.f32 v9, v8  }
0x16e: {  	[tilespmem:s30+$0x40] =	vst v11  }
0x16f: {  	[tilespmem:s30+$0x50] =	vst v10  }
0x170: {  	[tilespmem:s30+$0x60] =	vst v12;
	v9 =	vld [tilespmem:s30+$0xA0]  }
0x171: {  	[tilespmem:s30+$0x70] =	vst v8;
	v8 =	vld [tilespmem:s30+$0xB0]  }
0x172: {  	v7 =	vld.idx.msk [tilespmem:v7+s17+$0x0], $0xffff  }
0x173: {  	v10 =	vld [tilespmem:s30+$0x80]  }
0x174: {  	v11 =	vld [tilespmem:s30+$0x90];
	_ =	sdelay $0x2  }
0x175: {  	v6 =	vbroadcast v6, $0x0  }
0x176: {  	v8 =	vmul.f32 v8, v7;
	v10 =	vmul.f32 v10, v7  }
0x177: {  	v11 =	vmul.f32 v11, v7;
	v7 =	vmul.f32 v9, v7  }
0x178: {  	[tilespmem:s30+$0x80] =	vst v10  }
0x179: {  	[tilespmem:s30+$0xA0] =	vst v7  }
0x17a: {  	[tilespmem:s30+$0xB0] =	vst v8;
	v7 =	vld [tilespmem:s30+$0xF0]  }
0x17b: {  	[tilespmem:s30+$0x90] =	vst v11;
	v8 =	vld [tilespmem:s30+$0xC0]  }
0x17c: {  	v9 =	vld.idx.msk [tilespmem:v6+s17+$0x0], $0xffff  }
0x17d: {  	v6 =	vld [tilespmem:s30+$0xD0]  }
0x17e: {  	v10 =	vld [tilespmem:s30+$0xE0];
	_ =	sdelay $0x3  }
.Ltmp3:
0x17f: {  	v8 =	vmul.f32 v8, v9;
	v6 =	vmul.f32 v6, v9;
	(pc) =	sbr.rel @p0 .LBB2_5-.Ltmp3, $4  }
0x180: {  	v7 =	vmul.f32 v7, v9;
	v10 =	vmul.f32 v10, v9  }
0x181: {  	[tilespmem:s30+$0xC0] =	vst v8  }
0x182: {  	[tilespmem:s30+$0xE0] =	vst v10  }
0x183: {  	v5 =	vbroadcast v5, $0x0;
	[tilespmem:s30+$0xF0] =	vst v7  }
0x184: {  	_ =	sdelay $0x3  }
0x185: {  	[tilespmem:s29+$0xD0] =	vst v6;
	v6 =	vld [tilespmem:s29+$0x130]  }
0x186: {  	v5 =	vld.idx.msk [tilespmem:v5+s17+$0x0], $0xffff  }
0x187: {  	v7 =	vld [tilespmem:s29+$0x100]  }
0x188: {  	v8 =	vld [tilespmem:s29+$0x110]  }
0x189: {  	v9 =	vld [tilespmem:s29+$0x120];
	_ =	sdelay $0x1  }
0x18a: {  	v4 =	vbroadcast v4, $0x0;
	v6 =	vmul.f32 v6, v5  }
0x18b: {  	v7 =	vmul.f32 v7, v5  }
0x18c: {  	v8 =	vmul.f32 v8, v5;
	[tilespmem:s29+$0x130] =	vst v6  }
0x18d: {  	v5 =	vmul.f32 v9, v5;
	[tilespmem:s29+$0x100] =	vst v7  }
0x18e: {  	[tilespmem:s29+$0x110] =	vst v8  }
0x18f: {  	v6 =	vld [tilespmem:s29+$0x140];
	[tilespmem:s29+$0x120] =	vst v5  }
0x190: {  	v4 =	vld.idx.msk [tilespmem:v4+s17+$0x0], $0xffff  }
0x191: {  	v5 =	vld [tilespmem:s29+$0x150]  }
0x192: {  	v7 =	vld [tilespmem:s29+$0x170]  }
0x193: {  	v8 =	vld [tilespmem:s29+$0x160];
	_ =	sdelay $0x1  }
0x194: {  	v3 =	vbroadcast v3, $0x0;
	v6 =	vmul.f32 v6, v4  }
0x195: {  	v5 =	vmul.f32 v5, v4  }
0x196: {  	v7 =	vmul.f32 v7, v4;
	[tilespmem:s29+$0x140] =	vst v6  }
0x197: {  	v4 =	vmul.f32 v8, v4;
	[tilespmem:s29+$0x150] =	vst v5  }
0x198: {  	[tilespmem:s29+$0x170] =	vst v7  }
0x199: {  	v5 =	vld [tilespmem:s29+$0x180];
	[tilespmem:s29+$0x160] =	vst v4  }
0x19a: {  	v3 =	vld.idx.msk [tilespmem:v3+s17+$0x0], $0xffff  }
0x19b: {  	v4 =	vld [tilespmem:s29+$0x190]  }
0x19c: {  	v6 =	vld [tilespmem:s29+$0x1B0]  }
0x19d: {  	v7 =	vld [tilespmem:s29+$0x1A0];
	_ =	sdelay $0x1  }
0x19e: {  	v2 =	vbroadcast v2, $0x0;
	v5 =	vmul.f32 v5, v3  }
0x19f: {  	v4 =	vmul.f32 v4, v3  }
0x1a0: {  	v6 =	vmul.f32 v6, v3;
	[tilespmem:s29+$0x180] =	vst v5  }
0x1a1: {  	v3 =	vmul.f32 v7, v3;
	[tilespmem:s29+$0x190] =	vst v4  }
0x1a2: {  	[tilespmem:s29+$0x1B0] =	vst v6  }
0x1a3: {  	v4 =	vld [tilespmem:s29+$0x1C0];
	[tilespmem:s29+$0x1A0] =	vst v3  }
0x1a4: {  	v2 =	vld.idx.msk [tilespmem:v2+s17+$0x0], $0xffff  }
0x1a5: {  	v3 =	vld [tilespmem:s29+$0x1D0]  }
0x1a6: {  	v5 =	vld [tilespmem:s29+$0x1F0]  }
0x1a7: {  	v6 =	vld [tilespmem:s29+$0x1E0];
	_ =	sdelay $0x1  }
0x1a8: {  	v4 =	vmul.f32 v4, v2  }
0x1a9: {  	v3 =	vmul.f32 v3, v2  }
0x1aa: {  	v5 =	vmul.f32 v5, v2;
	[tilespmem:s29+$0x1C0] =	vst v4  }
0x1ab: {  	s0 =	sshll.u32 s25, $0xA;
	v2 =	vmul.f32 v6, v2;
	[tilespmem:s29+$0x1D0] =	vst v3  }
0x1ac: {  	s30 =	sadd.s32 $0x0, s24;
	s26 =	sshrl.u32 s0, $0x2;
	[tilespmem:s29+$0x1F0] =	vst v5  }
0x1ad: {  	s13 =	sadd.s32 $0x80, s30;
	s1 =	sadd.s32 $0x4F00, s26;
	[tilespmem:s29+$0x1E0] =	vst v2  }
0x1ae: {  	v2 =	vmov s13;
	[spmem:s2] =	stream.indirect.scatter.add.f32 [tilespmem:s18], [sflag:$0x3], $0x40, s1, s19, $0xb8;
	[tilespmem:$0x1C940] =	vst v63  }
0x1af: {  	p0 =	seq.s32 s25, $0x4E;
	v2 =	vshrl.u32 v2, $0x3;
	_ =	swait.ge [sflag:s15], $0x2000  }
0x1b0: {  	s0 =	sshrl.u32 @!p0 s0, $0x2;
	s5 =	simm.s32 @!p0 $0xED00;
	v2 =	vshll.u32 v2, v1;
	[sflag:s15] =	ssyncset.done $0x0  }
0x1b1: {  	s0 =	sadd.s32 @!p0 $0x100, s0;
	s1 =	simm.s32 @!p0 $0x80;
	v2 =	vbroadcast v2, $0x0;
	[sflag:s15] =	ssyncadd.s32 $0xFFFFE000  }
0x1b2: {  	[tilespmem:s5], [sflag:$0x1] =	stream.indirect.gather @!p0 [hbm4b:s4+s1], $0x40, s0, s1, $0xb8;
	[tilespmem:$0x1C940] =	vst v63  }
0x1b3: {  	_ =	swait.ge [sflag:s22], $0x2000  }
0x1b4: {  	[sflag:s22] =	ssyncset.done $0x0  }
0x1b5: {  	s29 =	simm.s32 $0x10F00;
	[sflag:s22] =	ssyncadd.s32 $0xFFFFE000  }
0x1b6: {  	v3 =	vld [tilespmem:s29+$0xFFFFFE30]  }
0x1b7: {  	s14 =	sadd.s32 $0x81, s30;
	v2 =	vld.idx.msk [tilespmem:v2+s17+$0x0], $0xffff  }
0x1b8: {  	v4 =	vmov s14;
	v5 =	vld [tilespmem:s29+$0xFFFFFE00]  }
0x1b9: {  	v4 =	vshrl.u32 v4, $0x3;
	v6 =	vld [tilespmem:s29+$0xFFFFFE10]  }
0x1ba: {  	v4 =	vshll.u32 v4, v1;
	v7 =	vld [tilespmem:s29+$0xFFFFFE20]  }
0x1bb: {  	v4 =	vadd.s32 $0x1, v4  }
0x1bc: {  	v4 =	vbroadcast v4, $0x0;
	v3 =	vmul.f32 v3, v2  }
0x1bd: {  	v5 =	vmul.f32 v5, v2  }
0x1be: {  	v6 =	vmul.f32 v6, v2;
	[tilespmem:s29+$0xFFFFFE30] =	vst v3  }
0x1bf: {  	v2 =	vmul.f32 v7, v2;
	[tilespmem:s29+$0xFFFFFE00] =	vst v5  }
0x1c0: {  	[tilespmem:s29+$0xFFFFFE10] =	vst v6  }
0x1c1: {  	[tilespmem:s29+$0xFFFFFE20] =	vst v2;
	v3 =	vld [tilespmem:s29+$0xFFFFFE40]  }
0x1c2: {  	s16 =	sadd.s32 $0x82, s30;
	v2 =	vld.idx.msk [tilespmem:v4+s17+$0x0], $0xffff  }
0x1c3: {  	v5 =	vld [tilespmem:s29+$0xFFFFFE50];
	v4 =	vmov s16  }
0x1c4: {  	v6 =	vld [tilespmem:s29+$0xFFFFFE70];
	v4 =	vshrl.u32 v4, $0x3  }
0x1c5: {  	v7 =	vld [tilespmem:s29+$0xFFFFFE60];
	v4 =	vshll.u32 v4, v1  }
0x1c6: {  	v4 =	vadd.s32 $0x2, v4  }
0x1c7: {  	v4 =	vbroadcast v4, $0x0;
	v3 =	vmul.f32 v3, v2  }
0x1c8: {  	v5 =	vmul.f32 v5, v2  }
0x1c9: {  	v6 =	vmul.f32 v6, v2;
	[tilespmem:s29+$0xFFFFFE40] =	vst v3  }
0x1ca: {  	v2 =	vmul.f32 v7, v2;
	[tilespmem:s29+$0xFFFFFE50] =	vst v5  }
0x1cb: {  	[tilespmem:s29+$0xFFFFFE70] =	vst v6  }
0x1cc: {  	[tilespmem:s29+$0xFFFFFE60] =	vst v2;
	v3 =	vld [tilespmem:s29+$0xFFFFFE80]  }
0x1cd: {  	s1 =	sadd.s32 $0x83, s30;
	v2 =	vld.idx.msk [tilespmem:v4+s17+$0x0], $0xffff  }
0x1ce: {  	v5 =	vld [tilespmem:s29+$0xFFFFFEB0];
	v4 =	vmov s1  }
0x1cf: {  	v6 =	vld [tilespmem:s29+$0xFFFFFEA0];
	v4 =	vshrl.u32 v4, $0x3  }
0x1d0: {  	v7 =	vld [tilespmem:s29+$0xFFFFFE90];
	v4 =	vshll.u32 v4, v1  }
0x1d1: {  	v4 =	vadd.s32 $0x3, v4  }
0x1d2: {  	v4 =	vbroadcast v4, $0x0;
	v3 =	vmul.f32 v3, v2  }
0x1d3: {  	v5 =	vmul.f32 v5, v2  }
0x1d4: {  	v6 =	vmul.f32 v6, v2;
	[tilespmem:s29+$0xFFFFFE80] =	vst v3  }
0x1d5: {  	v2 =	vmul.f32 v7, v2;
	[tilespmem:s29+$0xFFFFFEB0] =	vst v5  }
0x1d6: {  	[tilespmem:s29+$0xFFFFFEA0] =	vst v6  }
0x1d7: {  	[tilespmem:s29+$0xFFFFFE90] =	vst v2;
	v3 =	vld [tilespmem:s29+$0xFFFFFEC0]  }
0x1d8: {  	s3 =	sadd.s32 $0x84, s30;
	v2 =	vld.idx.msk [tilespmem:v4+s17+$0x0], $0xffff  }
0x1d9: {  	v5 =	vld [tilespmem:s29+$0xFFFFFED0];
	v4 =	vmov s3  }
0x1da: {  	v6 =	vld [tilespmem:s29+$0xFFFFFEF0];
	v4 =	vshrl.u32 v4, $0x3  }
0x1db: {  	v7 =	vld [tilespmem:s29+$0xFFFFFEE0];
	v4 =	vshll.u32 v4, v1  }
0x1dc: {  	v4 =	vadd.s32 $0x4, v4  }
0x1dd: {  	v4 =	vbroadcast v4, $0x0;
	v3 =	vmul.f32 v3, v2  }
0x1de: {  	v5 =	vmul.f32 v5, v2  }
0x1df: {  	v6 =	vmul.f32 v6, v2;
	[tilespmem:s29+$0xFFFFFEC0] =	vst v3  }
0x1e0: {  	v2 =	vmul.f32 v7, v2;
	[tilespmem:s29+$0xFFFFFED0] =	vst v5  }
0x1e1: {  	[tilespmem:s29+$0xFFFFFEF0] =	vst v6  }
0x1e2: {  	[tilespmem:s29+$0xFFFFFEE0] =	vst v2;
	v3 =	vld [tilespmem:s29+$0xFFFFFF00]  }
0x1e3: {  	s5 =	sadd.s32 $0x85, s30;
	v2 =	vld.idx.msk [tilespmem:v4+s17+$0x0], $0xffff  }
0x1e4: {  	v5 =	vld [tilespmem:s29+$0xFFFFFF10];
	v4 =	vmov s5  }
0x1e5: {  	v6 =	vld [tilespmem:s29+$0xFFFFFF20];
	v4 =	vshrl.u32 v4, $0x3  }
0x1e6: {  	v7 =	vld [tilespmem:s29+$0xFFFFFF30];
	v4 =	vshll.u32 v4, v1  }
0x1e7: {  	v4 =	vadd.s32 $0x5, v4  }
0x1e8: {  	v4 =	vbroadcast v4, $0x0;
	v3 =	vmul.f32 v3, v2  }
0x1e9: {  	v5 =	vmul.f32 v5, v2  }
0x1ea: {  	v6 =	vmul.f32 v6, v2;
	[tilespmem:s29+$0xFFFFFF00] =	vst v3  }
0x1eb: {  	v2 =	vmul.f32 v7, v2;
	[tilespmem:s29+$0xFFFFFF10] =	vst v5  }
0x1ec: {  	[tilespmem:s29+$0xFFFFFF20] =	vst v6  }
0x1ed: {  	[tilespmem:s29+$0xFFFFFF30] =	vst v2;
	v3 =	vld [tilespmem:s29+$0xFFFFFF40]  }
0x1ee: {  	s6 =	sadd.s32 $0x86, s30;
	v2 =	vld.idx.msk [tilespmem:v4+s17+$0x0], $0xffff  }
0x1ef: {  	v5 =	vld [tilespmem:s29+$0xFFFFFF60];
	v4 =	vmov s6  }
0x1f0: {  	v6 =	vld [tilespmem:s29+$0xFFFFFF50];
	v4 =	vshrl.u32 v4, $0x3  }
0x1f1: {  	v7 =	vld [tilespmem:s29+$0xFFFFFF70];
	v4 =	vshll.u32 v4, v1  }
0x1f2: {  	v4 =	vadd.s32 $0x6, v4  }
0x1f3: {  	v4 =	vbroadcast v4, $0x0;
	v3 =	vmul.f32 v3, v2  }
0x1f4: {  	v5 =	vmul.f32 v5, v2  }
0x1f5: {  	v6 =	vmul.f32 v6, v2;
	[tilespmem:s29+$0xFFFFFF40] =	vst v3  }
0x1f6: {  	v2 =	vmul.f32 v7, v2;
	[tilespmem:s29+$0xFFFFFF60] =	vst v5  }
0x1f7: {  	[tilespmem:s29+$0xFFFFFF50] =	vst v6  }
0x1f8: {  	[tilespmem:s29+$0xFFFFFF70] =	vst v2;
	v3 =	vld [tilespmem:s29+$0xFFFFFF80]  }
0x1f9: {  	s7 =	sadd.s32 $0x87, s30;
	v2 =	vld.idx.msk [tilespmem:v4+s17+$0x0], $0xffff  }
0x1fa: {  	v5 =	vld [tilespmem:s29+$0xFFFFFF90];
	v4 =	vmov s7  }
0x1fb: {  	v6 =	vld [tilespmem:s29+$0xFFFFFFB0];
	v4 =	vshrl.u32 v4, $0x3  }
0x1fc: {  	v7 =	vld [tilespmem:s29+$0xFFFFFFA0];
	v4 =	vshll.u32 v4, v1  }
0x1fd: {  	v4 =	vadd.s32 $0x7, v4  }
0x1fe: {  	v4 =	vbroadcast v4, $0x0;
	v3 =	vmul.f32 v3, v2  }
0x1ff: {  	v5 =	vmul.f32 v5, v2  }
0x200: {  	v6 =	vmul.f32 v6, v2;
	[tilespmem:s29+$0xFFFFFF80] =	vst v3  }
0x201: {  	v2 =	vmul.f32 v7, v2;
	[tilespmem:s29+$0xFFFFFF90] =	vst v5  }
0x202: {  	[tilespmem:s29+$0xFFFFFFB0] =	vst v6  }
0x203: {  	[tilespmem:s29+$0xFFFFFFA0] =	vst v2;
	v3 =	vld [tilespmem:s29+$0xFFFFFFC0]  }
0x204: {  	v2 =	vld.idx.msk [tilespmem:v4+s17+$0x0], $0xffff  }
0x205: {  	s8 =	sadd.s32 $0x88, s30;
	v4 =	vld [tilespmem:s29+$0xFFFFFFD0]  }
0x206: {  	v5 =	vmov s8;
	v6 =	vld [tilespmem:s29+$0xFFFFFFE0]  }
0x207: {  	v7 =	vld [tilespmem:s29+$0xFFFFFFF0];
	v5 =	vshrl.u32 v5, $0x3  }
0x208: {  	v5 =	vshll.u32 v5, v1  }
0x209: {  	v5 =	vbroadcast v5, $0x0;
	v3 =	vmul.f32 v3, v2  }
0x20a: {  	v4 =	vmul.f32 v4, v2  }
0x20b: {  	v6 =	vmul.f32 v6, v2;
	[tilespmem:s29+$0xFFFFFFC0] =	vst v3  }
0x20c: {  	v2 =	vmul.f32 v7, v2;
	[tilespmem:s29+$0xFFFFFFD0] =	vst v4  }
0x20d: {  	[tilespmem:s29+$0xFFFFFFE0] =	vst v6  }
0x20e: {  	[tilespmem:s29+$0xFFFFFFF0] =	vst v2;
	v3 =	vld [tilespmem:s29+$0x0]  }
0x20f: {  	s9 =	sadd.s32 $0x89, s30;
	v2 =	vld.idx.msk [tilespmem:v5+s17+$0x0], $0xffff  }
0x210: {  	v4 =	vmov s9;
	v5 =	vld [tilespmem:s29+$0x20]  }
0x211: {  	v6 =	vld [tilespmem:s29+$0x10];
	v4 =	vshrl.u32 v4, $0x3  }
0x212: {  	v7 =	vld [tilespmem:s29+$0x30];
	v4 =	vshll.u32 v4, v1  }
0x213: {  	v4 =	vadd.s32 $0x1, v4  }
0x214: {  	v4 =	vbroadcast v4, $0x0;
	v3 =	vmul.f32 v3, v2  }
0x215: {  	v5 =	vmul.f32 v5, v2  }
0x216: {  	v6 =	vmul.f32 v6, v2;
	[tilespmem:s29+$0x0] =	vst v3  }
0x217: {  	v2 =	vmul.f32 v7, v2;
	[tilespmem:s29+$0x20] =	vst v5  }
0x218: {  	[tilespmem:s29+$0x10] =	vst v6  }
0x219: {  	[tilespmem:s29+$0x30] =	vst v2;
	v3 =	vld [tilespmem:s29+$0x40]  }
0x21a: {  	s10 =	sadd.s32 $0x8A, s30;
	v2 =	vld.idx.msk [tilespmem:v4+s17+$0x0], $0xffff  }
0x21b: {  	v5 =	vld [tilespmem:s29+$0x60];
	v4 =	vmov s10  }
0x21c: {  	v6 =	vld [tilespmem:s29+$0x50];
	v4 =	vshrl.u32 v4, $0x3  }
0x21d: {  	v7 =	vld [tilespmem:s29+$0x70];
	v4 =	vshll.u32 v4, v1  }
0x21e: {  	v4 =	vadd.s32 $0x2, v4  }
0x21f: {  	v4 =	vbroadcast v4, $0x0;
	v3 =	vmul.f32 v3, v2  }
0x220: {  	v5 =	vmul.f32 v5, v2  }
0x221: {  	v6 =	vmul.f32 v6, v2;
	[tilespmem:s29+$0x40] =	vst v3  }
0x222: {  	v2 =	vmul.f32 v7, v2;
	[tilespmem:s29+$0x60] =	vst v5  }
0x223: {  	v7 =	vld [tilespmem:s29+$0xA0];
	[tilespmem:s29+$0x50] =	vst v6  }
0x224: {  	[tilespmem:s29+$0x70] =	vst v2;
	v3 =	vld [tilespmem:s29+$0x80]  }
0x225: {  	s11 =	sadd.s32 $0x8B, s30;
	v2 =	vld.idx.msk [tilespmem:v4+s17+$0x0], $0xffff  }
0x226: {  	v5 =	vmov s11;
	v4 =	vld [tilespmem:s29+$0xB0]  }
0x227: {  	v6 =	vld [tilespmem:s29+$0x90];
	v5 =	vshrl.u32 v5, $0x3  }
0x228: {  	v5 =	vshll.u32 v5, v1  }
0x229: {  	v5 =	vadd.s32 $0x3, v5  }
0x22a: {  	v5 =	vbroadcast v5, $0x0;
	v3 =	vmul.f32 v3, v2  }
0x22b: {  	v4 =	vmul.f32 v4, v2  }
0x22c: {  	s12 =	sadd.s32 $0x8C, s30;
	v6 =	vmul.f32 v6, v2;
	v2 =	vmul.f32 v7, v2;
	[tilespmem:s29+$0x80] =	vst v3  }
0x22d: {  	s13 =	sadd.s32 $0x8D, s30;
	[tilespmem:s29+$0xB0] =	vst v4;
	v3 =	vmov s12  }
0x22e: {  	s14 =	sadd.s32 $0x8E, s30;
	[tilespmem:s29+$0xA0] =	vst v2;
	v2 =	vshrl.u32 v3, $0x3;
	v3 =	vmov s13  }
0x22f: {  	v9 =	vld [tilespmem:s29+$0xC0];
	s16 =	sadd.s32 $0x8F, s30;
	[tilespmem:s29+$0x90] =	vst v6;
	v4 =	vmov s14;
	v3 =	vshrl.u32 v3, $0x3  }
0x230: {  	v6 =	vld.idx.msk [tilespmem:v5+s17+$0x0], $0xffff;
	v5 =	vmov s16;
	v7 =	vshrl.u32 v4, $0x3;
	v3 =	vshll.u32 v3, v1  }
0x231: {  	v11 =	vld [tilespmem:s29+$0xD0];
	v2 =	vshll.u32 v2, v1;
	v4 =	vadd.s32 $0x5, v3;
	v3 =	vshrl.u32 v5, $0x3  }
0x232: {  	v2 =	vadd.s32 $0x4, v2;
	v5 =	vshll.u32 v7, v1;
	v7 =	vld [tilespmem:s29+$0xE0];
	v8 =	vshll.u32 v3, v1  }
0x233: {  	v3 =	vadd.s32 $0x6, v5;
	v5 =	vbroadcast v2, $0x0;
	v2 =	vadd.s32 $0x7, v8;
	v8 =	vld [tilespmem:s29+$0xF0];
	_ =	sdelay $0x2  }
0x234: {  	s28 =	sor.u32 $0x80, s28;
	s31 =	simm.s32 $0x10;
	s30 =	simm.s32 $0x10F00;
	v10 =	vmul.f32 v9, v6;
	v9 =	vmul.f32 v11, v6  }
.LBB2_7:
0x235: {  	p1 =	sne.s32 s31, $0x70  }
0x236: {  	v7 =	vmul.f32 v7, v6;
	v6 =	vmul.f32 v8, v6;
	s29 =	sadd.s32 $0x400, s29;
	s1 =	smov.u32 s31;
	s31 =	sadd.s32 $0x10, s31  }
0x237: {  	[tilespmem:s30+$0xC0] =	vst v10  }
0x238: {  	[tilespmem:s30+$0xD0] =	vst v9  }
0x239: {  	[tilespmem:s30+$0xE0] =	vst v7;
	v7 =	vld [tilespmem:s30+$0x130]  }
0x23a: {  	[tilespmem:s30+$0xF0] =	vst v6;
	v6 =	vld [tilespmem:s30+$0x100]  }
0x23b: {  	v5 =	vld.idx.msk [tilespmem:v5+s17+$0x0], $0xffff  }
0x23c: {  	v8 =	vld [tilespmem:s30+$0x110]  }
0x23d: {  	v9 =	vld [tilespmem:s30+$0x120];
	_ =	sdelay $0x2  }
0x23e: {  	v4 =	vbroadcast v4, $0x0  }
0x23f: {  	v6 =	vmul.f32 v6, v5;
	v8 =	vmul.f32 v8, v5  }
0x240: {  	v9 =	vmul.f32 v9, v5;
	v5 =	vmul.f32 v7, v5  }
0x241: {  	[tilespmem:s30+$0x100] =	vst v6  }
0x242: {  	[tilespmem:s30+$0x130] =	vst v5  }
0x243: {  	[tilespmem:s30+$0x120] =	vst v9;
	v5 =	vld [tilespmem:s30+$0x170]  }
0x244: {  	[tilespmem:s30+$0x110] =	vst v8;
	v6 =	vld [tilespmem:s30+$0x140]  }
0x245: {  	v4 =	vld.idx.msk [tilespmem:v4+s17+$0x0], $0xffff  }
0x246: {  	v7 =	vld [tilespmem:s30+$0x150]  }
0x247: {  	v8 =	vld [tilespmem:s30+$0x160];
	_ =	sdelay $0x2  }
0x248: {  	v3 =	vbroadcast v3, $0x0  }
0x249: {  	v6 =	vmul.f32 v6, v4;
	v7 =	vmul.f32 v7, v4  }
0x24a: {  	v8 =	vmul.f32 v8, v4;
	v4 =	vmul.f32 v5, v4  }
0x24b: {  	[tilespmem:s30+$0x140] =	vst v6  }
0x24c: {  	[tilespmem:s30+$0x170] =	vst v4  }
0x24d: {  	[tilespmem:s30+$0x150] =	vst v7;
	v4 =	vld [tilespmem:s30+$0x180]  }
0x24e: {  	[tilespmem:s30+$0x160] =	vst v8;
	v5 =	vld [tilespmem:s30+$0x1A0]  }
0x24f: {  	v3 =	vld.idx.msk [tilespmem:v3+s17+$0x0], $0xffff  }
0x250: {  	v6 =	vld [tilespmem:s30+$0x190]  }
0x251: {  	v7 =	vld [tilespmem:s30+$0x1B0];
	_ =	sdelay $0x2  }
0x252: {  	v2 =	vbroadcast v2, $0x0  }
0x253: {  	v4 =	vmul.f32 v4, v3;
	v6 =	vmul.f32 v6, v3  }
0x254: {  	v5 =	vmul.f32 v5, v3;
	v3 =	vmul.f32 v7, v3  }
0x255: {  	[tilespmem:s30+$0x180] =	vst v4  }
0x256: {  	[tilespmem:s30+$0x1A0] =	vst v5  }
0x257: {  	[tilespmem:s30+$0x190] =	vst v6  }
0x258: {  	[tilespmem:s30+$0x1B0] =	vst v3;
	v3 =	vld [tilespmem:s30+$0x1D0]  }
0x259: {  	v2 =	vld.idx.msk [tilespmem:v2+s17+$0x0], $0xffff  }
0x25a: {  	v4 =	vld [tilespmem:s30+$0x1C0]  }
0x25b: {  	s7 =	sadd.s32 s1, s24;
	v5 =	vld [tilespmem:s30+$0x1F0]  }
0x25c: {  	s0 =	sadd.s32 $0x80, s7;
	s1 =	sadd.s32 $0x81, s7;
	s5 =	sadd.s32 $0x82, s7;
	v6 =	vld [tilespmem:s30+$0x1E0]  }
0x25d: {  	s9 =	sadd.s32 $0x83, s7;
	s10 =	sadd.s32 $0x84, s7;
	s11 =	sadd.s32 $0x85, s7;
	v9 =	vmov s5;
	v8 =	vmov s1;
	v7 =	vmov s0  }
0x25e: {  	s12 =	sadd.s32 $0x86, s7;
	s13 =	sadd.s32 $0x87, s7;
	s14 =	sadd.s32 $0x88, s7;
	v9 =	vshrl.u32 v9, $0x3;
	v8 =	vshrl.u32 v8, $0x3;
	v7 =	vshrl.u32 v7, $0x3  }
0x25f: {  	s3 =	sadd.s32 $0x89, s7;
	s8 =	sadd.s32 $0x8A, s7;
	v8 =	vshll.u32 v8, v1;
	s0 =	sadd.s32 $0x8B, s7;
	v7 =	vshll.u32 v7, v1;
	v4 =	vmul.f32 v4, v2  }
0x260: {  	s6 =	sadd.s32 $0x8C, s7;
	s5 =	sadd.s32 $0x8D, s7;
	s1 =	sadd.s32 $0x8E, s7;
	v8 =	vadd.s32 $0x1, v8;
	v7 =	vbroadcast v7, $0x0;
	v3 =	vmul.f32 v3, v2  }
0x261: {  	s16 =	sadd.s32 $0x8F, s7;
	v10 =	vmov s9;
	v9 =	vshll.u32 v9, v1;
	[tilespmem:s30+$0x1C0] =	vst v4;
	v4 =	vmul.f32 v5, v2  }
0x262: {  	v14 =	vadd.s32 $0x2, v9;
	v5 =	vshrl.u32 v10, $0x3;
	v2 =	vmul.f32 v6, v2;
	[tilespmem:s30+$0x1D0] =	vst v3  }
0x263: {  	v6 =	vmov s11;
	v3 =	vshll.u32 v5, v1;
	v5 =	vmov s10;
	[tilespmem:s30+$0x1F0] =	vst v4  }
0x264: {  	v15 =	vadd.s32 $0x3, v3;
	v3 =	vshrl.u32 v5, $0x3;
	v5 =	vshrl.u32 v6, $0x3;
	v4 =	vld [tilespmem:s29+$0xFFFFFE20];
	[tilespmem:s30+$0x1E0] =	vst v2;
	s30 =	smov.u32 s29  }
0x265: {  	v6 =	vmov s12;
	v3 =	vshll.u32 v3, v1;
	v5 =	vshll.u32 v5, v1;
	v2 =	vld [tilespmem:s29+$0xFFFFFE30]  }
0x266: {  	v13 =	vadd.s32 $0x4, v3;
	v12 =	vadd.s32 $0x5, v5;
	v3 =	vshrl.u32 v6, $0x3;
	v7 =	vld.idx.msk [tilespmem:v7+s17+$0x0], $0xffff  }
0x267: {  	v9 =	vmov s14;
	v6 =	vmov s13;
	v3 =	vshll.u32 v3, v1;
	v5 =	vld [tilespmem:s29+$0xFFFFFE00]  }
0x268: {  	v11 =	vadd.s32 $0x6, v3;
	v3 =	vshrl.u32 v6, $0x3;
	v6 =	vshrl.u32 v9, $0x3;
	v16 =	vld [tilespmem:s29+$0xFFFFFE10]  }
0x269: {  	v3 =	vshll.u32 v3, v1;
	v9 =	vshll.u32 v6, v1;
	v6 =	vmov s3  }
0x26a: {  	v10 =	vadd.s32 $0x7, v3;
	v3 =	vshrl.u32 v6, $0x3;
	v6 =	vmov s8  }
0x26b: {  	v17 =	vbroadcast v8, $0x0;
	v3 =	vshll.u32 v3, v1;
	v6 =	vshrl.u32 v6, $0x3  }
0x26c: {  	v2 =	vmul.f32 v2, v7;
	v8 =	vadd.s32 $0x1, v3;
	v5 =	vmul.f32 v5, v7  }
0x26d: {  	v4 =	vmul.f32 v4, v7;
	v6 =	vshll.u32 v6, v1;
	v3 =	vmul.f32 v16, v7  }
0x26e: {  	v7 =	vadd.s32 $0x2, v6;
	v6 =	vmov s6;
	[tilespmem:s29+$0xFFFFFE30] =	vst v2;
	v2 =	vmov s0  }
0x26f: {  	[tilespmem:s29+$0xFFFFFE00] =	vst v5;
	v2 =	vshrl.u32 v2, $0x3;
	v5 =	vshrl.u32 v6, $0x3;
	v6 =	vmov s5  }
0x270: {  	[tilespmem:s29+$0xFFFFFE10] =	vst v3;
	v16 =	vld [tilespmem:s29+$0xFFFFFE70];
	v2 =	vshll.u32 v2, v1;
	v3 =	vshll.u32 v5, v1;
	v18 =	vshrl.u32 v6, $0x3  }
0x271: {  	[tilespmem:s29+$0xFFFFFE20] =	vst v4;
	v19 =	vld [tilespmem:s29+$0xFFFFFE50];
	v6 =	vadd.s32 $0x3, v2;
	v5 =	vadd.s32 $0x4, v3;
	v2 =	vshll.u32 v18, v1  }
0x272: {  	v3 =	vmov s16;
	v17 =	vld.idx.msk [tilespmem:v17+s17+$0x0], $0xffff;
	v4 =	vadd.s32 $0x5, v2;
	v2 =	vmov s1  }
0x273: {  	v3 =	vshrl.u32 v3, $0x3;
	v18 =	vld [tilespmem:s29+$0xFFFFFE40];
	v2 =	vshrl.u32 v2, $0x3  }
0x274: {  	v21 =	vshll.u32 v3, v1;
	v20 =	vld [tilespmem:s29+$0xFFFFFE60];
	v2 =	vshll.u32 v2, v1  }
0x275: {  	v3 =	vadd.s32 $0x6, v2;
	v2 =	vadd.s32 $0x7, v21;
	_ =	sdelay $0x1  }
0x276: {  	v14 =	vbroadcast v14, $0x0  }
0x277: {  	v19 =	vmul.f32 v19, v17;
	v18 =	vmul.f32 v18, v17  }
0x278: {  	v16 =	vmul.f32 v16, v17;
	v20 =	vmul.f32 v20, v17  }
0x279: {  	[tilespmem:s29+$0xFFFFFE40] =	vst v18  }
0x27a: {  	[tilespmem:s29+$0xFFFFFE50] =	vst v19  }
0x27b: {  	[tilespmem:s29+$0xFFFFFE70] =	vst v16;
	v16 =	vld [tilespmem:s29+$0xFFFFFEB0]  }
0x27c: {  	[tilespmem:s29+$0xFFFFFE60] =	vst v20;
	v17 =	vld [tilespmem:s29+$0xFFFFFE90]  }
0x27d: {  	v14 =	vld.idx.msk [tilespmem:v14+s17+$0x0], $0xffff  }
0x27e: {  	v18 =	vld [tilespmem:s29+$0xFFFFFE80]  }
0x27f: {  	v19 =	vld [tilespmem:s29+$0xFFFFFEA0];
	_ =	sdelay $0x2  }
0x280: {  	v15 =	vbroadcast v15, $0x0  }
0x281: {  	v17 =	vmul.f32 v17, v14;
	v18 =	vmul.f32 v18, v14  }
0x282: {  	v19 =	vmul.f32 v19, v14;
	v14 =	vmul.f32 v16, v14  }
0x283: {  	[tilespmem:s29+$0xFFFFFE80] =	vst v18  }
0x284: {  	[tilespmem:s29+$0xFFFFFEB0] =	vst v14  }
0x285: {  	[tilespmem:s29+$0xFFFFFEA0] =	vst v19  }
0x286: {  	v14 =	vld [tilespmem:s29+$0xFFFFFEF0]  }
0x287: {  	[tilespmem:s29+$0xFFFFFE90] =	vst v17;
	v16 =	vld [tilespmem:s29+$0xFFFFFED0]  }
0x288: {  	v15 =	vld.idx.msk [tilespmem:v15+s17+$0x0], $0xffff  }
0x289: {  	v17 =	vld [tilespmem:s29+$0xFFFFFEC0]  }
0x28a: {  	v18 =	vld [tilespmem:s29+$0xFFFFFEE0];
	_ =	sdelay $0x3  }
0x28b: {  	v16 =	vmul.f32 v16, v15;
	v17 =	vmul.f32 v17, v15  }
0x28c: {  	v14 =	vmul.f32 v14, v15;
	v18 =	vmul.f32 v18, v15  }
0x28d: {  	[tilespmem:s29+$0xFFFFFEC0] =	vst v17  }
0x28e: {  	v13 =	vbroadcast v13, $0x0;
	[tilespmem:s29+$0xFFFFFED0] =	vst v16  }
0x28f: {  	[tilespmem:s29+$0xFFFFFEF0] =	vst v14;
	_ =	sdelay $0x2  }
0x290: {  	v14 =	vld [tilespmem:s29+$0xFFFFFF30]  }
0x291: {  	[tilespmem:s29+$0xFFFFFEE0] =	vst v18;
	v15 =	vld [tilespmem:s29+$0xFFFFFF10]  }
0x292: {  	v13 =	vld.idx.msk [tilespmem:v13+s17+$0x0], $0xffff  }
0x293: {  	v16 =	vld [tilespmem:s29+$0xFFFFFF00]  }
0x294: {  	v17 =	vld [tilespmem:s29+$0xFFFFFF20];
	_ =	sdelay $0x2  }
0x295: {  	v12 =	vbroadcast v12, $0x0  }
0x296: {  	v15 =	vmul.f32 v15, v13;
	v16 =	vmul.f32 v16, v13  }
0x297: {  	v17 =	vmul.f32 v17, v13;
	v13 =	vmul.f32 v14, v13  }
0x298: {  	[tilespmem:s29+$0xFFFFFF00] =	vst v16  }
0x299: {  	[tilespmem:s29+$0xFFFFFF10] =	vst v15  }
0x29a: {  	[tilespmem:s29+$0xFFFFFF20] =	vst v17;
	v14 =	vld [tilespmem:s29+$0xFFFFFF70]  }
0x29b: {  	[tilespmem:s29+$0xFFFFFF30] =	vst v13;
	v13 =	vld [tilespmem:s29+$0xFFFFFF50]  }
0x29c: {  	v12 =	vld.idx.msk [tilespmem:v12+s17+$0x0], $0xffff  }
0x29d: {  	v15 =	vld [tilespmem:s29+$0xFFFFFF40]  }
0x29e: {  	v16 =	vld [tilespmem:s29+$0xFFFFFF60];
	_ =	sdelay $0x2  }
0x29f: {  	v11 =	vbroadcast v11, $0x0  }
0x2a0: {  	v13 =	vmul.f32 v13, v12;
	v15 =	vmul.f32 v15, v12  }
0x2a1: {  	v16 =	vmul.f32 v16, v12;
	v12 =	vmul.f32 v14, v12  }
0x2a2: {  	[tilespmem:s29+$0xFFFFFF40] =	vst v15  }
0x2a3: {  	[tilespmem:s29+$0xFFFFFF60] =	vst v16  }
0x2a4: {  	[tilespmem:s29+$0xFFFFFF50] =	vst v13;
	v13 =	vld [tilespmem:s29+$0xFFFFFFB0]  }
0x2a5: {  	[tilespmem:s29+$0xFFFFFF70] =	vst v12;
	v12 =	vld [tilespmem:s29+$0xFFFFFF90]  }
0x2a6: {  	v11 =	vld.idx.msk [tilespmem:v11+s17+$0x0], $0xffff  }
0x2a7: {  	v14 =	vld [tilespmem:s29+$0xFFFFFF80]  }
0x2a8: {  	v15 =	vld [tilespmem:s29+$0xFFFFFFA0];
	_ =	sdelay $0x2  }
0x2a9: {  	v10 =	vbroadcast v10, $0x0  }
0x2aa: {  	v12 =	vmul.f32 v12, v11;
	v14 =	vmul.f32 v14, v11  }
0x2ab: {  	v15 =	vmul.f32 v15, v11;
	v11 =	vmul.f32 v13, v11  }
0x2ac: {  	[tilespmem:s29+$0xFFFFFF80] =	vst v14  }
0x2ad: {  	[tilespmem:s29+$0xFFFFFF90] =	vst v12  }
0x2ae: {  	[tilespmem:s29+$0xFFFFFFB0] =	vst v11;
	v11 =	vld [tilespmem:s29+$0xFFFFFFF0]  }
0x2af: {  	[tilespmem:s29+$0xFFFFFFA0] =	vst v15;
	v12 =	vld [tilespmem:s29+$0xFFFFFFD0]  }
0x2b0: {  	v10 =	vld.idx.msk [tilespmem:v10+s17+$0x0], $0xffff  }
0x2b1: {  	v13 =	vld [tilespmem:s29+$0xFFFFFFC0]  }
0x2b2: {  	v14 =	vld [tilespmem:s29+$0xFFFFFFE0];
	_ =	sdelay $0x2  }
0x2b3: {  	v9 =	vbroadcast v9, $0x0  }
0x2b4: {  	v12 =	vmul.f32 v12, v10;
	v13 =	vmul.f32 v13, v10  }
0x2b5: {  	v14 =	vmul.f32 v14, v10;
	v10 =	vmul.f32 v11, v10  }
0x2b6: {  	[tilespmem:s29+$0xFFFFFFC0] =	vst v13  }
0x2b7: {  	[tilespmem:s29+$0xFFFFFFD0] =	vst v12  }
0x2b8: {  	[tilespmem:s29+$0xFFFFFFE0] =	vst v14;
	v11 =	vld [tilespmem:s29+$0x30]  }
0x2b9: {  	[tilespmem:s29+$0xFFFFFFF0] =	vst v10;
	v10 =	vld [tilespmem:s29+$0x10]  }
0x2ba: {  	v9 =	vld.idx.msk [tilespmem:v9+s17+$0x0], $0xffff  }
0x2bb: {  	v12 =	vld [tilespmem:s29+$0x0]  }
0x2bc: {  	v13 =	vld [tilespmem:s29+$0x20];
	_ =	sdelay $0x2  }
0x2bd: {  	v8 =	vbroadcast v8, $0x0  }
0x2be: {  	v10 =	vmul.f32 v10, v9;
	v12 =	vmul.f32 v12, v9  }
0x2bf: {  	v13 =	vmul.f32 v13, v9;
	v9 =	vmul.f32 v11, v9  }
0x2c0: {  	[tilespmem:s29+$0x0] =	vst v12  }
0x2c1: {  	[tilespmem:s29+$0x20] =	vst v13  }
0x2c2: {  	[tilespmem:s29+$0x10] =	vst v10;
	v10 =	vld [tilespmem:s29+$0x70]  }
0x2c3: {  	[tilespmem:s29+$0x30] =	vst v9;
	v9 =	vld [tilespmem:s29+$0x50]  }
0x2c4: {  	v8 =	vld.idx.msk [tilespmem:v8+s17+$0x0], $0xffff  }
0x2c5: {  	v11 =	vld [tilespmem:s29+$0x40]  }
0x2c6: {  	v12 =	vld [tilespmem:s29+$0x60];
	_ =	sdelay $0x2  }
0x2c7: {  	v7 =	vbroadcast v7, $0x0  }
0x2c8: {  	v9 =	vmul.f32 v9, v8;
	v11 =	vmul.f32 v11, v8  }
0x2c9: {  	v12 =	vmul.f32 v12, v8;
	v8 =	vmul.f32 v10, v8  }
0x2ca: {  	[tilespmem:s29+$0x40] =	vst v11  }
0x2cb: {  	[tilespmem:s29+$0x60] =	vst v12  }
0x2cc: {  	[tilespmem:s29+$0x50] =	vst v9;
	v9 =	vld [tilespmem:s29+$0xB0]  }
0x2cd: {  	[tilespmem:s29+$0x70] =	vst v8;
	v8 =	vld [tilespmem:s29+$0x90]  }
0x2ce: {  	v7 =	vld.idx.msk [tilespmem:v7+s17+$0x0], $0xffff  }
0x2cf: {  	v10 =	vld [tilespmem:s29+$0x80]  }
0x2d0: {  	v11 =	vld [tilespmem:s29+$0xA0];
	_ =	sdelay $0x2  }
0x2d1: {  	v6 =	vbroadcast v6, $0x0  }
0x2d2: {  	v8 =	vmul.f32 v8, v7;
	v10 =	vmul.f32 v10, v7  }
0x2d3: {  	v11 =	vmul.f32 v11, v7;
	v7 =	vmul.f32 v9, v7  }
0x2d4: {  	[tilespmem:s29+$0x80] =	vst v10  }
0x2d5: {  	[tilespmem:s29+$0xB0] =	vst v7  }
0x2d6: {  	[tilespmem:s29+$0x90] =	vst v8;
	v9 =	vld [tilespmem:s29+$0xC0]  }
0x2d7: {  	[tilespmem:s29+$0xA0] =	vst v11;
	v7 =	vld [tilespmem:s29+$0xE0]  }
0x2d8: {  	v6 =	vld.idx.msk [tilespmem:v6+s17+$0x0], $0xffff  }
0x2d9: {  	v11 =	vld [tilespmem:s29+$0xD0]  }
.Ltmp4:
0x2da: {  	v8 =	vld [tilespmem:s29+$0xF0];
	(pc) =	sbr.rel @p1 .LBB2_7-.Ltmp4, $3  }
0x2db: {  	_ =	sdelay $0x1  }
0x2dc: {  	v5 =	vbroadcast v5, $0x0  }
0x2dd: {  	v10 =	vmul.f32 v9, v6;
	v9 =	vmul.f32 v11, v6  }
0x2de: {  	_ = 	snop  }
0x2df: {  	v7 =	vmul.f32 v7, v6;
	[tilespmem:s30+$0xC0] =	vst v10  }
0x2e0: {  	v48 =	vmul.f32 v8, v6;
	[tilespmem:s30+$0xD0] =	vst v9  }
0x2e1: {  	[tilespmem:s30+$0xE0] =	vst v7  }
0x2e2: {  	v49 =	vld [tilespmem:s30+$0x100];
	[tilespmem:s30+$0xF0] =	vst v48  }
0x2e3: {  	v5 =	vld.idx.msk [tilespmem:v5+s17+$0x0], $0xffff  }
0x2e4: {  	v50 =	vld [tilespmem:s30+$0x130]  }
0x2e5: {  	v51 =	vld [tilespmem:s30+$0x120]  }
0x2e6: {  	v52 =	vld [tilespmem:s30+$0x110];
	_ =	sdelay $0x1  }
0x2e7: {  	v4 =	vbroadcast v4, $0x0;
	v6 =	vmul.f32 v49, v5  }
0x2e8: {  	v7 =	vmul.f32 v50, v5  }
0x2e9: {  	v8 =	vmul.f32 v51, v5;
	[tilespmem:s30+$0x100] =	vst v6  }
0x2ea: {  	v5 =	vmul.f32 v52, v5;
	[tilespmem:s30+$0x130] =	vst v7  }
0x2eb: {  	[tilespmem:s30+$0x120] =	vst v8  }
0x2ec: {  	v53 =	vld [tilespmem:s30+$0x140];
	[tilespmem:s30+$0x110] =	vst v5  }
0x2ed: {  	v4 =	vld.idx.msk [tilespmem:v4+s17+$0x0], $0xffff  }
0x2ee: {  	v54 =	vld [tilespmem:s30+$0x170]  }
0x2ef: {  	v55 =	vld [tilespmem:s30+$0x150]  }
0x2f0: {  	v56 =	vld [tilespmem:s30+$0x160];
	_ =	sdelay $0x1  }
0x2f1: {  	v3 =	vbroadcast v3, $0x0;
	v5 =	vmul.f32 v53, v4  }
0x2f2: {  	v6 =	vmul.f32 v54, v4  }
0x2f3: {  	v7 =	vmul.f32 v55, v4;
	[tilespmem:s30+$0x140] =	vst v5  }
0x2f4: {  	v4 =	vmul.f32 v56, v4;
	[tilespmem:s30+$0x170] =	vst v6  }
0x2f5: {  	[tilespmem:s30+$0x150] =	vst v7  }
0x2f6: {  	v57 =	vld [tilespmem:s30+$0x180];
	[tilespmem:s30+$0x160] =	vst v4  }
0x2f7: {  	v3 =	vld.idx.msk [tilespmem:v3+s17+$0x0], $0xffff  }
0x2f8: {  	v58 =	vld [tilespmem:s30+$0x1A0]  }
0x2f9: {  	v59 =	vld [tilespmem:s30+$0x190]  }
0x2fa: {  	v60 =	vld [tilespmem:s30+$0x1B0];
	_ =	sdelay $0x1  }
0x2fb: {  	v2 =	vbroadcast v2, $0x0;
	v5 =	vmul.f32 v57, v3  }
0x2fc: {  	v4 =	vmul.f32 v58, v3  }
0x2fd: {  	v6 =	vmul.f32 v59, v3;
	[tilespmem:s30+$0x180] =	vst v5  }
0x2fe: {  	v3 =	vmul.f32 v60, v3;
	[tilespmem:s30+$0x1A0] =	vst v4  }
0x2ff: {  	[tilespmem:s30+$0x190] =	vst v6  }
0x300: {  	[tilespmem:s30+$0x1B0] =	vst v3;
	v3 =	vld [tilespmem:s30+$0x1C0]  }
0x301: {  	v2 =	vld.idx.msk [tilespmem:v2+s17+$0x0], $0xffff  }
0x302: {  	v61 =	vld [tilespmem:s30+$0x1D0]  }
0x303: {  	v62 =	vld [tilespmem:s30+$0x1F0]  }
0x304: {  	v63 =	vld [tilespmem:s30+$0x1E0];
	_ =	sdelay $0x1  }
0x305: {  	v3 =	vmul.f32 v3, v2  }
0x306: {  	v4 =	vmul.f32 v61, v2  }
0x307: {  	[tilespmem:s30+$0x1C0] =	vst v3;
	v3 =	vmul.f32 v62, v2  }
0x308: {  	[tilespmem:s30+$0x1D0] =	vst v4;
	v2 =	vmul.f32 v63, v2  }
0x309: {  	[tilespmem:s30+$0x1F0] =	vst v3  }
.Ltmp5:
0x30a: {  	s0 =	sadd.s32 $0x4F00, s28;
	[tilespmem:s30+$0x1E0] =	vst v2;
	(pc) =	sbr.rel @p0 .LBB2_10-.Ltmp5, $4  }
0x30b: {  	[spmem:s2] =	stream.indirect.scatter.add.f32 [tilespmem:s20], [sflag:$0x3], $0x40, s0, s19, $0xb8;
	[tilespmem:$0x1C940] =	vst v63  }
0x30c: {  	_ =	swait.ge [sflag:s15], $0x2000  }
0x30d: {  	[sflag:s15] =	ssyncset.done $0x0  }
0x30e: {  	[sflag:s15] =	ssyncadd.s32 $0xFFFFE000  }
.Ltmp6:
0x30f: {  	(pc) =	sbr.rel .LBB2_4-.Ltmp6, $3  }
0x310: {  	_ =	sdelay $0x1  }
0x311: {  	s0 =	sadd.s32 $0x180, s26;
	s25 =	sadd.s32 $0x1, s25;
	s24 =	sadd.s32 $0x100, s24  }
0x312: {  	[tilespmem:s20], [sflag:$0x2] =	stream.indirect.gather [hbm4b:s4+s19], $0x40, s0, s19, $0xb8;
	[tilespmem:$0x1C940] =	vst v63  }
.LBB2_11:
0x313: {  	_ =	sfence.sel $0x180000  }
0x314: {  	[bflag:$0x0] =	sbarrier.arrive $0xFFFF  }
0x315: {  	_ =	strace $0x90000047  }
0x316: {  	s0 =	stileid.u32;
	[bflag:$0x2] =	sbarrier.arrive $0xFFFF  }
0x317: {  	p0 =	sne.s32 s0, $0x0;
	s0 =	rddreg [dreg:$0x3]  }
0x318: {  	s0 =	sadd.s32 @!p0 $0x100000, s0  }
0x319: {  	[sflag:s0] =	ssyncadd.tile.s32 @!p0 $0x1;
	_ =	shalt  }
.Lfunc_end2:
_tile_overlayer_lowered:
.L_overlay_start_2:
0x31a: {  	(tag) =	ssettag $0x2  }
0x31b: {  	s0 =	rddreg [dreg:$0x0];
	s2 =	stileid.u32  }
0x31c: {  	s1 =	rddreg [dreg:$0x1];
	p0 =	sne.s32 s2, $0x0  }
0x31d: {  	s3 =	rddreg [dreg:$0x2];
	[bflag:$0x3] =	sbarrier.arrive $0xFFFF;
	s2 =	simm.s32 @!p0 $0x1C03  }
0x31e: {  	[timem:s3], [sflag:s2] =	dma.local @!p0 [hbm:s0], s1  }
0x31f: {  	s0 =	simm.s32 @!p0 $0x3  }
0x320: {  	_ =	swait.ge @!p0 [sflag:s0], s1  }
0x321: {  	s1 =	ssub.s32 @!p0 $0x0, s1;
	[sflag:s0] =	ssyncset.done @!p0 $0x0  }
0x322: {  	[sflag:s0] =	ssyncadd.s32 @!p0 s1  }
0x323: {  	[bflag:$0x3] =	sbarrier.arrive $0xFFFF  }
0x324: {  	_ =	shalt  }

</sc_bundles>
